<compile_context>
chip_gen: v7x
topology: tpu7x:2x2x1
jax: 0.10.2.dev20260603
libtpu: 0.0.44.dev20260713+nightly
codegen_flags: <defaults>
</compile_context>

<pallas_src>
import functools

import jax
import jax.numpy as jnp
from jax import lax
from jax.experimental import pallas as pl
from jax.experimental.pallas import tpu as pltpu
from jax.experimental.pallas import tpu_sc as plsc

D = 1024
B = 4096
NLEAF = 4

T = 512
NT = B // T + NLEAF - 1
ROWS = NT * T
NTPAD = 32

NC = 2
NS = 16
NW = NC * NS
RPW = B // NW
VPW = RPW // 16
NV = B // 16
D2 = D // 2
CHX = 64
NCHX = RPW // CHX
CH = 32
NCH = RPW // CH

GB = 512
GL = 128


def _gate_body(x_ref, wg_ref, idx_ref, xp_ref):
    logits = jnp.dot(x_ref[...], wg_ref[...],
                     preferred_element_type=jnp.float32)
    m = jnp.max(logits, axis=1, keepdims=True)
    lane = lax.broadcasted_iota(jnp.int32, logits.shape, 1)
    first = jnp.min(jnp.where(logits == m, lane, NLEAF - 1), axis=1)
    idx_ref[0, :] = first.astype(jnp.int32)
    x = x_ref[...]
    u0 = jax.lax.bitcast_convert_type(x[:, :D2], jnp.int32)
    u1 = jax.lax.bitcast_convert_type(x[:, D2:], jnp.int32)
    r0 = (u0 + 0x7FFF + ((u0 >> 16) & 1)) >> 16
    r1 = (u1 + 0x7FFF + ((u1 >> 16) & 1)) >> 16
    xp_ref[...] = (r0 & 0xFFFF) | (r1 << 16)


_gate = pl.pallas_call(
    _gate_body,
    grid=(B // GB,),
    in_specs=[
        pl.BlockSpec((GB, D), lambda i: (i, 0)),
        pl.BlockSpec((D, NLEAF), lambda i: (0, 0)),
    ],
    out_specs=[
        pl.BlockSpec((1, GB), lambda i: (0, i)),
        pl.BlockSpec((GB, D2), lambda i: (i, 0)),
    ],
    out_shape=[
        jax.ShapeDtypeStruct((1, B), jnp.int32),
        jax.ShapeDtypeStruct((B, D2), jnp.int32),
    ],
)


def _dispatch_body(idx_hbm, x_hbm, xs_hbm, pos_hbm, eid_hbm,
                   idxv, posv, posv2, buf0, buf1, eidv,
                   sem_i, sem_g0, sem_g1):
    c = lax.axis_index("c")
    s = lax.axis_index("s")
    wid = s * NC + c
    rbase = wid * RPW
    vlo = wid * VPW

    bufs = (buf0, buf1)
    gsems = (sem_g0, sem_g1)

    cp_idx = pltpu.async_copy(idx_hbm, idxv, sem_i)
    g = [None] * NCHX
    for k in range(NCHX):
        g[k] = pltpu.async_copy(x_hbm.at[pl.ds(rbase + k * CHX, CHX)],
                                bufs[k], gsems[k])
    cp_idx.wait()

    zeros = jnp.zeros((16,), jnp.int32)

    def body(j, carry):
        cs = list(carry[:NLEAF])
        ps = list(carry[NLEAF:])
        v = idxv[0, pl.ds(j * 16, 16)]
        pred = j < vlo
        for e in range(NLEAF):
            n = jnp.where(v == e, 1, 0)
            cs[e] = cs[e] + n
            ps[e] = ps[e] + jnp.where(pred, n, 0)
        return tuple(cs) + tuple(ps)

    res = lax.fori_loop(0, NV, body, (zeros,) * (2 * NLEAF))
    cnt = [jnp.sum(res[e]) for e in range(NLEAF)]
    pre = [jnp.sum(res[NLEAF + e]) for e in range(NLEAF)]

    nt = [(cnt[e] + (T - 1)) // T for e in range(NLEAF)]
    cums = []
    acc = jnp.int32(0)
    for e in range(NLEAF):
        acc = acc + nt[e]
        cums.append(acc)
    poff = [jnp.int32(0)] + [cums[e] * T for e in range(NLEAF - 1)]
    base = [poff[e] + pre[e] for e in range(NLEAF)]

    for k in range(NTPAD // 16):
        t = lax.iota(jnp.int32, 16) + 16 * k
        eid = zeros
        for e in range(NLEAF):
            eid = eid + jnp.where(t >= cums[e], 1, 0)
        eidv[pl.ds(16 * k, 16)] = eid

    @pl.when(wid == 0)
    def _():
        pltpu.sync_copy(eidv, eid_hbm)

    carry = base
    for jj in range(VPW):
        v = idxv[0, pl.ds(rbase + jj * 16, 16)]
        p = zeros
        nxt = []
        for e in range(NLEAF):
            m = v == e
            one = jnp.where(m, 1, 0)
            ci = plsc.cumsum(one)
            p = jnp.where(m, carry[e] + ci - 1, p)
            nxt.append(carry[e] + jnp.sum(one))
        carry = nxt
        posv[jj // (CH // 16), pl.ds((jj % (CH // 16)) * 16, 16)] = p
        posv2[jj // (CHX // 16), pl.ds((jj % (CHX // 16)) * 16, 16)] = p

    pltpu.sync_copy(posv, pos_hbm.at[pl.ds(wid * NCH, NCH)])

    sc = [None] * NCHX
    for k in range(NCHX):
        g[k].wait()
        sc[k] = pltpu.async_copy(bufs[k], xs_hbm.at[posv2.at[k]], gsems[k])
    for k in range(NCHX):
        sc[k].wait()


def _tree_body(eid_ref, xs_ref, wl_ref, wm_ref, wr_ref, o_ref):
    e = eid_ref[pl.program_id(0)]

    @pl.when(e < NLEAF)
    def _():
        w = xs_ref[...]
        f0 = jax.lax.bitcast_convert_type(w << 16, jnp.float32)
        f1 = jax.lax.bitcast_convert_type(w & jnp.int32(-65536),
                                          jnp.float32)
        wl = wl_ref[0]
        h = (jnp.dot(f0, wl[:D2, :], preferred_element_type=jnp.float32)
             + jnp.dot(f1, wl[D2:, :], preferred_element_type=jnp.float32))
        h = jnp.maximum(h, 0.0)
        h = jnp.dot(h, wm_ref[0], preferred_element_type=jnp.float32)
        h = jnp.maximum(h, 0.0)
        h = jnp.dot(h, wr_ref[...], preferred_element_type=jnp.float32)
        o_ref[...] = jnp.maximum(h, 0.0)


def _leaf_ix(t, eid):
    return jnp.minimum(eid[t], NLEAF - 1)


def _row_ix(t, eid):
    return jnp.where(eid[t] < NLEAF, t, NT - 1)


_tree = pl.pallas_call(
    _tree_body,
    grid_spec=pltpu.PrefetchScalarGridSpec(
        num_scalar_prefetch=1,
        grid=(NT,),
        in_specs=[
            pl.BlockSpec((T, D2), lambda t, eid: (_row_ix(t, eid), 0)),
            pl.BlockSpec((1, D, D), lambda t, eid: (_leaf_ix(t, eid), 0, 0)),
            pl.BlockSpec((1, D, D),
                         lambda t, eid: (_leaf_ix(t, eid) // 2, 0, 0)),
            pl.BlockSpec((D, D), lambda t, eid: (0, 0)),
        ],
        out_specs=pl.BlockSpec((T, D), lambda t, eid: (_row_ix(t, eid), 0)),
    ),
    out_shape=jax.ShapeDtypeStruct((ROWS, D), jnp.float32),
)


def _ungather_body(ys_hbm, pos_hbm, out_hbm, posv, buf0, buf1, buf2,
                   sem_g0, sem_g1, sem_g2, sem_w0, sem_w1, sem_w2):
    c = lax.axis_index("c")
    s = lax.axis_index("s")
    wid = s * NC + c
    rbase = wid * RPW
    bufs = (buf0, buf1, buf2)
    gsems = (sem_g0, sem_g1, sem_g2)
    wsems = (sem_w0, sem_w1, sem_w2)
    nb = 3
    pltpu.sync_copy(pos_hbm.at[pl.ds(wid * NCH, NCH)], posv)
    g = [None] * NCH
    for k in range(nb):
        g[k] = pltpu.async_copy(ys_hbm.at[posv.at[k]], bufs[k], gsems[k])
    w = [None] * NCH
    for k in range(NCH):
        g[k].wait()
        w[k] = pltpu.async_copy(bufs[k % nb],
                                out_hbm.at[pl.ds(rbase + k * CH, CH)],
                                wsems[k % nb])
        if k + nb < NCH:
            w[k].wait()
            g[k + nb] = pltpu.async_copy(ys_hbm.at[posv.at[k + nb]],
                                         bufs[k % nb], gsems[k % nb])
    for k in range(NCH):
        if w[k] is not None and k >= NCH - nb:
            w[k].wait()


@functools.lru_cache(maxsize=1)
def _sc_kernels():
    mesh = plsc.VectorSubcoreMesh(core_axis_name="c", subcore_axis_name="s",
                                  num_cores=NC, num_subcores=NS)
    params = pltpu.CompilerParams(needs_layout_passes=False)
    dispatch = pl.kernel(
        _dispatch_body,
        mesh=mesh,
        compiler_params=params,
        out_type=[
            jax.ShapeDtypeStruct((ROWS, D2), jnp.int32),
            jax.ShapeDtypeStruct((B // CH, CH), jnp.int32),
            jax.ShapeDtypeStruct((NTPAD,), jnp.int32),
        ],
        scratch_types=[
            pltpu.VMEM((1, B), jnp.int32),
            pltpu.VMEM((NCH, CH), jnp.int32),
            pltpu.VMEM((NCHX, CHX), jnp.int32),
            pltpu.VMEM((CHX, D2), jnp.int32),
            pltpu.VMEM((CHX, D2), jnp.int32),
            pltpu.VMEM((NTPAD,), jnp.int32),
            pltpu.SemaphoreType.DMA,
            pltpu.SemaphoreType.DMA,
            pltpu.SemaphoreType.DMA,
        ],
    )
    ungather = pl.kernel(
        _ungather_body,
        mesh=mesh,
        compiler_params=params,
        out_type=jax.ShapeDtypeStruct((B, D), jnp.float32),
        scratch_types=[
            pltpu.VMEM((NCH, CH), jnp.int32),
            pltpu.VMEM((CH, D), jnp.float32),
            pltpu.VMEM((CH, D), jnp.float32),
            pltpu.VMEM((CH, D), jnp.float32),
            pltpu.SemaphoreType.DMA,
            pltpu.SemaphoreType.DMA,
            pltpu.SemaphoreType.DMA,
            pltpu.SemaphoreType.DMA,
            pltpu.SemaphoreType.DMA,
            pltpu.SemaphoreType.DMA,
        ],
    )
    return dispatch, ungather


def kernel(x, W_leaf, b_leaf, W_mid, b_mid, W_root, b_root, W_gate, b_gate):
    _dispatch, _ungather = _sc_kernels()
    idx, xp = _gate(x, W_gate)
    xs, pos, eid = _dispatch(idx, xp)
    ys = _tree(eid, xs, W_leaf, W_mid, W_root)
    return _ungather(ys, pos)

# --- scband reference (transcript-rebuilt; emitter-appended) ---
"""Pipeline reference for scband-tree-model-17523466568298 (READ-ONLY COPY).

The authoritative reference and input builder live on the scoring server;
editing this copy changes nothing except your own understanding.
"""

import jax, jax.numpy as jnp
import numpy as np

D = 1024
B = 4096
NLEAF = 4


def setup_inputs(seed: int = 0) -> dict:
    key = jax.random.key(seed)
    ks = jax.random.split(key, 8)
    s = 1.0 / np.sqrt(D)
    return {
        "x": jax.random.normal(ks[0], (B, D), dtype=jnp.float32),
        "W_leaf": jax.random.normal(ks[1], (NLEAF, D, D), dtype=jnp.float32) * s,
        "b_leaf": jnp.zeros((NLEAF, D), dtype=jnp.float32),
        "W_mid": jax.random.normal(ks[2], (2, D, D), dtype=jnp.float32) * s,
        "b_mid": jnp.zeros((2, D), dtype=jnp.float32),
        "W_root": jax.random.normal(ks[3], (D, D), dtype=jnp.float32) * s,
        "b_root": jnp.zeros((D,), dtype=jnp.float32),
        "W_gate": jax.random.normal(ks[4], (D, NLEAF), dtype=jnp.float32) * s,
        "b_gate": jnp.zeros((NLEAF,), dtype=jnp.float32),
    }


def reference(x, W_leaf, b_leaf, W_mid, b_mid, W_root, b_root, W_gate, b_gate):
    # gate: hard argmax routing (torch.max(...).indices)
    gate_logits = x @ W_gate + b_gate                      # [B, NLEAF]
    idx = jnp.argmax(gate_logits, axis=1)                  # [B] leaf index per token

    # leaf level: each leaf is Linear(D,D)+ReLU; compute all leaves for all tokens
    h1 = jax.nn.relu(jnp.einsum('bd,ldo->lbo', x, W_leaf) + b_leaf[:, None, :])   # [NLEAF,B,D]

    # mid level: leaves (0,1) share parent 0, leaves (2,3) share parent 1
    parent_of_leaf = jnp.array([0, 0, 1, 1], dtype=jnp.int32)
    W_mid_pl = W_mid[parent_of_leaf]                       # [NLEAF, D, D]
    b_mid_pl = b_mid[parent_of_leaf]                       # [NLEAF, D]
    h2 = jax.nn.relu(jnp.einsum('lbd,ldo->lbo', h1, W_mid_pl) + b_mid_pl[:, None, :])

    # root level: shared Linear(D,D)+ReLU
    h3 = jax.nn.relu(jnp.einsum('lbd,do->lbo', h2, W_root) + b_root)              # [NLEAF,B,D]

    # per-token selection of its routed leaf path (gather)
    out = h3[idx, jnp.arange(B)]                           # [B, D]
    return out

if __name__ == "__main__":
    import jax
    _d = setup_inputs()
    print(jax.jit(kernel)(*tuple(_d.values())))

</pallas_src>

<mosaic_0001>
#map = affine_map<(d0, d1) -> (0, 0)>
#map1 = affine_map<(d0, d1) -> (0)>
module attributes {stable_mosaic.version = 14 : i64} {
  func.func @_dispatch_body(%arg0: i32, %arg1: i32, %arg2: memref<1x4096xi32, #tpu.memory_space<hbm>>, %arg3: memref<4096x512xi32, #tpu.memory_space<hbm>>, %arg4: memref<5632x512xi32, #tpu.memory_space<hbm>>, %arg5: memref<128x32xi32, #tpu.memory_space<hbm>>, %arg6: memref<32xi32, #tpu.memory_space<hbm>>, %arg7: memref<1x4096xi32, #tpu.memory_space<vmem>>, %arg8: memref<4x32xi32, #tpu.memory_space<vmem>>, %arg9: memref<2x64xi32, #tpu.memory_space<vmem>>, %arg10: memref<64x512xi32, #tpu.memory_space<vmem>>, %arg11: memref<64x512xi32, #tpu.memory_space<vmem>>, %arg12: memref<32xi32, #tpu.memory_space<vmem>>, %arg13: memref<!tpu.dma_semaphore, #tpu.memory_space<semaphore_mem>>, %arg14: memref<!tpu.dma_semaphore, #tpu.memory_space<semaphore_mem>>, %arg15: memref<!tpu.dma_semaphore, #tpu.memory_space<semaphore_mem>>) attributes {dimension_semantics = [#tpu.dimension_semantics<core_parallel>, #tpu.dimension_semantics<subcore_parallel>], iteration_bounds = array<i64: 2, 16>, scalar_prefetch = 0 : i64, scratch_operands = 9 : i64, tpu.core_type = #tpu.core_type<sc_vector_subcore>, window_params = [{transform_indices = #map}, {transform_indices = #map}, {transform_indices = #map}, {transform_indices = #map}, {transform_indices = #map1}]} {
    %mul3A = arith.constant 2 : i32
    %mul3A_0 = arith.muli %arg1, %mul3A : i32
    %add3A = arith.addi %mul3A_0, %arg0 : i32
    %mul3A_1 = arith.constant 128 : i32
    %mul3A_2 = arith.muli %add3A, %mul3A_1 : i32
    %mul3A_3 = arith.constant 8 : i32
    %mul3A_4 = arith.muli %add3A, %mul3A_3 : i32
    tpu.enqueue_dma source(%arg2 : memref<1x4096xi32, #tpu.memory_space<hbm>>) target(%arg7 : memref<1x4096xi32, #tpu.memory_space<vmem>>) target_semaphore(%arg13 : memref<!tpu.dma_semaphore, #tpu.memory_space<semaphore_mem>>)
    %add3A_5 = arith.constant 0 : i32
    %add3A_6 = arith.addi %mul3A_2, %add3A_5 : i32
    %dma_start3A = arith.constant 0 : i32
    %dma_start3A_7 = tpu.memref_slice %arg3[%add3A_6, %dma_start3A] : memref<4096x512xi32, #tpu.memory_space<hbm>> -> memref<64x512xi32, #tpu.memory_space<hbm>>
    %dma_start3A_8 = arith.constant 0 : i32
    %dma_start3A_9 = tpu.memref_slice %arg3[%add3A_6, %dma_start3A_8] : memref<4096x512xi32, #tpu.memory_space<hbm>> -> memref<64x512xi32, #tpu.memory_space<hbm>>
    tpu.enqueue_dma source(%dma_start3A_9 : memref<64x512xi32, #tpu.memory_space<hbm>>) target(%arg10 : memref<64x512xi32, #tpu.memory_space<vmem>>) target_semaphore(%arg14 : memref<!tpu.dma_semaphore, #tpu.memory_space<semaphore_mem>>)
    %add3A_10 = arith.constant 64 : i32
    %add3A_11 = arith.addi %mul3A_2, %add3A_10 : i32
    %dma_start3A_12 = arith.constant 0 : i32
    %dma_start3A_13 = tpu.memref_slice %arg3[%add3A_11, %dma_start3A_12] : memref<4096x512xi32, #tpu.memory_space<hbm>> -> memref<64x512xi32, #tpu.memory_space<hbm>>
    %dma_start3A_14 = arith.constant 0 : i32
    %dma_start3A_15 = tpu.memref_slice %arg3[%add3A_11, %dma_start3A_14] : memref<4096x512xi32, #tpu.memory_space<hbm>> -> memref<64x512xi32, #tpu.memory_space<hbm>>
    tpu.enqueue_dma source(%dma_start3A_15 : memref<64x512xi32, #tpu.memory_space<hbm>>) target(%arg11 : memref<64x512xi32, #tpu.memory_space<vmem>>) target_semaphore(%arg15 : memref<!tpu.dma_semaphore, #tpu.memory_space<semaphore_mem>>)
    tpu.wait_dma2 semaphore(%arg13 : memref<!tpu.dma_semaphore, #tpu.memory_space<semaphore_mem>>) src(%arg2 : memref<1x4096xi32, #tpu.memory_space<hbm>>) dst(%arg7 : memref<1x4096xi32, #tpu.memory_space<vmem>>)
    %broadcast_in_dim3A = arith.constant 0 : i32
    %broadcast_in_dim3A_16 = vector.broadcast %broadcast_in_dim3A : i32 to vector<16xi32>
    %scan3A = arith.constant 0 : i32
    %scan3A_17 = arith.constant 256 : i32
    %scan3A_18 = arith.addi %scan3A, %scan3A_17 : i32
    %scan3A_19 = arith.constant 1 : i32
    %scan3A_20:8 = scf.for %scan3A_1091 = %scan3A to %scan3A_18 step %scan3A_19 iter_args(%scan3A_1092 = %broadcast_in_dim3A_16, %scan3A_1093 = %broadcast_in_dim3A_16, %scan3A_1094 = %broadcast_in_dim3A_16, %scan3A_1095 = %broadcast_in_dim3A_16, %scan3A_1096 = %broadcast_in_dim3A_16, %scan3A_1097 = %broadcast_in_dim3A_16, %scan3A_1098 = %broadcast_in_dim3A_16, %scan3A_1099 = %broadcast_in_dim3A_16) -> (vector<16xi32>, vector<16xi32>, vector<16xi32>, vector<16xi32>, vector<16xi32>, vector<16xi32>, vector<16xi32>, vector<16xi32>)  : i32 {
      %mul3A_1100 = arith.constant 16 : i32
      %mul3A_1101 = arith.muli %scan3A_1091, %mul3A_1100 : i32
      %get3A_1102 = arith.constant 0 : i32
      %get3A_1103 = arith.index_cast %get3A_1102 : i32 to index
      %get3A_1104 = arith.index_cast %mul3A_1101 : i32 to index
      %get3A_1105 = tpu.vector_load %arg7[%get3A_1103, %get3A_1104] {strides = array<i32>} : memref<1x4096xi32, #tpu.memory_space<vmem>>, vector<16xi32>,
      %lt3A = arith.cmpi slt, %scan3A_1091, %mul3A_4 : i32
      %eq3A_1106 = arith.constant 0 : i32
      %eq3A_1107 = vector.broadcast %eq3A_1106 : i32 to vector<16xi32>
      %eq3A_1108 = arith.cmpi eq, %get3A_1105, %eq3A_1107 : vector<16xi32>
      %jit3A_1109 = arith.constant 1 : i32
      %jit3A_1110 = arith.constant 0 : i32
      %broadcast_in_dim3A_1111 = vector.broadcast %jit3A_1109 : i32 to vector<16xi32>
      %broadcast_in_dim3A_1112 = vector.broadcast %jit3A_1110 : i32 to vector<16xi32>
      %select_n3A_1113 = arith.select %eq3A_1108, %broadcast_in_dim3A_1111, %broadcast_in_dim3A_1112 : vector<16xi1>, vector<16xi32>
      %add3A_1114 = arith.addi %scan3A_1092, %select_n3A_1113 : vector<16xi32>
      %jit3A_1115 = arith.constant 0 : i32
      %broadcast_in_dim3A_1116 = vector.broadcast %jit3A_1115 : i32 to vector<16xi32>
      %select_n3A_1117 = arith.select %lt3A, %select_n3A_1113, %broadcast_in_dim3A_1116 : vector<16xi32>
      %add3A_1118 = arith.addi %scan3A_1096, %select_n3A_1117 : vector<16xi32>
      %eq3A_1119 = arith.constant 1 : i32
      %eq3A_1120 = vector.broadcast %eq3A_1119 : i32 to vector<16xi32>
      %eq3A_1121 = arith.cmpi eq, %get3A_1105, %eq3A_1120 : vector<16xi32>
      %jit3A_1122 = arith.constant 1 : i32
      %jit3A_1123 = arith.constant 0 : i32
      %broadcast_in_dim3A_1124 = vector.broadcast %jit3A_1122 : i32 to vector<16xi32>
      %broadcast_in_dim3A_1125 = vector.broadcast %jit3A_1123 : i32 to vector<16xi32>
      %select_n3A_1126 = arith.select %eq3A_1121, %broadcast_in_dim3A_1124, %broadcast_in_dim3A_1125 : vector<16xi1>, vector<16xi32>
      %add3A_1127 = arith.addi %scan3A_1093, %select_n3A_1126 : vector<16xi32>
      %jit3A_1128 = arith.constant 0 : i32
      %broadcast_in_dim3A_1129 = vector.broadcast %jit3A_1128 : i32 to vector<16xi32>
      %select_n3A_1130 = arith.select %lt3A, %select_n3A_1126, %broadcast_in_dim3A_1129 : vector<16xi32>
      %add3A_1131 = arith.addi %scan3A_1097, %select_n3A_1130 : vector<16xi32>
      %eq3A_1132 = arith.constant 2 : i32
      %eq3A_1133 = vector.broadcast %eq3A_1132 : i32 to vector<16xi32>
      %eq3A_1134 = arith.cmpi eq, %get3A_1105, %eq3A_1133 : vector<16xi32>
      %jit3A_1135 = arith.constant 1 : i32
      %jit3A_1136 = arith.constant 0 : i32
      %broadcast_in_dim3A_1137 = vector.broadcast %jit3A_1135 : i32 to vector<16xi32>
      %broadcast_in_dim3A_1138 = vector.broadcast %jit3A_1136 : i32 to vector<16xi32>
      %select_n3A_1139 = arith.select %eq3A_1134, %broadcast_in_dim3A_1137, %broadcast_in_dim3A_1138 : vector<16xi1>, vector<16xi32>
      %add3A_1140 = arith.addi %scan3A_1094, %select_n3A_1139 : vector<16xi32>
      %jit3A_1141 = arith.constant 0 : i32
      %broadcast_in_dim3A_1142 = vector.broadcast %jit3A_1141 : i32 to vector<16xi32>
      %select_n3A_1143 = arith.select %lt3A, %select_n3A_1139, %broadcast_in_dim3A_1142 : vector<16xi32>
      %add3A_1144 = arith.addi %scan3A_1098, %select_n3A_1143 : vector<16xi32>
      %eq3A_1145 = arith.constant 3 : i32
      %eq3A_1146 = vector.broadcast %eq3A_1145 : i32 to vector<16xi32>
      %eq3A_1147 = arith.cmpi eq, %get3A_1105, %eq3A_1146 : vector<16xi32>
      %jit3A_1148 = arith.constant 1 : i32
      %jit3A_1149 = arith.constant 0 : i32
      %broadcast_in_dim3A_1150 = vector.broadcast %jit3A_1148 : i32 to vector<16xi32>
      %broadcast_in_dim3A_1151 = vector.broadcast %jit3A_1149 : i32 to vector<16xi32>
      %select_n3A_1152 = arith.select %eq3A_1147, %broadcast_in_dim3A_1150, %broadcast_in_dim3A_1151 : vector<16xi1>, vector<16xi32>
      %add3A_1153 = arith.addi %scan3A_1095, %select_n3A_1152 : vector<16xi32>
      %jit3A_1154 = arith.constant 0 : i32
      %broadcast_in_dim3A_1155 = vector.broadcast %jit3A_1154 : i32 to vector<16xi32>
      %select_n3A_1156 = arith.select %lt3A, %select_n3A_1152, %broadcast_in_dim3A_1155 : vector<16xi32>
      %add3A_1157 = arith.addi %scan3A_1099, %select_n3A_1156 : vector<16xi32>
      scf.yield %add3A_1114, %add3A_1127, %add3A_1140, %add3A_1153, %add3A_1118, %add3A_1131, %add3A_1144, %add3A_1157 : vector<16xi32>, vector<16xi32>, vector<16xi32>, vector<16xi32>, vector<16xi32>, vector<16xi32>, vector<16xi32>, vector<16xi32>
    }
    %scan3A_21 = arith.constant 256 : i32
    %reduce_sum3A = arith.constant true
    %reduce_sum3A_22 = vector.broadcast %reduce_sum3A : i1 to vector<16xi1>
    %reduce_sum3A_23 = tpu.scan <sum>, %scan3A_20#0 masked %reduce_sum3A_22 : vector<16xi32>, vector<16xi1> -> vector<16xi32>
    %reduce_sum3A_24 = vector.extract %reduce_sum3A_23[15] : i32 from vector<16xi32>
    %reduce_sum3A_25 = arith.constant true
    %reduce_sum3A_26 = vector.broadcast %reduce_sum3A_25 : i1 to vector<16xi1>
    %reduce_sum3A_27 = tpu.scan <sum>, %scan3A_20#1 masked %reduce_sum3A_26 : vector<16xi32>, vector<16xi1> -> vector<16xi32>
    %reduce_sum3A_28 = vector.extract %reduce_sum3A_27[15] : i32 from vector<16xi32>
    %reduce_sum3A_29 = arith.constant true
    %reduce_sum3A_30 = vector.broadcast %reduce_sum3A_29 : i1 to vector<16xi1>
    %reduce_sum3A_31 = tpu.scan <sum>, %scan3A_20#2 masked %reduce_sum3A_30 : vector<16xi32>, vector<16xi1> -> vector<16xi32>
    %reduce_sum3A_32 = vector.extract %reduce_sum3A_31[15] : i32 from vector<16xi32>
    %reduce_sum3A_33 = arith.constant true
    %reduce_sum3A_34 = vector.broadcast %reduce_sum3A_33 : i1 to vector<16xi1>
    %reduce_sum3A_35 = tpu.scan <sum>, %scan3A_20#3 masked %reduce_sum3A_34 : vector<16xi32>, vector<16xi1> -> vector<16xi32>
    %reduce_sum3A_36 = vector.extract %reduce_sum3A_35[15] : i32 from vector<16xi32>
    %reduce_sum3A_37 = arith.constant true
    %reduce_sum3A_38 = vector.broadcast %reduce_sum3A_37 : i1 to vector<16xi1>
    %reduce_sum3A_39 = tpu.scan <sum>, %scan3A_20#4 masked %reduce_sum3A_38 : vector<16xi32>, vector<16xi1> -> vector<16xi32>
    %reduce_sum3A_40 = vector.extract %reduce_sum3A_39[15] : i32 from vector<16xi32>
    %reduce_sum3A_41 = arith.constant true
    %reduce_sum3A_42 = vector.broadcast %reduce_sum3A_41 : i1 to vector<16xi1>
    %reduce_sum3A_43 = tpu.scan <sum>, %scan3A_20#5 masked %reduce_sum3A_42 : vector<16xi32>, vector<16xi1> -> vector<16xi32>
    %reduce_sum3A_44 = vector.extract %reduce_sum3A_43[15] : i32 from vector<16xi32>
    %reduce_sum3A_45 = arith.constant true
    %reduce_sum3A_46 = vector.broadcast %reduce_sum3A_45 : i1 to vector<16xi1>
    %reduce_sum3A_47 = tpu.scan <sum>, %scan3A_20#6 masked %reduce_sum3A_46 : vector<16xi32>, vector<16xi1> -> vector<16xi32>
    %reduce_sum3A_48 = vector.extract %reduce_sum3A_47[15] : i32 from vector<16xi32>
    %reduce_sum3A_49 = arith.constant true
    %reduce_sum3A_50 = vector.broadcast %reduce_sum3A_49 : i1 to vector<16xi1>
    %reduce_sum3A_51 = tpu.scan <sum>, %scan3A_20#7 masked %reduce_sum3A_50 : vector<16xi32>, vector<16xi1> -> vector<16xi32>
    %reduce_sum3A_52 = vector.extract %reduce_sum3A_51[15] : i32 from vector<16xi32>
    %add3A_53 = arith.constant 511 : i32
    %add3A_54 = arith.addi %reduce_sum3A_24, %add3A_53 : i32
    %jit3A = arith.constant 512 : i32
    %div3A = arith.divsi %add3A_54, %jit3A : i32
    %sign3A = arith.constant 0 : i32
    %sign3A_55 = arith.cmpi sgt, %add3A_54, %sign3A : i32
    %sign3A_56 = arith.extui %sign3A_55 : i1 to i32
    %sign3A_57 = arith.constant 0 : i32
    %sign3A_58 = arith.cmpi slt, %add3A_54, %sign3A_57 : i32
    %sign3A_59 = arith.extui %sign3A_58 : i1 to i32
    %sign3A_60 = arith.subi %sign3A_56, %sign3A_59 : i32
    %sign3A_61 = arith.constant 0 : i32
    %sign3A_62 = arith.cmpi sgt, %jit3A, %sign3A_61 : i32
    %sign3A_63 = arith.extui %sign3A_62 : i1 to i32
    %sign3A_64 = arith.constant 0 : i32
    %sign3A_65 = arith.cmpi slt, %jit3A, %sign3A_64 : i32
    %sign3A_66 = arith.extui %sign3A_65 : i1 to i32
    %sign3A_67 = arith.subi %sign3A_63, %sign3A_66 : i32
    %ne3A = arith.cmpi ne, %sign3A_60, %sign3A_67 : i32
    %rem3A = arith.remsi %add3A_54, %jit3A : i32
    %ne3A_68 = arith.constant 0 : i32
    %ne3A_69 = arith.cmpi ne, %rem3A, %ne3A_68 : i32
    %and3A = arith.andi %ne3A, %ne3A_69 : i1
    %sub3A = arith.constant 1 : i32
    %sub3A_70 = arith.subi %div3A, %sub3A : i32
    %select_n3A = arith.select %and3A, %sub3A_70, %div3A : i32
    %add3A_71 = arith.constant 511 : i32
    %add3A_72 = arith.addi %reduce_sum3A_28, %add3A_71 : i32
    %jit3A_73 = arith.constant 512 : i32
    %div3A_74 = arith.divsi %add3A_72, %jit3A_73 : i32
    %sign3A_75 = arith.constant 0 : i32
    %sign3A_76 = arith.cmpi sgt, %add3A_72, %sign3A_75 : i32
    %sign3A_77 = arith.extui %sign3A_76 : i1 to i32
    %sign3A_78 = arith.constant 0 : i32
    %sign3A_79 = arith.cmpi slt, %add3A_72, %sign3A_78 : i32
    %sign3A_80 = arith.extui %sign3A_79 : i1 to i32
    %sign3A_81 = arith.subi %sign3A_77, %sign3A_80 : i32
    %sign3A_82 = arith.constant 0 : i32
    %sign3A_83 = arith.cmpi sgt, %jit3A_73, %sign3A_82 : i32
    %sign3A_84 = arith.extui %sign3A_83 : i1 to i32
    %sign3A_85 = arith.constant 0 : i32
    %sign3A_86 = arith.cmpi slt, %jit3A_73, %sign3A_85 : i32
    %sign3A_87 = arith.extui %sign3A_86 : i1 to i32
    %sign3A_88 = arith.subi %sign3A_84, %sign3A_87 : i32
    %ne3A_89 = arith.cmpi ne, %sign3A_81, %sign3A_88 : i32
    %rem3A_90 = arith.remsi %add3A_72, %jit3A_73 : i32
    %ne3A_91 = arith.constant 0 : i32
    %ne3A_92 = arith.cmpi ne, %rem3A_90, %ne3A_91 : i32
    %and3A_93 = arith.andi %ne3A_89, %ne3A_92 : i1
    %sub3A_94 = arith.constant 1 : i32
    %sub3A_95 = arith.subi %div3A_74, %sub3A_94 : i32
    %select_n3A_96 = arith.select %and3A_93, %sub3A_95, %div3A_74 : i32
    %add3A_97 = arith.constant 511 : i32
    %add3A_98 = arith.addi %reduce_sum3A_32, %add3A_97 : i32
    %jit3A_99 = arith.constant 512 : i32
    %div3A_100 = arith.divsi %add3A_98, %jit3A_99 : i32
    %sign3A_101 = arith.constant 0 : i32
    %sign3A_102 = arith.cmpi sgt, %add3A_98, %sign3A_101 : i32
    %sign3A_103 = arith.extui %sign3A_102 : i1 to i32
    %sign3A_104 = arith.constant 0 : i32
    %sign3A_105 = arith.cmpi slt, %add3A_98, %sign3A_104 : i32
    %sign3A_106 = arith.extui %sign3A_105 : i1 to i32
    %sign3A_107 = arith.subi %sign3A_103, %sign3A_106 : i32
    %sign3A_108 = arith.constant 0 : i32
    %sign3A_109 = arith.cmpi sgt, %jit3A_99, %sign3A_108 : i32
    %sign3A_110 = arith.extui %sign3A_109 : i1 to i32
    %sign3A_111 = arith.constant 0 : i32
    %sign3A_112 = arith.cmpi slt, %jit3A_99, %sign3A_111 : i32
    %sign3A_113 = arith.extui %sign3A_112 : i1 to i32
    %sign3A_114 = arith.subi %sign3A_110, %sign3A_113 : i32
    %ne3A_115 = arith.cmpi ne, %sign3A_107, %sign3A_114 : i32
    %rem3A_116 = arith.remsi %add3A_98, %jit3A_99 : i32
    %ne3A_117 = arith.constant 0 : i32
    %ne3A_118 = arith.cmpi ne, %rem3A_116, %ne3A_117 : i32
    %and3A_119 = arith.andi %ne3A_115, %ne3A_118 : i1
    %sub3A_120 = arith.constant 1 : i32
    %sub3A_121 = arith.subi %div3A_100, %sub3A_120 : i32
    %select_n3A_122 = arith.select %and3A_119, %sub3A_121, %div3A_100 : i32
    %add3A_123 = arith.constant 511 : i32
    %add3A_124 = arith.addi %reduce_sum3A_36, %add3A_123 : i32
    %jit3A_125 = arith.constant 512 : i32
    %div3A_126 = arith.divsi %add3A_124, %jit3A_125 : i32
    %sign3A_127 = arith.constant 0 : i32
    %sign3A_128 = arith.cmpi sgt, %add3A_124, %sign3A_127 : i32
    %sign3A_129 = arith.extui %sign3A_128 : i1 to i32
    %sign3A_130 = arith.constant 0 : i32
    %sign3A_131 = arith.cmpi slt, %add3A_124, %sign3A_130 : i32
    %sign3A_132 = arith.extui %sign3A_131 : i1 to i32
    %sign3A_133 = arith.subi %sign3A_129, %sign3A_132 : i32
    %sign3A_134 = arith.constant 0 : i32
    %sign3A_135 = arith.cmpi sgt, %jit3A_125, %sign3A_134 : i32
    %sign3A_136 = arith.extui %sign3A_135 : i1 to i32
    %sign3A_137 = arith.constant 0 : i32
    %sign3A_138 = arith.cmpi slt, %jit3A_125, %sign3A_137 : i32
    %sign3A_139 = arith.extui %sign3A_138 : i1 to i32
    %sign3A_140 = arith.subi %sign3A_136, %sign3A_139 : i32
    %ne3A_141 = arith.cmpi ne, %sign3A_133, %sign3A_140 : i32
    %rem3A_142 = arith.remsi %add3A_124, %jit3A_125 : i32
    %ne3A_143 = arith.constant 0 : i32
    %ne3A_144 = arith.cmpi ne, %rem3A_142, %ne3A_143 : i32
    %and3A_145 = arith.andi %ne3A_141, %ne3A_144 : i1
    %sub3A_146 = arith.constant 1 : i32
    %sub3A_147 = arith.subi %div3A_126, %sub3A_146 : i32
    %select_n3A_148 = arith.select %and3A_145, %sub3A_147, %div3A_126 : i32
    %add3A_149 = arith.constant 0 : i32
    %add3A_150 = arith.addi %add3A_149, %select_n3A : i32
    %add3A_151 = arith.addi %add3A_150, %select_n3A_96 : i32
    %add3A_152 = arith.addi %add3A_151, %select_n3A_122 : i32
    %add3A_153 = arith.addi %add3A_152, %select_n3A_148 : i32
    %mul3A_154 = arith.constant 512 : i32
    %mul3A_155 = arith.muli %add3A_150, %mul3A_154 : i32
    %mul3A_156 = arith.constant 512 : i32
    %mul3A_157 = arith.muli %add3A_151, %mul3A_156 : i32
    %mul3A_158 = arith.constant 512 : i32
    %mul3A_159 = arith.muli %add3A_152, %mul3A_158 : i32
    %add3A_160 = arith.constant 0 : i32
    %add3A_161 = arith.addi %add3A_160, %reduce_sum3A_40 : i32
    %add3A_162 = arith.addi %mul3A_155, %reduce_sum3A_44 : i32
    %add3A_163 = arith.addi %mul3A_157, %reduce_sum3A_48 : i32
    %add3A_164 = arith.addi %mul3A_159, %reduce_sum3A_52 : i32
    %iota3A = tpu.iota {dimensions = array<i32: 0>} : vector<16xi32>
    %add3A_165 = arith.constant 0 : i32
    %add3A_166 = vector.broadcast %add3A_165 : i32 to vector<16xi32>
    %add3A_167 = arith.addi %iota3A, %add3A_166 : vector<16xi32>
    %ge3A = vector.broadcast %add3A_150 : i32 to vector<16xi32>
    %ge3A_168 = arith.cmpi sge, %add3A_167, %ge3A : vector<16xi32>
    %jit3A_169 = arith.constant 1 : i32
    %jit3A_170 = arith.constant 0 : i32
    %broadcast_in_dim3A_171 = vector.broadcast %jit3A_169 : i32 to vector<16xi32>
    %broadcast_in_dim3A_172 = vector.broadcast %jit3A_170 : i32 to vector<16xi32>
    %select_n3A_173 = arith.select %ge3A_168, %broadcast_in_dim3A_171, %broadcast_in_dim3A_172 : vector<16xi1>, vector<16xi32>
    %add3A_174 = arith.addi %broadcast_in_dim3A_16, %select_n3A_173 : vector<16xi32>
    %ge3A_175 = vector.broadcast %add3A_151 : i32 to vector<16xi32>
    %ge3A_176 = arith.cmpi sge, %add3A_167, %ge3A_175 : vector<16xi32>
    %jit3A_177 = arith.constant 1 : i32
    %jit3A_178 = arith.constant 0 : i32
    %broadcast_in_dim3A_179 = vector.broadcast %jit3A_177 : i32 to vector<16xi32>
    %broadcast_in_dim3A_180 = vector.broadcast %jit3A_178 : i32 to vector<16xi32>
    %select_n3A_181 = arith.select %ge3A_176, %broadcast_in_dim3A_179, %broadcast_in_dim3A_180 : vector<16xi1>, vector<16xi32>
    %add3A_182 = arith.addi %add3A_174, %select_n3A_181 : vector<16xi32>
    %ge3A_183 = vector.broadcast %add3A_152 : i32 to vector<16xi32>
    %ge3A_184 = arith.cmpi sge, %add3A_167, %ge3A_183 : vector<16xi32>
    %jit3A_185 = arith.constant 1 : i32
    %jit3A_186 = arith.constant 0 : i32
    %broadcast_in_dim3A_187 = vector.broadcast %jit3A_185 : i32 to vector<16xi32>
    %broadcast_in_dim3A_188 = vector.broadcast %jit3A_186 : i32 to vector<16xi32>
    %select_n3A_189 = arith.select %ge3A_184, %broadcast_in_dim3A_187, %broadcast_in_dim3A_188 : vector<16xi1>, vector<16xi32>
    %add3A_190 = arith.addi %add3A_182, %select_n3A_189 : vector<16xi32>
    %ge3A_191 = vector.broadcast %add3A_153 : i32 to vector<16xi32>
    %ge3A_192 = arith.cmpi sge, %add3A_167, %ge3A_191 : vector<16xi32>
    %jit3A_193 = arith.constant 1 : i32
    %jit3A_194 = arith.constant 0 : i32
    %broadcast_in_dim3A_195 = vector.broadcast %jit3A_193 : i32 to vector<16xi32>
    %broadcast_in_dim3A_196 = vector.broadcast %jit3A_194 : i32 to vector<16xi32>
    %select_n3A_197 = arith.select %ge3A_192, %broadcast_in_dim3A_195, %broadcast_in_dim3A_196 : vector<16xi1>, vector<16xi32>
    %add3A_198 = arith.addi %add3A_190, %select_n3A_197 : vector<16xi32>
    %swap3A = arith.constant 0 : index
    %swap3A_199 = tpu.vector_load %arg12[%swap3A] {strides = array<i32>} : memref<32xi32, #tpu.memory_space<vmem>>, vector<16xi32>,
    tpu.vector_store %arg12[%swap3A], %add3A_198 {strides = array<i32>} : memref<32xi32, #tpu.memory_space<vmem>>, vector<16xi32>,
    %iota3A_200 = tpu.iota {dimensions = array<i32: 0>} : vector<16xi32>
    %add3A_201 = arith.constant 16 : i32
    %add3A_202 = vector.broadcast %add3A_201 : i32 to vector<16xi32>
    %add3A_203 = arith.addi %iota3A_200, %add3A_202 : vector<16xi32>
    %ge3A_204 = vector.broadcast %add3A_150 : i32 to vector<16xi32>
    %ge3A_205 = arith.cmpi sge, %add3A_203, %ge3A_204 : vector<16xi32>
    %jit3A_206 = arith.constant 1 : i32
    %jit3A_207 = arith.constant 0 : i32
    %broadcast_in_dim3A_208 = vector.broadcast %jit3A_206 : i32 to vector<16xi32>
    %broadcast_in_dim3A_209 = vector.broadcast %jit3A_207 : i32 to vector<16xi32>
    %select_n3A_210 = arith.select %ge3A_205, %broadcast_in_dim3A_208, %broadcast_in_dim3A_209 : vector<16xi1>, vector<16xi32>
    %add3A_211 = arith.addi %broadcast_in_dim3A_16, %select_n3A_210 : vector<16xi32>
    %ge3A_212 = vector.broadcast %add3A_151 : i32 to vector<16xi32>
    %ge3A_213 = arith.cmpi sge, %add3A_203, %ge3A_212 : vector<16xi32>
    %jit3A_214 = arith.constant 1 : i32
    %jit3A_215 = arith.constant 0 : i32
    %broadcast_in_dim3A_216 = vector.broadcast %jit3A_214 : i32 to vector<16xi32>
    %broadcast_in_dim3A_217 = vector.broadcast %jit3A_215 : i32 to vector<16xi32>
    %select_n3A_218 = arith.select %ge3A_213, %broadcast_in_dim3A_216, %broadcast_in_dim3A_217 : vector<16xi1>, vector<16xi32>
    %add3A_219 = arith.addi %add3A_211, %select_n3A_218 : vector<16xi32>
    %ge3A_220 = vector.broadcast %add3A_152 : i32 to vector<16xi32>
    %ge3A_221 = arith.cmpi sge, %add3A_203, %ge3A_220 : vector<16xi32>
    %jit3A_222 = arith.constant 1 : i32
    %jit3A_223 = arith.constant 0 : i32
    %broadcast_in_dim3A_224 = vector.broadcast %jit3A_222 : i32 to vector<16xi32>
    %broadcast_in_dim3A_225 = vector.broadcast %jit3A_223 : i32 to vector<16xi32>
    %select_n3A_226 = arith.select %ge3A_221, %broadcast_in_dim3A_224, %broadcast_in_dim3A_225 : vector<16xi1>, vector<16xi32>
    %add3A_227 = arith.addi %add3A_219, %select_n3A_226 : vector<16xi32>
    %ge3A_228 = vector.broadcast %add3A_153 : i32 to vector<16xi32>
    %ge3A_229 = arith.cmpi sge, %add3A_203, %ge3A_228 : vector<16xi32>
    %jit3A_230 = arith.constant 1 : i32
    %jit3A_231 = arith.constant 0 : i32
    %broadcast_in_dim3A_232 = vector.broadcast %jit3A_230 : i32 to vector<16xi32>
    %broadcast_in_dim3A_233 = vector.broadcast %jit3A_231 : i32 to vector<16xi32>
    %select_n3A_234 = arith.select %ge3A_229, %broadcast_in_dim3A_232, %broadcast_in_dim3A_233 : vector<16xi1>, vector<16xi32>
    %add3A_235 = arith.addi %add3A_227, %select_n3A_234 : vector<16xi32>
    %swap3A_236 = arith.constant 16 : index
    %swap3A_237 = tpu.vector_load %arg12[%swap3A_236] {strides = array<i32>} : memref<32xi32, #tpu.memory_space<vmem>>, vector<16xi32>,
    tpu.vector_store %arg12[%swap3A_236], %add3A_235 {strides = array<i32>} : memref<32xi32, #tpu.memory_space<vmem>>, vector<16xi32>,
    %eq3A = arith.constant 0 : i32
    %eq3A_238 = arith.cmpi eq, %add3A, %eq3A : i32
    %convert_element_type3A = arith.extui %eq3A_238 : i1 to i32
    %cond3A = arith.constant 0 : i32
    %cond3A_239 = arith.cmpi ne, %convert_element_type3A, %cond3A : i32
    scf.if %cond3A_239 {
      "tpu.region"() ({
        %run_scoped3A = tpu.sem_alloc : memref<!tpu.dma_semaphore, #tpu.memory_space<semaphore_mem>>
        tpu.enqueue_dma source(%arg12 : memref<32xi32, #tpu.memory_space<vmem>>) target(%arg6 : memref<32xi32, #tpu.memory_space<hbm>>) target_semaphore(%run_scoped3A : memref<!tpu.dma_semaphore, #tpu.memory_space<semaphore_mem>>)
        tpu.wait_dma2 semaphore(%run_scoped3A : memref<!tpu.dma_semaphore, #tpu.memory_space<semaphore_mem>>) src(%arg12 : memref<32xi32, #tpu.memory_space<vmem>>) dst(%arg6 : memref<32xi32, #tpu.memory_space<hbm>>)
        tpu.yield
      }) : () -> ()
    } else {
    }
    %add3A_240 = arith.constant 0 : i32
    %add3A_241 = arith.addi %mul3A_2, %add3A_240 : i32
    %get3A = arith.constant 0 : i32
    %get3A_242 = arith.index_cast %get3A : i32 to index
    %get3A_243 = arith.index_cast %add3A_241 : i32 to index
    %get3A_244 = tpu.vector_load %arg7[%get3A_242, %get3A_243] {strides = array<i32>} : memref<1x4096xi32, #tpu.memory_space<vmem>>, vector<16xi32>,
    %eq3A_245 = arith.constant 0 : i32
    %eq3A_246 = vector.broadcast %eq3A_245 : i32 to vector<16xi32>
    %eq3A_247 = arith.cmpi eq, %get3A_244, %eq3A_246 : vector<16xi32>
    %jit3A_248 = arith.constant 1 : i32
    %jit3A_249 = arith.constant 0 : i32
    %broadcast_in_dim3A_250 = vector.broadcast %jit3A_248 : i32 to vector<16xi32>
    %broadcast_in_dim3A_251 = vector.broadcast %jit3A_249 : i32 to vector<16xi32>
    %select_n3A_252 = arith.select %eq3A_247, %broadcast_in_dim3A_250, %broadcast_in_dim3A_251 : vector<16xi1>, vector<16xi32>
    %broadcast_in_dim3A_253 = arith.constant true
    %broadcast_in_dim3A_254 = vector.broadcast %broadcast_in_dim3A_253 : i1 to vector<16xi1>
    %masked_cumsum3A = tpu.scan <sum>, %select_n3A_252 masked %broadcast_in_dim3A_254 : vector<16xi32>, vector<16xi1> -> vector<16xi32>
    %add3A_255 = vector.broadcast %add3A_161 : i32 to vector<16xi32>
    %add3A_256 = arith.addi %add3A_255, %masked_cumsum3A : vector<16xi32>
    %sub3A_257 = arith.constant 1 : i32
    %sub3A_258 = vector.broadcast %sub3A_257 : i32 to vector<16xi32>
    %sub3A_259 = arith.subi %add3A_256, %sub3A_258 : vector<16xi32>
    %select_n3A_260 = arith.select %eq3A_247, %sub3A_259, %broadcast_in_dim3A_16 : vector<16xi1>, vector<16xi32>
    %reduce_sum3A_261 = arith.constant true
    %reduce_sum3A_262 = vector.broadcast %reduce_sum3A_261 : i1 to vector<16xi1>
    %reduce_sum3A_263 = tpu.scan <sum>, %select_n3A_252 masked %reduce_sum3A_262 : vector<16xi32>, vector<16xi1> -> vector<16xi32>
    %reduce_sum3A_264 = vector.extract %reduce_sum3A_263[15] : i32 from vector<16xi32>
    %add3A_265 = arith.addi %add3A_161, %reduce_sum3A_264 : i32
    %eq3A_266 = arith.constant 1 : i32
    %eq3A_267 = vector.broadcast %eq3A_266 : i32 to vector<16xi32>
    %eq3A_268 = arith.cmpi eq, %get3A_244, %eq3A_267 : vector<16xi32>
    %jit3A_269 = arith.constant 1 : i32
    %jit3A_270 = arith.constant 0 : i32
    %broadcast_in_dim3A_271 = vector.broadcast %jit3A_269 : i32 to vector<16xi32>
    %broadcast_in_dim3A_272 = vector.broadcast %jit3A_270 : i32 to vector<16xi32>
    %select_n3A_273 = arith.select %eq3A_268, %broadcast_in_dim3A_271, %broadcast_in_dim3A_272 : vector<16xi1>, vector<16xi32>
    %broadcast_in_dim3A_274 = arith.constant true
    %broadcast_in_dim3A_275 = vector.broadcast %broadcast_in_dim3A_274 : i1 to vector<16xi1>
    %masked_cumsum3A_276 = tpu.scan <sum>, %select_n3A_273 masked %broadcast_in_dim3A_275 : vector<16xi32>, vector<16xi1> -> vector<16xi32>
    %add3A_277 = vector.broadcast %add3A_162 : i32 to vector<16xi32>
    %add3A_278 = arith.addi %add3A_277, %masked_cumsum3A_276 : vector<16xi32>
    %sub3A_279 = arith.constant 1 : i32
    %sub3A_280 = vector.broadcast %sub3A_279 : i32 to vector<16xi32>
    %sub3A_281 = arith.subi %add3A_278, %sub3A_280 : vector<16xi32>
    %select_n3A_282 = arith.select %eq3A_268, %sub3A_281, %select_n3A_260 : vector<16xi1>, vector<16xi32>
    %reduce_sum3A_283 = arith.constant true
    %reduce_sum3A_284 = vector.broadcast %reduce_sum3A_283 : i1 to vector<16xi1>
    %reduce_sum3A_285 = tpu.scan <sum>, %select_n3A_273 masked %reduce_sum3A_284 : vector<16xi32>, vector<16xi1> -> vector<16xi32>
    %reduce_sum3A_286 = vector.extract %reduce_sum3A_285[15] : i32 from vector<16xi32>
    %add3A_287 = arith.addi %add3A_162, %reduce_sum3A_286 : i32
    %eq3A_288 = arith.constant 2 : i32
    %eq3A_289 = vector.broadcast %eq3A_288 : i32 to vector<16xi32>
    %eq3A_290 = arith.cmpi eq, %get3A_244, %eq3A_289 : vector<16xi32>
    %jit3A_291 = arith.constant 1 : i32
    %jit3A_292 = arith.constant 0 : i32
    %broadcast_in_dim3A_293 = vector.broadcast %jit3A_291 : i32 to vector<16xi32>
    %broadcast_in_dim3A_294 = vector.broadcast %jit3A_292 : i32 to vector<16xi32>
    %select_n3A_295 = arith.select %eq3A_290, %broadcast_in_dim3A_293, %broadcast_in_dim3A_294 : vector<16xi1>, vector<16xi32>
    %broadcast_in_dim3A_296 = arith.constant true
    %broadcast_in_dim3A_297 = vector.broadcast %broadcast_in_dim3A_296 : i1 to vector<16xi1>
    %masked_cumsum3A_298 = tpu.scan <sum>, %select_n3A_295 masked %broadcast_in_dim3A_297 : vector<16xi32>, vector<16xi1> -> vector<16xi32>
    %add3A_299 = vector.broadcast %add3A_163 : i32 to vector<16xi32>
    %add3A_300 = arith.addi %add3A_299, %masked_cumsum3A_298 : vector<16xi32>
    %sub3A_301 = arith.constant 1 : i32
    %sub3A_302 = vector.broadcast %sub3A_301 : i32 to vector<16xi32>
    %sub3A_303 = arith.subi %add3A_300, %sub3A_302 : vector<16xi32>
    %select_n3A_304 = arith.select %eq3A_290, %sub3A_303, %select_n3A_282 : vector<16xi1>, vector<16xi32>
    %reduce_sum3A_305 = arith.constant true
    %reduce_sum3A_306 = vector.broadcast %reduce_sum3A_305 : i1 to vector<16xi1>
    %reduce_sum3A_307 = tpu.scan <sum>, %select_n3A_295 masked %reduce_sum3A_306 : vector<16xi32>, vector<16xi1> -> vector<16xi32>
    %reduce_sum3A_308 = vector.extract %reduce_sum3A_307[15] : i32 from vector<16xi32>
    %add3A_309 = arith.addi %add3A_163, %reduce_sum3A_308 : i32
    %eq3A_310 = arith.constant 3 : i32
    %eq3A_311 = vector.broadcast %eq3A_310 : i32 to vector<16xi32>
    %eq3A_312 = arith.cmpi eq, %get3A_244, %eq3A_311 : vector<16xi32>
    %jit3A_313 = arith.constant 1 : i32
    %jit3A_314 = arith.constant 0 : i32
    %broadcast_in_dim3A_315 = vector.broadcast %jit3A_313 : i32 to vector<16xi32>
    %broadcast_in_dim3A_316 = vector.broadcast %jit3A_314 : i32 to vector<16xi32>
    %select_n3A_317 = arith.select %eq3A_312, %broadcast_in_dim3A_315, %broadcast_in_dim3A_316 : vector<16xi1>, vector<16xi32>
    %broadcast_in_dim3A_318 = arith.constant true
    %broadcast_in_dim3A_319 = vector.broadcast %broadcast_in_dim3A_318 : i1 to vector<16xi1>
    %masked_cumsum3A_320 = tpu.scan <sum>, %select_n3A_317 masked %broadcast_in_dim3A_319 : vector<16xi32>, vector<16xi1> -> vector<16xi32>
    %add3A_321 = vector.broadcast %add3A_164 : i32 to vector<16xi32>
    %add3A_322 = arith.addi %add3A_321, %masked_cumsum3A_320 : vector<16xi32>
    %sub3A_323 = arith.constant 1 : i32
    %sub3A_324 = vector.broadcast %sub3A_323 : i32 to vector<16xi32>
    %sub3A_325 = arith.subi %add3A_322, %sub3A_324 : vector<16xi32>
    %select_n3A_326 = arith.select %eq3A_312, %sub3A_325, %select_n3A_304 : vector<16xi1>, vector<16xi32>
    %reduce_sum3A_327 = arith.constant true
    %reduce_sum3A_328 = vector.broadcast %reduce_sum3A_327 : i1 to vector<16xi1>
    %reduce_sum3A_329 = tpu.scan <sum>, %select_n3A_317 masked %reduce_sum3A_328 : vector<16xi32>, vector<16xi1> -> vector<16xi32>
    %reduce_sum3A_330 = vector.extract %reduce_sum3A_329[15] : i32 from vector<16xi32>
    %add3A_331 = arith.addi %add3A_164, %reduce_sum3A_330 : i32
    %swap3A_332 = arith.constant 0 : i32
    %swap3A_333 = arith.index_cast %swap3A_332 : i32 to index
    %swap3A_334 = arith.constant 0 : index
    %swap3A_335 = tpu.vector_load %arg8[%swap3A_333, %swap3A_334] {strides = array<i32>} : memref<4x32xi32, #tpu.memory_space<vmem>>, vector<16xi32>,
    tpu.vector_store %arg8[%swap3A_333, %swap3A_334], %select_n3A_326 {strides = array<i32>} : memref<4x32xi32, #tpu.memory_space<vmem>>, vector<16xi32>,
    %swap3A_336 = arith.constant 0 : i32
    %swap3A_337 = arith.index_cast %swap3A_336 : i32 to index
    %swap3A_338 = arith.constant 0 : index
    %swap3A_339 = tpu.vector_load %arg9[%swap3A_337, %swap3A_338] {strides = array<i32>} : memref<2x64xi32, #tpu.memory_space<vmem>>, vector<16xi32>,
    tpu.vector_store %arg9[%swap3A_337, %swap3A_338], %select_n3A_326 {strides = array<i32>} : memref<2x64xi32, #tpu.memory_space<vmem>>, vector<16xi32>,
    %add3A_340 = arith.constant 16 : i32
    %add3A_341 = arith.addi %mul3A_2, %add3A_340 : i32
    %get3A_342 = arith.constant 0 : i32
    %get3A_343 = arith.index_cast %get3A_342 : i32 to index
    %get3A_344 = arith.index_cast %add3A_341 : i32 to index
    %get3A_345 = tpu.vector_load %arg7[%get3A_343, %get3A_344] {strides = array<i32>} : memref<1x4096xi32, #tpu.memory_space<vmem>>, vector<16xi32>,
    %eq3A_346 = arith.constant 0 : i32
    %eq3A_347 = vector.broadcast %eq3A_346 : i32 to vector<16xi32>
    %eq3A_348 = arith.cmpi eq, %get3A_345, %eq3A_347 : vector<16xi32>
    %jit3A_349 = arith.constant 1 : i32
    %jit3A_350 = arith.constant 0 : i32
    %broadcast_in_dim3A_351 = vector.broadcast %jit3A_349 : i32 to vector<16xi32>
    %broadcast_in_dim3A_352 = vector.broadcast %jit3A_350 : i32 to vector<16xi32>
    %select_n3A_353 = arith.select %eq3A_348, %broadcast_in_dim3A_351, %broadcast_in_dim3A_352 : vector<16xi1>, vector<16xi32>
    %broadcast_in_dim3A_354 = arith.constant true
    %broadcast_in_dim3A_355 = vector.broadcast %broadcast_in_dim3A_354 : i1 to vector<16xi1>
    %masked_cumsum3A_356 = tpu.scan <sum>, %select_n3A_353 masked %broadcast_in_dim3A_355 : vector<16xi32>, vector<16xi1> -> vector<16xi32>
    %add3A_357 = vector.broadcast %add3A_265 : i32 to vector<16xi32>
    %add3A_358 = arith.addi %add3A_357, %masked_cumsum3A_356 : vector<16xi32>
    %sub3A_359 = arith.constant 1 : i32
    %sub3A_360 = vector.broadcast %sub3A_359 : i32 to vector<16xi32>
    %sub3A_361 = arith.subi %add3A_358, %sub3A_360 : vector<16xi32>
    %select_n3A_362 = arith.select %eq3A_348, %sub3A_361, %broadcast_in_dim3A_16 : vector<16xi1>, vector<16xi32>
    %reduce_sum3A_363 = arith.constant true
    %reduce_sum3A_364 = vector.broadcast %reduce_sum3A_363 : i1 to vector<16xi1>
    %reduce_sum3A_365 = tpu.scan <sum>, %select_n3A_353 masked %reduce_sum3A_364 : vector<16xi32>, vector<16xi1> -> vector<16xi32>
    %reduce_sum3A_366 = vector.extract %reduce_sum3A_365[15] : i32 from vector<16xi32>
    %add3A_367 = arith.addi %add3A_265, %reduce_sum3A_366 : i32
    %eq3A_368 = arith.constant 1 : i32
    %eq3A_369 = vector.broadcast %eq3A_368 : i32 to vector<16xi32>
    %eq3A_370 = arith.cmpi eq, %get3A_345, %eq3A_369 : vector<16xi32>
    %jit3A_371 = arith.constant 1 : i32
    %jit3A_372 = arith.constant 0 : i32
    %broadcast_in_dim3A_373 = vector.broadcast %jit3A_371 : i32 to vector<16xi32>
    %broadcast_in_dim3A_374 = vector.broadcast %jit3A_372 : i32 to vector<16xi32>
    %select_n3A_375 = arith.select %eq3A_370, %broadcast_in_dim3A_373, %broadcast_in_dim3A_374 : vector<16xi1>, vector<16xi32>
    %broadcast_in_dim3A_376 = arith.constant true
    %broadcast_in_dim3A_377 = vector.broadcast %broadcast_in_dim3A_376 : i1 to vector<16xi1>
    %masked_cumsum3A_378 = tpu.scan <sum>, %select_n3A_375 masked %broadcast_in_dim3A_377 : vector<16xi32>, vector<16xi1> -> vector<16xi32>
    %add3A_379 = vector.broadcast %add3A_287 : i32 to vector<16xi32>
    %add3A_380 = arith.addi %add3A_379, %masked_cumsum3A_378 : vector<16xi32>
    %sub3A_381 = arith.constant 1 : i32
    %sub3A_382 = vector.broadcast %sub3A_381 : i32 to vector<16xi32>
    %sub3A_383 = arith.subi %add3A_380, %sub3A_382 : vector<16xi32>
    %select_n3A_384 = arith.select %eq3A_370, %sub3A_383, %select_n3A_362 : vector<16xi1>, vector<16xi32>
    %reduce_sum3A_385 = arith.constant true
    %reduce_sum3A_386 = vector.broadcast %reduce_sum3A_385 : i1 to vector<16xi1>
    %reduce_sum3A_387 = tpu.scan <sum>, %select_n3A_375 masked %reduce_sum3A_386 : vector<16xi32>, vector<16xi1> -> vector<16xi32>
    %reduce_sum3A_388 = vector.extract %reduce_sum3A_387[15] : i32 from vector<16xi32>
    %add3A_389 = arith.addi %add3A_287, %reduce_sum3A_388 : i32
    %eq3A_390 = arith.constant 2 : i32
    %eq3A_391 = vector.broadcast %eq3A_390 : i32 to vector<16xi32>
    %eq3A_392 = arith.cmpi eq, %get3A_345, %eq3A_391 : vector<16xi32>
    %jit3A_393 = arith.constant 1 : i32
    %jit3A_394 = arith.constant 0 : i32
    %broadcast_in_dim3A_395 = vector.broadcast %jit3A_393 : i32 to vector<16xi32>
    %broadcast_in_dim3A_396 = vector.broadcast %jit3A_394 : i32 to vector<16xi32>
    %select_n3A_397 = arith.select %eq3A_392, %broadcast_in_dim3A_395, %broadcast_in_dim3A_396 : vector<16xi1>, vector<16xi32>
    %broadcast_in_dim3A_398 = arith.constant true
    %broadcast_in_dim3A_399 = vector.broadcast %broadcast_in_dim3A_398 : i1 to vector<16xi1>
    %masked_cumsum3A_400 = tpu.scan <sum>, %select_n3A_397 masked %broadcast_in_dim3A_399 : vector<16xi32>, vector<16xi1> -> vector<16xi32>
    %add3A_401 = vector.broadcast %add3A_309 : i32 to vector<16xi32>
    %add3A_402 = arith.addi %add3A_401, %masked_cumsum3A_400 : vector<16xi32>
    %sub3A_403 = arith.constant 1 : i32
    %sub3A_404 = vector.broadcast %sub3A_403 : i32 to vector<16xi32>
    %sub3A_405 = arith.subi %add3A_402, %sub3A_404 : vector<16xi32>
    %select_n3A_406 = arith.select %eq3A_392, %sub3A_405, %select_n3A_384 : vector<16xi1>, vector<16xi32>
    %reduce_sum3A_407 = arith.constant true
    %reduce_sum3A_408 = vector.broadcast %reduce_sum3A_407 : i1 to vector<16xi1>
    %reduce_sum3A_409 = tpu.scan <sum>, %select_n3A_397 masked %reduce_sum3A_408 : vector<16xi32>, vector<16xi1> -> vector<16xi32>
    %reduce_sum3A_410 = vector.extract %reduce_sum3A_409[15] : i32 from vector<16xi32>
    %add3A_411 = arith.addi %add3A_309, %reduce_sum3A_410 : i32
    %eq3A_412 = arith.constant 3 : i32
    %eq3A_413 = vector.broadcast %eq3A_412 : i32 to vector<16xi32>
    %eq3A_414 = arith.cmpi eq, %get3A_345, %eq3A_413 : vector<16xi32>
    %jit3A_415 = arith.constant 1 : i32
    %jit3A_416 = arith.constant 0 : i32
    %broadcast_in_dim3A_417 = vector.broadcast %jit3A_415 : i32 to vector<16xi32>
    %broadcast_in_dim3A_418 = vector.broadcast %jit3A_416 : i32 to vector<16xi32>
    %select_n3A_419 = arith.select %eq3A_414, %broadcast_in_dim3A_417, %broadcast_in_dim3A_418 : vector<16xi1>, vector<16xi32>
    %broadcast_in_dim3A_420 = arith.constant true
    %broadcast_in_dim3A_421 = vector.broadcast %broadcast_in_dim3A_420 : i1 to vector<16xi1>
    %masked_cumsum3A_422 = tpu.scan <sum>, %select_n3A_419 masked %broadcast_in_dim3A_421 : vector<16xi32>, vector<16xi1> -> vector<16xi32>
    %add3A_423 = vector.broadcast %add3A_331 : i32 to vector<16xi32>
    %add3A_424 = arith.addi %add3A_423, %masked_cumsum3A_422 : vector<16xi32>
    %sub3A_425 = arith.constant 1 : i32
    %sub3A_426 = vector.broadcast %sub3A_425 : i32 to vector<16xi32>
    %sub3A_427 = arith.subi %add3A_424, %sub3A_426 : vector<16xi32>
    %select_n3A_428 = arith.select %eq3A_414, %sub3A_427, %select_n3A_406 : vector<16xi1>, vector<16xi32>
    %reduce_sum3A_429 = arith.constant true
    %reduce_sum3A_430 = vector.broadcast %reduce_sum3A_429 : i1 to vector<16xi1>
    %reduce_sum3A_431 = tpu.scan <sum>, %select_n3A_419 masked %reduce_sum3A_430 : vector<16xi32>, vector<16xi1> -> vector<16xi32>
    %reduce_sum3A_432 = vector.extract %reduce_sum3A_431[15] : i32 from vector<16xi32>
    %add3A_433 = arith.addi %add3A_331, %reduce_sum3A_432 : i32
    %swap3A_434 = arith.constant 0 : i32
    %swap3A_435 = arith.index_cast %swap3A_434 : i32 to index
    %swap3A_436 = arith.constant 16 : index
    %swap3A_437 = tpu.vector_load %arg8[%swap3A_435, %swap3A_436] {strides = array<i32>} : memref<4x32xi32, #tpu.memory_space<vmem>>, vector<16xi32>,
    tpu.vector_store %arg8[%swap3A_435, %swap3A_436], %select_n3A_428 {strides = array<i32>} : memref<4x32xi32, #tpu.memory_space<vmem>>, vector<16xi32>,
    %swap3A_438 = arith.constant 0 : i32
    %swap3A_439 = arith.index_cast %swap3A_438 : i32 to index
    %swap3A_440 = arith.constant 16 : index
    %swap3A_441 = tpu.vector_load %arg9[%swap3A_439, %swap3A_440] {strides = array<i32>} : memref<2x64xi32, #tpu.memory_space<vmem>>, vector<16xi32>,
    tpu.vector_store %arg9[%swap3A_439, %swap3A_440], %select_n3A_428 {strides = array<i32>} : memref<2x64xi32, #tpu.memory_space<vmem>>, vector<16xi32>,
    %add3A_442 = arith.constant 32 : i32
    %add3A_443 = arith.addi %mul3A_2, %add3A_442 : i32
    %get3A_444 = arith.constant 0 : i32
    %get3A_445 = arith.index_cast %get3A_444 : i32 to index
    %get3A_446 = arith.index_cast %add3A_443 : i32 to index
    %get3A_447 = tpu.vector_load %arg7[%get3A_445, %get3A_446] {strides = array<i32>} : memref<1x4096xi32, #tpu.memory_space<vmem>>, vector<16xi32>,
    %eq3A_448 = arith.constant 0 : i32
    %eq3A_449 = vector.broadcast %eq3A_448 : i32 to vector<16xi32>
    %eq3A_450 = arith.cmpi eq, %get3A_447, %eq3A_449 : vector<16xi32>
    %jit3A_451 = arith.constant 1 : i32
    %jit3A_452 = arith.constant 0 : i32
    %broadcast_in_dim3A_453 = vector.broadcast %jit3A_451 : i32 to vector<16xi32>
    %broadcast_in_dim3A_454 = vector.broadcast %jit3A_452 : i32 to vector<16xi32>
    %select_n3A_455 = arith.select %eq3A_450, %broadcast_in_dim3A_453, %broadcast_in_dim3A_454 : vector<16xi1>, vector<16xi32>
    %broadcast_in_dim3A_456 = arith.constant true
    %broadcast_in_dim3A_457 = vector.broadcast %broadcast_in_dim3A_456 : i1 to vector<16xi1>
    %masked_cumsum3A_458 = tpu.scan <sum>, %select_n3A_455 masked %broadcast_in_dim3A_457 : vector<16xi32>, vector<16xi1> -> vector<16xi32>
    %add3A_459 = vector.broadcast %add3A_367 : i32 to vector<16xi32>
    %add3A_460 = arith.addi %add3A_459, %masked_cumsum3A_458 : vector<16xi32>
    %sub3A_461 = arith.constant 1 : i32
    %sub3A_462 = vector.broadcast %sub3A_461 : i32 to vector<16xi32>
    %sub3A_463 = arith.subi %add3A_460, %sub3A_462 : vector<16xi32>
    %select_n3A_464 = arith.select %eq3A_450, %sub3A_463, %broadcast_in_dim3A_16 : vector<16xi1>, vector<16xi32>
    %reduce_sum3A_465 = arith.constant true
    %reduce_sum3A_466 = vector.broadcast %reduce_sum3A_465 : i1 to vector<16xi1>
    %reduce_sum3A_467 = tpu.scan <sum>, %select_n3A_455 masked %reduce_sum3A_466 : vector<16xi32>, vector<16xi1> -> vector<16xi32>
    %reduce_sum3A_468 = vector.extract %reduce_sum3A_467[15] : i32 from vector<16xi32>
    %add3A_469 = arith.addi %add3A_367, %reduce_sum3A_468 : i32
    %eq3A_470 = arith.constant 1 : i32
    %eq3A_471 = vector.broadcast %eq3A_470 : i32 to vector<16xi32>
    %eq3A_472 = arith.cmpi eq, %get3A_447, %eq3A_471 : vector<16xi32>
    %jit3A_473 = arith.constant 1 : i32
    %jit3A_474 = arith.constant 0 : i32
    %broadcast_in_dim3A_475 = vector.broadcast %jit3A_473 : i32 to vector<16xi32>
    %broadcast_in_dim3A_476 = vector.broadcast %jit3A_474 : i32 to vector<16xi32>
    %select_n3A_477 = arith.select %eq3A_472, %broadcast_in_dim3A_475, %broadcast_in_dim3A_476 : vector<16xi1>, vector<16xi32>
    %broadcast_in_dim3A_478 = arith.constant true
    %broadcast_in_dim3A_479 = vector.broadcast %broadcast_in_dim3A_478 : i1 to vector<16xi1>
    %masked_cumsum3A_480 = tpu.scan <sum>, %select_n3A_477 masked %broadcast_in_dim3A_479 : vector<16xi32>, vector<16xi1> -> vector<16xi32>
    %add3A_481 = vector.broadcast %add3A_389 : i32 to vector<16xi32>
    %add3A_482 = arith.addi %add3A_481, %masked_cumsum3A_480 : vector<16xi32>
    %sub3A_483 = arith.constant 1 : i32
    %sub3A_484 = vector.broadcast %sub3A_483 : i32 to vector<16xi32>
    %sub3A_485 = arith.subi %add3A_482, %sub3A_484 : vector<16xi32>
    %select_n3A_486 = arith.select %eq3A_472, %sub3A_485, %select_n3A_464 : vector<16xi1>, vector<16xi32>
    %reduce_sum3A_487 = arith.constant true
    %reduce_sum3A_488 = vector.broadcast %reduce_sum3A_487 : i1 to vector<16xi1>
    %reduce_sum3A_489 = tpu.scan <sum>, %select_n3A_477 masked %reduce_sum3A_488 : vector<16xi32>, vector<16xi1> -> vector<16xi32>
    %reduce_sum3A_490 = vector.extract %reduce_sum3A_489[15] : i32 from vector<16xi32>
    %add3A_491 = arith.addi %add3A_389, %reduce_sum3A_490 : i32
    %eq3A_492 = arith.constant 2 : i32
    %eq3A_493 = vector.broadcast %eq3A_492 : i32 to vector<16xi32>
    %eq3A_494 = arith.cmpi eq, %get3A_447, %eq3A_493 : vector<16xi32>
    %jit3A_495 = arith.constant 1 : i32
    %jit3A_496 = arith.constant 0 : i32
    %broadcast_in_dim3A_497 = vector.broadcast %jit3A_495 : i32 to vector<16xi32>
    %broadcast_in_dim3A_498 = vector.broadcast %jit3A_496 : i32 to vector<16xi32>
    %select_n3A_499 = arith.select %eq3A_494, %broadcast_in_dim3A_497, %broadcast_in_dim3A_498 : vector<16xi1>, vector<16xi32>
    %broadcast_in_dim3A_500 = arith.constant true
    %broadcast_in_dim3A_501 = vector.broadcast %broadcast_in_dim3A_500 : i1 to vector<16xi1>
    %masked_cumsum3A_502 = tpu.scan <sum>, %select_n3A_499 masked %broadcast_in_dim3A_501 : vector<16xi32>, vector<16xi1> -> vector<16xi32>
    %add3A_503 = vector.broadcast %add3A_411 : i32 to vector<16xi32>
    %add3A_504 = arith.addi %add3A_503, %masked_cumsum3A_502 : vector<16xi32>
    %sub3A_505 = arith.constant 1 : i32
    %sub3A_506 = vector.broadcast %sub3A_505 : i32 to vector<16xi32>
    %sub3A_507 = arith.subi %add3A_504, %sub3A_506 : vector<16xi32>
    %select_n3A_508 = arith.select %eq3A_494, %sub3A_507, %select_n3A_486 : vector<16xi1>, vector<16xi32>
    %reduce_sum3A_509 = arith.constant true
    %reduce_sum3A_510 = vector.broadcast %reduce_sum3A_509 : i1 to vector<16xi1>
    %reduce_sum3A_511 = tpu.scan <sum>, %select_n3A_499 masked %reduce_sum3A_510 : vector<16xi32>, vector<16xi1> -> vector<16xi32>
    %reduce_sum3A_512 = vector.extract %reduce_sum3A_511[15] : i32 from vector<16xi32>
    %add3A_513 = arith.addi %add3A_411, %reduce_sum3A_512 : i32
    %eq3A_514 = arith.constant 3 : i32
    %eq3A_515 = vector.broadcast %eq3A_514 : i32 to vector<16xi32>
    %eq3A_516 = arith.cmpi eq, %get3A_447, %eq3A_515 : vector<16xi32>
    %jit3A_517 = arith.constant 1 : i32
    %jit3A_518 = arith.constant 0 : i32
    %broadcast_in_dim3A_519 = vector.broadcast %jit3A_517 : i32 to vector<16xi32>
    %broadcast_in_dim3A_520 = vector.broadcast %jit3A_518 : i32 to vector<16xi32>
    %select_n3A_521 = arith.select %eq3A_516, %broadcast_in_dim3A_519, %broadcast_in_dim3A_520 : vector<16xi1>, vector<16xi32>
    %broadcast_in_dim3A_522 = arith.constant true
    %broadcast_in_dim3A_523 = vector.broadcast %broadcast_in_dim3A_522 : i1 to vector<16xi1>
    %masked_cumsum3A_524 = tpu.scan <sum>, %select_n3A_521 masked %broadcast_in_dim3A_523 : vector<16xi32>, vector<16xi1> -> vector<16xi32>
    %add3A_525 = vector.broadcast %add3A_433 : i32 to vector<16xi32>
    %add3A_526 = arith.addi %add3A_525, %masked_cumsum3A_524 : vector<16xi32>
    %sub3A_527 = arith.constant 1 : i32
    %sub3A_528 = vector.broadcast %sub3A_527 : i32 to vector<16xi32>
    %sub3A_529 = arith.subi %add3A_526, %sub3A_528 : vector<16xi32>
    %select_n3A_530 = arith.select %eq3A_516, %sub3A_529, %select_n3A_508 : vector<16xi1>, vector<16xi32>
    %reduce_sum3A_531 = arith.constant true
    %reduce_sum3A_532 = vector.broadcast %reduce_sum3A_531 : i1 to vector<16xi1>
    %reduce_sum3A_533 = tpu.scan <sum>, %select_n3A_521 masked %reduce_sum3A_532 : vector<16xi32>, vector<16xi1> -> vector<16xi32>
    %reduce_sum3A_534 = vector.extract %reduce_sum3A_533[15] : i32 from vector<16xi32>
    %add3A_535 = arith.addi %add3A_433, %reduce_sum3A_534 : i32
    %swap3A_536 = arith.constant 1 : i32
    %swap3A_537 = arith.index_cast %swap3A_536 : i32 to index
    %swap3A_538 = arith.constant 0 : index
    %swap3A_539 = tpu.vector_load %arg8[%swap3A_537, %swap3A_538] {strides = array<i32>} : memref<4x32xi32, #tpu.memory_space<vmem>>, vector<16xi32>,
    tpu.vector_store %arg8[%swap3A_537, %swap3A_538], %select_n3A_530 {strides = array<i32>} : memref<4x32xi32, #tpu.memory_space<vmem>>, vector<16xi32>,
    %swap3A_540 = arith.constant 0 : i32
    %swap3A_541 = arith.index_cast %swap3A_540 : i32 to index
    %swap3A_542 = arith.constant 32 : index
    %swap3A_543 = tpu.vector_load %arg9[%swap3A_541, %swap3A_542] {strides = array<i32>} : memref<2x64xi32, #tpu.memory_space<vmem>>, vector<16xi32>,
    tpu.vector_store %arg9[%swap3A_541, %swap3A_542], %select_n3A_530 {strides = array<i32>} : memref<2x64xi32, #tpu.memory_space<vmem>>, vector<16xi32>,
    %add3A_544 = arith.constant 48 : i32
    %add3A_545 = arith.addi %mul3A_2, %add3A_544 : i32
    %get3A_546 = arith.constant 0 : i32
    %get3A_547 = arith.index_cast %get3A_546 : i32 to index
    %get3A_548 = arith.index_cast %add3A_545 : i32 to index
    %get3A_549 = tpu.vector_load %arg7[%get3A_547, %get3A_548] {strides = array<i32>} : memref<1x4096xi32, #tpu.memory_space<vmem>>, vector<16xi32>,
    %eq3A_550 = arith.constant 0 : i32
    %eq3A_551 = vector.broadcast %eq3A_550 : i32 to vector<16xi32>
    %eq3A_552 = arith.cmpi eq, %get3A_549, %eq3A_551 : vector<16xi32>
    %jit3A_553 = arith.constant 1 : i32
    %jit3A_554 = arith.constant 0 : i32
    %broadcast_in_dim3A_555 = vector.broadcast %jit3A_553 : i32 to vector<16xi32>
    %broadcast_in_dim3A_556 = vector.broadcast %jit3A_554 : i32 to vector<16xi32>
    %select_n3A_557 = arith.select %eq3A_552, %broadcast_in_dim3A_555, %broadcast_in_dim3A_556 : vector<16xi1>, vector<16xi32>
    %broadcast_in_dim3A_558 = arith.constant true
    %broadcast_in_dim3A_559 = vector.broadcast %broadcast_in_dim3A_558 : i1 to vector<16xi1>
    %masked_cumsum3A_560 = tpu.scan <sum>, %select_n3A_557 masked %broadcast_in_dim3A_559 : vector<16xi32>, vector<16xi1> -> vector<16xi32>
    %add3A_561 = vector.broadcast %add3A_469 : i32 to vector<16xi32>
    %add3A_562 = arith.addi %add3A_561, %masked_cumsum3A_560 : vector<16xi32>
    %sub3A_563 = arith.constant 1 : i32
    %sub3A_564 = vector.broadcast %sub3A_563 : i32 to vector<16xi32>
    %sub3A_565 = arith.subi %add3A_562, %sub3A_564 : vector<16xi32>
    %select_n3A_566 = arith.select %eq3A_552, %sub3A_565, %broadcast_in_dim3A_16 : vector<16xi1>, vector<16xi32>
    %reduce_sum3A_567 = arith.constant true
    %reduce_sum3A_568 = vector.broadcast %reduce_sum3A_567 : i1 to vector<16xi1>
    %reduce_sum3A_569 = tpu.scan <sum>, %select_n3A_557 masked %reduce_sum3A_568 : vector<16xi32>, vector<16xi1> -> vector<16xi32>
    %reduce_sum3A_570 = vector.extract %reduce_sum3A_569[15] : i32 from vector<16xi32>
    %add3A_571 = arith.addi %add3A_469, %reduce_sum3A_570 : i32
    %eq3A_572 = arith.constant 1 : i32
    %eq3A_573 = vector.broadcast %eq3A_572 : i32 to vector<16xi32>
    %eq3A_574 = arith.cmpi eq, %get3A_549, %eq3A_573 : vector<16xi32>
    %jit3A_575 = arith.constant 1 : i32
    %jit3A_576 = arith.constant 0 : i32
    %broadcast_in_dim3A_577 = vector.broadcast %jit3A_575 : i32 to vector<16xi32>
    %broadcast_in_dim3A_578 = vector.broadcast %jit3A_576 : i32 to vector<16xi32>
    %select_n3A_579 = arith.select %eq3A_574, %broadcast_in_dim3A_577, %broadcast_in_dim3A_578 : vector<16xi1>, vector<16xi32>
    %broadcast_in_dim3A_580 = arith.constant true
    %broadcast_in_dim3A_581 = vector.broadcast %broadcast_in_dim3A_580 : i1 to vector<16xi1>
    %masked_cumsum3A_582 = tpu.scan <sum>, %select_n3A_579 masked %broadcast_in_dim3A_581 : vector<16xi32>, vector<16xi1> -> vector<16xi32>
    %add3A_583 = vector.broadcast %add3A_491 : i32 to vector<16xi32>
    %add3A_584 = arith.addi %add3A_583, %masked_cumsum3A_582 : vector<16xi32>
    %sub3A_585 = arith.constant 1 : i32
    %sub3A_586 = vector.broadcast %sub3A_585 : i32 to vector<16xi32>
    %sub3A_587 = arith.subi %add3A_584, %sub3A_586 : vector<16xi32>
    %select_n3A_588 = arith.select %eq3A_574, %sub3A_587, %select_n3A_566 : vector<16xi1>, vector<16xi32>
    %reduce_sum3A_589 = arith.constant true
    %reduce_sum3A_590 = vector.broadcast %reduce_sum3A_589 : i1 to vector<16xi1>
    %reduce_sum3A_591 = tpu.scan <sum>, %select_n3A_579 masked %reduce_sum3A_590 : vector<16xi32>, vector<16xi1> -> vector<16xi32>
    %reduce_sum3A_592 = vector.extract %reduce_sum3A_591[15] : i32 from vector<16xi32>
    %add3A_593 = arith.addi %add3A_491, %reduce_sum3A_592 : i32
    %eq3A_594 = arith.constant 2 : i32
    %eq3A_595 = vector.broadcast %eq3A_594 : i32 to vector<16xi32>
    %eq3A_596 = arith.cmpi eq, %get3A_549, %eq3A_595 : vector<16xi32>
    %jit3A_597 = arith.constant 1 : i32
    %jit3A_598 = arith.constant 0 : i32
    %broadcast_in_dim3A_599 = vector.broadcast %jit3A_597 : i32 to vector<16xi32>
    %broadcast_in_dim3A_600 = vector.broadcast %jit3A_598 : i32 to vector<16xi32>
    %select_n3A_601 = arith.select %eq3A_596, %broadcast_in_dim3A_599, %broadcast_in_dim3A_600 : vector<16xi1>, vector<16xi32>
    %broadcast_in_dim3A_602 = arith.constant true
    %broadcast_in_dim3A_603 = vector.broadcast %broadcast_in_dim3A_602 : i1 to vector<16xi1>
    %masked_cumsum3A_604 = tpu.scan <sum>, %select_n3A_601 masked %broadcast_in_dim3A_603 : vector<16xi32>, vector<16xi1> -> vector<16xi32>
    %add3A_605 = vector.broadcast %add3A_513 : i32 to vector<16xi32>
    %add3A_606 = arith.addi %add3A_605, %masked_cumsum3A_604 : vector<16xi32>
    %sub3A_607 = arith.constant 1 : i32
    %sub3A_608 = vector.broadcast %sub3A_607 : i32 to vector<16xi32>
    %sub3A_609 = arith.subi %add3A_606, %sub3A_608 : vector<16xi32>
    %select_n3A_610 = arith.select %eq3A_596, %sub3A_609, %select_n3A_588 : vector<16xi1>, vector<16xi32>
    %reduce_sum3A_611 = arith.constant true
    %reduce_sum3A_612 = vector.broadcast %reduce_sum3A_611 : i1 to vector<16xi1>
    %reduce_sum3A_613 = tpu.scan <sum>, %select_n3A_601 masked %reduce_sum3A_612 : vector<16xi32>, vector<16xi1> -> vector<16xi32>
    %reduce_sum3A_614 = vector.extract %reduce_sum3A_613[15] : i32 from vector<16xi32>
    %add3A_615 = arith.addi %add3A_513, %reduce_sum3A_614 : i32
    %eq3A_616 = arith.constant 3 : i32
    %eq3A_617 = vector.broadcast %eq3A_616 : i32 to vector<16xi32>
    %eq3A_618 = arith.cmpi eq, %get3A_549, %eq3A_617 : vector<16xi32>
    %jit3A_619 = arith.constant 1 : i32
    %jit3A_620 = arith.constant 0 : i32
    %broadcast_in_dim3A_621 = vector.broadcast %jit3A_619 : i32 to vector<16xi32>
    %broadcast_in_dim3A_622 = vector.broadcast %jit3A_620 : i32 to vector<16xi32>
    %select_n3A_623 = arith.select %eq3A_618, %broadcast_in_dim3A_621, %broadcast_in_dim3A_622 : vector<16xi1>, vector<16xi32>
    %broadcast_in_dim3A_624 = arith.constant true
    %broadcast_in_dim3A_625 = vector.broadcast %broadcast_in_dim3A_624 : i1 to vector<16xi1>
    %masked_cumsum3A_626 = tpu.scan <sum>, %select_n3A_623 masked %broadcast_in_dim3A_625 : vector<16xi32>, vector<16xi1> -> vector<16xi32>
    %add3A_627 = vector.broadcast %add3A_535 : i32 to vector<16xi32>
    %add3A_628 = arith.addi %add3A_627, %masked_cumsum3A_626 : vector<16xi32>
    %sub3A_629 = arith.constant 1 : i32
    %sub3A_630 = vector.broadcast %sub3A_629 : i32 to vector<16xi32>
    %sub3A_631 = arith.subi %add3A_628, %sub3A_630 : vector<16xi32>
    %select_n3A_632 = arith.select %eq3A_618, %sub3A_631, %select_n3A_610 : vector<16xi1>, vector<16xi32>
    %reduce_sum3A_633 = arith.constant true
    %reduce_sum3A_634 = vector.broadcast %reduce_sum3A_633 : i1 to vector<16xi1>
    %reduce_sum3A_635 = tpu.scan <sum>, %select_n3A_623 masked %reduce_sum3A_634 : vector<16xi32>, vector<16xi1> -> vector<16xi32>
    %reduce_sum3A_636 = vector.extract %reduce_sum3A_635[15] : i32 from vector<16xi32>
    %add3A_637 = arith.addi %add3A_535, %reduce_sum3A_636 : i32
    %swap3A_638 = arith.constant 1 : i32
    %swap3A_639 = arith.index_cast %swap3A_638 : i32 to index
    %swap3A_640 = arith.constant 16 : index
    %swap3A_641 = tpu.vector_load %arg8[%swap3A_639, %swap3A_640] {strides = array<i32>} : memref<4x32xi32, #tpu.memory_space<vmem>>, vector<16xi32>,
    tpu.vector_store %arg8[%swap3A_639, %swap3A_640], %select_n3A_632 {strides = array<i32>} : memref<4x32xi32, #tpu.memory_space<vmem>>, vector<16xi32>,
    %swap3A_642 = arith.constant 0 : i32
    %swap3A_643 = arith.index_cast %swap3A_642 : i32 to index
    %swap3A_644 = arith.constant 48 : index
    %swap3A_645 = tpu.vector_load %arg9[%swap3A_643, %swap3A_644] {strides = array<i32>} : memref<2x64xi32, #tpu.memory_space<vmem>>, vector<16xi32>,
    tpu.vector_store %arg9[%swap3A_643, %swap3A_644], %select_n3A_632 {strides = array<i32>} : memref<2x64xi32, #tpu.memory_space<vmem>>, vector<16xi32>,
    %add3A_646 = arith.constant 64 : i32
    %add3A_647 = arith.addi %mul3A_2, %add3A_646 : i32
    %get3A_648 = arith.constant 0 : i32
    %get3A_649 = arith.index_cast %get3A_648 : i32 to index
    %get3A_650 = arith.index_cast %add3A_647 : i32 to index
    %get3A_651 = tpu.vector_load %arg7[%get3A_649, %get3A_650] {strides = array<i32>} : memref<1x4096xi32, #tpu.memory_space<vmem>>, vector<16xi32>,
    %eq3A_652 = arith.constant 0 : i32
    %eq3A_653 = vector.broadcast %eq3A_652 : i32 to vector<16xi32>
    %eq3A_654 = arith.cmpi eq, %get3A_651, %eq3A_653 : vector<16xi32>
    %jit3A_655 = arith.constant 1 : i32
    %jit3A_656 = arith.constant 0 : i32
    %broadcast_in_dim3A_657 = vector.broadcast %jit3A_655 : i32 to vector<16xi32>
    %broadcast_in_dim3A_658 = vector.broadcast %jit3A_656 : i32 to vector<16xi32>
    %select_n3A_659 = arith.select %eq3A_654, %broadcast_in_dim3A_657, %broadcast_in_dim3A_658 : vector<16xi1>, vector<16xi32>
    %broadcast_in_dim3A_660 = arith.constant true
    %broadcast_in_dim3A_661 = vector.broadcast %broadcast_in_dim3A_660 : i1 to vector<16xi1>
    %masked_cumsum3A_662 = tpu.scan <sum>, %select_n3A_659 masked %broadcast_in_dim3A_661 : vector<16xi32>, vector<16xi1> -> vector<16xi32>
    %add3A_663 = vector.broadcast %add3A_571 : i32 to vector<16xi32>
    %add3A_664 = arith.addi %add3A_663, %masked_cumsum3A_662 : vector<16xi32>
    %sub3A_665 = arith.constant 1 : i32
    %sub3A_666 = vector.broadcast %sub3A_665 : i32 to vector<16xi32>
    %sub3A_667 = arith.subi %add3A_664, %sub3A_666 : vector<16xi32>
    %select_n3A_668 = arith.select %eq3A_654, %sub3A_667, %broadcast_in_dim3A_16 : vector<16xi1>, vector<16xi32>
    %reduce_sum3A_669 = arith.constant true
    %reduce_sum3A_670 = vector.broadcast %reduce_sum3A_669 : i1 to vector<16xi1>
    %reduce_sum3A_671 = tpu.scan <sum>, %select_n3A_659 masked %reduce_sum3A_670 : vector<16xi32>, vector<16xi1> -> vector<16xi32>
    %reduce_sum3A_672 = vector.extract %reduce_sum3A_671[15] : i32 from vector<16xi32>
    %add3A_673 = arith.addi %add3A_571, %reduce_sum3A_672 : i32
    %eq3A_674 = arith.constant 1 : i32
    %eq3A_675 = vector.broadcast %eq3A_674 : i32 to vector<16xi32>
    %eq3A_676 = arith.cmpi eq, %get3A_651, %eq3A_675 : vector<16xi32>
    %jit3A_677 = arith.constant 1 : i32
    %jit3A_678 = arith.constant 0 : i32
    %broadcast_in_dim3A_679 = vector.broadcast %jit3A_677 : i32 to vector<16xi32>
    %broadcast_in_dim3A_680 = vector.broadcast %jit3A_678 : i32 to vector<16xi32>
    %select_n3A_681 = arith.select %eq3A_676, %broadcast_in_dim3A_679, %broadcast_in_dim3A_680 : vector<16xi1>, vector<16xi32>
    %broadcast_in_dim3A_682 = arith.constant true
    %broadcast_in_dim3A_683 = vector.broadcast %broadcast_in_dim3A_682 : i1 to vector<16xi1>
    %masked_cumsum3A_684 = tpu.scan <sum>, %select_n3A_681 masked %broadcast_in_dim3A_683 : vector<16xi32>, vector<16xi1> -> vector<16xi32>
    %add3A_685 = vector.broadcast %add3A_593 : i32 to vector<16xi32>
    %add3A_686 = arith.addi %add3A_685, %masked_cumsum3A_684 : vector<16xi32>
    %sub3A_687 = arith.constant 1 : i32
    %sub3A_688 = vector.broadcast %sub3A_687 : i32 to vector<16xi32>
    %sub3A_689 = arith.subi %add3A_686, %sub3A_688 : vector<16xi32>
    %select_n3A_690 = arith.select %eq3A_676, %sub3A_689, %select_n3A_668 : vector<16xi1>, vector<16xi32>
    %reduce_sum3A_691 = arith.constant true
    %reduce_sum3A_692 = vector.broadcast %reduce_sum3A_691 : i1 to vector<16xi1>
    %reduce_sum3A_693 = tpu.scan <sum>, %select_n3A_681 masked %reduce_sum3A_692 : vector<16xi32>, vector<16xi1> -> vector<16xi32>
    %reduce_sum3A_694 = vector.extract %reduce_sum3A_693[15] : i32 from vector<16xi32>
    %add3A_695 = arith.addi %add3A_593, %reduce_sum3A_694 : i32
    %eq3A_696 = arith.constant 2 : i32
    %eq3A_697 = vector.broadcast %eq3A_696 : i32 to vector<16xi32>
    %eq3A_698 = arith.cmpi eq, %get3A_651, %eq3A_697 : vector<16xi32>
    %jit3A_699 = arith.constant 1 : i32
    %jit3A_700 = arith.constant 0 : i32
    %broadcast_in_dim3A_701 = vector.broadcast %jit3A_699 : i32 to vector<16xi32>
    %broadcast_in_dim3A_702 = vector.broadcast %jit3A_700 : i32 to vector<16xi32>
    %select_n3A_703 = arith.select %eq3A_698, %broadcast_in_dim3A_701, %broadcast_in_dim3A_702 : vector<16xi1>, vector<16xi32>
    %broadcast_in_dim3A_704 = arith.constant true
    %broadcast_in_dim3A_705 = vector.broadcast %broadcast_in_dim3A_704 : i1 to vector<16xi1>
    %masked_cumsum3A_706 = tpu.scan <sum>, %select_n3A_703 masked %broadcast_in_dim3A_705 : vector<16xi32>, vector<16xi1> -> vector<16xi32>
    %add3A_707 = vector.broadcast %add3A_615 : i32 to vector<16xi32>
    %add3A_708 = arith.addi %add3A_707, %masked_cumsum3A_706 : vector<16xi32>
    %sub3A_709 = arith.constant 1 : i32
    %sub3A_710 = vector.broadcast %sub3A_709 : i32 to vector<16xi32>
    %sub3A_711 = arith.subi %add3A_708, %sub3A_710 : vector<16xi32>
    %select_n3A_712 = arith.select %eq3A_698, %sub3A_711, %select_n3A_690 : vector<16xi1>, vector<16xi32>
    %reduce_sum3A_713 = arith.constant true
    %reduce_sum3A_714 = vector.broadcast %reduce_sum3A_713 : i1 to vector<16xi1>
    %reduce_sum3A_715 = tpu.scan <sum>, %select_n3A_703 masked %reduce_sum3A_714 : vector<16xi32>, vector<16xi1> -> vector<16xi32>
    %reduce_sum3A_716 = vector.extract %reduce_sum3A_715[15] : i32 from vector<16xi32>
    %add3A_717 = arith.addi %add3A_615, %reduce_sum3A_716 : i32
    %eq3A_718 = arith.constant 3 : i32
    %eq3A_719 = vector.broadcast %eq3A_718 : i32 to vector<16xi32>
    %eq3A_720 = arith.cmpi eq, %get3A_651, %eq3A_719 : vector<16xi32>
    %jit3A_721 = arith.constant 1 : i32
    %jit3A_722 = arith.constant 0 : i32
    %broadcast_in_dim3A_723 = vector.broadcast %jit3A_721 : i32 to vector<16xi32>
    %broadcast_in_dim3A_724 = vector.broadcast %jit3A_722 : i32 to vector<16xi32>
    %select_n3A_725 = arith.select %eq3A_720, %broadcast_in_dim3A_723, %broadcast_in_dim3A_724 : vector<16xi1>, vector<16xi32>
    %broadcast_in_dim3A_726 = arith.constant true
    %broadcast_in_dim3A_727 = vector.broadcast %broadcast_in_dim3A_726 : i1 to vector<16xi1>
    %masked_cumsum3A_728 = tpu.scan <sum>, %select_n3A_725 masked %broadcast_in_dim3A_727 : vector<16xi32>, vector<16xi1> -> vector<16xi32>
    %add3A_729 = vector.broadcast %add3A_637 : i32 to vector<16xi32>
    %add3A_730 = arith.addi %add3A_729, %masked_cumsum3A_728 : vector<16xi32>
    %sub3A_731 = arith.constant 1 : i32
    %sub3A_732 = vector.broadcast %sub3A_731 : i32 to vector<16xi32>
    %sub3A_733 = arith.subi %add3A_730, %sub3A_732 : vector<16xi32>
    %select_n3A_734 = arith.select %eq3A_720, %sub3A_733, %select_n3A_712 : vector<16xi1>, vector<16xi32>
    %reduce_sum3A_735 = arith.constant true
    %reduce_sum3A_736 = vector.broadcast %reduce_sum3A_735 : i1 to vector<16xi1>
    %reduce_sum3A_737 = tpu.scan <sum>, %select_n3A_725 masked %reduce_sum3A_736 : vector<16xi32>, vector<16xi1> -> vector<16xi32>
    %reduce_sum3A_738 = vector.extract %reduce_sum3A_737[15] : i32 from vector<16xi32>
    %add3A_739 = arith.addi %add3A_637, %reduce_sum3A_738 : i32
    %swap3A_740 = arith.constant 2 : i32
    %swap3A_741 = arith.index_cast %swap3A_740 : i32 to index
    %swap3A_742 = arith.constant 0 : index
    %swap3A_743 = tpu.vector_load %arg8[%swap3A_741, %swap3A_742] {strides = array<i32>} : memref<4x32xi32, #tpu.memory_space<vmem>>, vector<16xi32>,
    tpu.vector_store %arg8[%swap3A_741, %swap3A_742], %select_n3A_734 {strides = array<i32>} : memref<4x32xi32, #tpu.memory_space<vmem>>, vector<16xi32>,
    %swap3A_744 = arith.constant 1 : i32
    %swap3A_745 = arith.index_cast %swap3A_744 : i32 to index
    %swap3A_746 = arith.constant 0 : index
    %swap3A_747 = tpu.vector_load %arg9[%swap3A_745, %swap3A_746] {strides = array<i32>} : memref<2x64xi32, #tpu.memory_space<vmem>>, vector<16xi32>,
    tpu.vector_store %arg9[%swap3A_745, %swap3A_746], %select_n3A_734 {strides = array<i32>} : memref<2x64xi32, #tpu.memory_space<vmem>>, vector<16xi32>,
    %add3A_748 = arith.constant 80 : i32
    %add3A_749 = arith.addi %mul3A_2, %add3A_748 : i32
    %get3A_750 = arith.constant 0 : i32
    %get3A_751 = arith.index_cast %get3A_750 : i32 to index
    %get3A_752 = arith.index_cast %add3A_749 : i32 to index
    %get3A_753 = tpu.vector_load %arg7[%get3A_751, %get3A_752] {strides = array<i32>} : memref<1x4096xi32, #tpu.memory_space<vmem>>, vector<16xi32>,
    %eq3A_754 = arith.constant 0 : i32
    %eq3A_755 = vector.broadcast %eq3A_754 : i32 to vector<16xi32>
    %eq3A_756 = arith.cmpi eq, %get3A_753, %eq3A_755 : vector<16xi32>
    %jit3A_757 = arith.constant 1 : i32
    %jit3A_758 = arith.constant 0 : i32
    %broadcast_in_dim3A_759 = vector.broadcast %jit3A_757 : i32 to vector<16xi32>
    %broadcast_in_dim3A_760 = vector.broadcast %jit3A_758 : i32 to vector<16xi32>
    %select_n3A_761 = arith.select %eq3A_756, %broadcast_in_dim3A_759, %broadcast_in_dim3A_760 : vector<16xi1>, vector<16xi32>
    %broadcast_in_dim3A_762 = arith.constant true
    %broadcast_in_dim3A_763 = vector.broadcast %broadcast_in_dim3A_762 : i1 to vector<16xi1>
    %masked_cumsum3A_764 = tpu.scan <sum>, %select_n3A_761 masked %broadcast_in_dim3A_763 : vector<16xi32>, vector<16xi1> -> vector<16xi32>
    %add3A_765 = vector.broadcast %add3A_673 : i32 to vector<16xi32>
    %add3A_766 = arith.addi %add3A_765, %masked_cumsum3A_764 : vector<16xi32>
    %sub3A_767 = arith.constant 1 : i32
    %sub3A_768 = vector.broadcast %sub3A_767 : i32 to vector<16xi32>
    %sub3A_769 = arith.subi %add3A_766, %sub3A_768 : vector<16xi32>
    %select_n3A_770 = arith.select %eq3A_756, %sub3A_769, %broadcast_in_dim3A_16 : vector<16xi1>, vector<16xi32>
    %reduce_sum3A_771 = arith.constant true
    %reduce_sum3A_772 = vector.broadcast %reduce_sum3A_771 : i1 to vector<16xi1>
    %reduce_sum3A_773 = tpu.scan <sum>, %select_n3A_761 masked %reduce_sum3A_772 : vector<16xi32>, vector<16xi1> -> vector<16xi32>
    %reduce_sum3A_774 = vector.extract %reduce_sum3A_773[15] : i32 from vector<16xi32>
    %add3A_775 = arith.addi %add3A_673, %reduce_sum3A_774 : i32
    %eq3A_776 = arith.constant 1 : i32
    %eq3A_777 = vector.broadcast %eq3A_776 : i32 to vector<16xi32>
    %eq3A_778 = arith.cmpi eq, %get3A_753, %eq3A_777 : vector<16xi32>
    %jit3A_779 = arith.constant 1 : i32
    %jit3A_780 = arith.constant 0 : i32
    %broadcast_in_dim3A_781 = vector.broadcast %jit3A_779 : i32 to vector<16xi32>
    %broadcast_in_dim3A_782 = vector.broadcast %jit3A_780 : i32 to vector<16xi32>
    %select_n3A_783 = arith.select %eq3A_778, %broadcast_in_dim3A_781, %broadcast_in_dim3A_782 : vector<16xi1>, vector<16xi32>
    %broadcast_in_dim3A_784 = arith.constant true
    %broadcast_in_dim3A_785 = vector.broadcast %broadcast_in_dim3A_784 : i1 to vector<16xi1>
    %masked_cumsum3A_786 = tpu.scan <sum>, %select_n3A_783 masked %broadcast_in_dim3A_785 : vector<16xi32>, vector<16xi1> -> vector<16xi32>
    %add3A_787 = vector.broadcast %add3A_695 : i32 to vector<16xi32>
    %add3A_788 = arith.addi %add3A_787, %masked_cumsum3A_786 : vector<16xi32>
    %sub3A_789 = arith.constant 1 : i32
    %sub3A_790 = vector.broadcast %sub3A_789 : i32 to vector<16xi32>
    %sub3A_791 = arith.subi %add3A_788, %sub3A_790 : vector<16xi32>
    %select_n3A_792 = arith.select %eq3A_778, %sub3A_791, %select_n3A_770 : vector<16xi1>, vector<16xi32>
    %reduce_sum3A_793 = arith.constant true
    %reduce_sum3A_794 = vector.broadcast %reduce_sum3A_793 : i1 to vector<16xi1>
    %reduce_sum3A_795 = tpu.scan <sum>, %select_n3A_783 masked %reduce_sum3A_794 : vector<16xi32>, vector<16xi1> -> vector<16xi32>
    %reduce_sum3A_796 = vector.extract %reduce_sum3A_795[15] : i32 from vector<16xi32>
    %add3A_797 = arith.addi %add3A_695, %reduce_sum3A_796 : i32
    %eq3A_798 = arith.constant 2 : i32
    %eq3A_799 = vector.broadcast %eq3A_798 : i32 to vector<16xi32>
    %eq3A_800 = arith.cmpi eq, %get3A_753, %eq3A_799 : vector<16xi32>
    %jit3A_801 = arith.constant 1 : i32
    %jit3A_802 = arith.constant 0 : i32
    %broadcast_in_dim3A_803 = vector.broadcast %jit3A_801 : i32 to vector<16xi32>
    %broadcast_in_dim3A_804 = vector.broadcast %jit3A_802 : i32 to vector<16xi32>
    %select_n3A_805 = arith.select %eq3A_800, %broadcast_in_dim3A_803, %broadcast_in_dim3A_804 : vector<16xi1>, vector<16xi32>
    %broadcast_in_dim3A_806 = arith.constant true
    %broadcast_in_dim3A_807 = vector.broadcast %broadcast_in_dim3A_806 : i1 to vector<16xi1>
    %masked_cumsum3A_808 = tpu.scan <sum>, %select_n3A_805 masked %broadcast_in_dim3A_807 : vector<16xi32>, vector<16xi1> -> vector<16xi32>
    %add3A_809 = vector.broadcast %add3A_717 : i32 to vector<16xi32>
    %add3A_810 = arith.addi %add3A_809, %masked_cumsum3A_808 : vector<16xi32>
    %sub3A_811 = arith.constant 1 : i32
    %sub3A_812 = vector.broadcast %sub3A_811 : i32 to vector<16xi32>
    %sub3A_813 = arith.subi %add3A_810, %sub3A_812 : vector<16xi32>
    %select_n3A_814 = arith.select %eq3A_800, %sub3A_813, %select_n3A_792 : vector<16xi1>, vector<16xi32>
    %reduce_sum3A_815 = arith.constant true
    %reduce_sum3A_816 = vector.broadcast %reduce_sum3A_815 : i1 to vector<16xi1>
    %reduce_sum3A_817 = tpu.scan <sum>, %select_n3A_805 masked %reduce_sum3A_816 : vector<16xi32>, vector<16xi1> -> vector<16xi32>
    %reduce_sum3A_818 = vector.extract %reduce_sum3A_817[15] : i32 from vector<16xi32>
    %add3A_819 = arith.addi %add3A_717, %reduce_sum3A_818 : i32
    %eq3A_820 = arith.constant 3 : i32
    %eq3A_821 = vector.broadcast %eq3A_820 : i32 to vector<16xi32>
    %eq3A_822 = arith.cmpi eq, %get3A_753, %eq3A_821 : vector<16xi32>
    %jit3A_823 = arith.constant 1 : i32
    %jit3A_824 = arith.constant 0 : i32
    %broadcast_in_dim3A_825 = vector.broadcast %jit3A_823 : i32 to vector<16xi32>
    %broadcast_in_dim3A_826 = vector.broadcast %jit3A_824 : i32 to vector<16xi32>
    %select_n3A_827 = arith.select %eq3A_822, %broadcast_in_dim3A_825, %broadcast_in_dim3A_826 : vector<16xi1>, vector<16xi32>
    %broadcast_in_dim3A_828 = arith.constant true
    %broadcast_in_dim3A_829 = vector.broadcast %broadcast_in_dim3A_828 : i1 to vector<16xi1>
    %masked_cumsum3A_830 = tpu.scan <sum>, %select_n3A_827 masked %broadcast_in_dim3A_829 : vector<16xi32>, vector<16xi1> -> vector<16xi32>
    %add3A_831 = vector.broadcast %add3A_739 : i32 to vector<16xi32>
    %add3A_832 = arith.addi %add3A_831, %masked_cumsum3A_830 : vector<16xi32>
    %sub3A_833 = arith.constant 1 : i32
    %sub3A_834 = vector.broadcast %sub3A_833 : i32 to vector<16xi32>
    %sub3A_835 = arith.subi %add3A_832, %sub3A_834 : vector<16xi32>
    %select_n3A_836 = arith.select %eq3A_822, %sub3A_835, %select_n3A_814 : vector<16xi1>, vector<16xi32>
    %reduce_sum3A_837 = arith.constant true
    %reduce_sum3A_838 = vector.broadcast %reduce_sum3A_837 : i1 to vector<16xi1>
    %reduce_sum3A_839 = tpu.scan <sum>, %select_n3A_827 masked %reduce_sum3A_838 : vector<16xi32>, vector<16xi1> -> vector<16xi32>
    %reduce_sum3A_840 = vector.extract %reduce_sum3A_839[15] : i32 from vector<16xi32>
    %add3A_841 = arith.addi %add3A_739, %reduce_sum3A_840 : i32
    %swap3A_842 = arith.constant 2 : i32
    %swap3A_843 = arith.index_cast %swap3A_842 : i32 to index
    %swap3A_844 = arith.constant 16 : index
    %swap3A_845 = tpu.vector_load %arg8[%swap3A_843, %swap3A_844] {strides = array<i32>} : memref<4x32xi32, #tpu.memory_space<vmem>>, vector<16xi32>,
    tpu.vector_store %arg8[%swap3A_843, %swap3A_844], %select_n3A_836 {strides = array<i32>} : memref<4x32xi32, #tpu.memory_space<vmem>>, vector<16xi32>,
    %swap3A_846 = arith.constant 1 : i32
    %swap3A_847 = arith.index_cast %swap3A_846 : i32 to index
    %swap3A_848 = arith.constant 16 : index
    %swap3A_849 = tpu.vector_load %arg9[%swap3A_847, %swap3A_848] {strides = array<i32>} : memref<2x64xi32, #tpu.memory_space<vmem>>, vector<16xi32>,
    tpu.vector_store %arg9[%swap3A_847, %swap3A_848], %select_n3A_836 {strides = array<i32>} : memref<2x64xi32, #tpu.memory_space<vmem>>, vector<16xi32>,
    %add3A_850 = arith.constant 96 : i32
    %add3A_851 = arith.addi %mul3A_2, %add3A_850 : i32
    %get3A_852 = arith.constant 0 : i32
    %get3A_853 = arith.index_cast %get3A_852 : i32 to index
    %get3A_854 = arith.index_cast %add3A_851 : i32 to index
    %get3A_855 = tpu.vector_load %arg7[%get3A_853, %get3A_854] {strides = array<i32>} : memref<1x4096xi32, #tpu.memory_space<vmem>>, vector<16xi32>,
    %eq3A_856 = arith.constant 0 : i32
    %eq3A_857 = vector.broadcast %eq3A_856 : i32 to vector<16xi32>
    %eq3A_858 = arith.cmpi eq, %get3A_855, %eq3A_857 : vector<16xi32>
    %jit3A_859 = arith.constant 1 : i32
    %jit3A_860 = arith.constant 0 : i32
    %broadcast_in_dim3A_861 = vector.broadcast %jit3A_859 : i32 to vector<16xi32>
    %broadcast_in_dim3A_862 = vector.broadcast %jit3A_860 : i32 to vector<16xi32>
    %select_n3A_863 = arith.select %eq3A_858, %broadcast_in_dim3A_861, %broadcast_in_dim3A_862 : vector<16xi1>, vector<16xi32>
    %broadcast_in_dim3A_864 = arith.constant true
    %broadcast_in_dim3A_865 = vector.broadcast %broadcast_in_dim3A_864 : i1 to vector<16xi1>
    %masked_cumsum3A_866 = tpu.scan <sum>, %select_n3A_863 masked %broadcast_in_dim3A_865 : vector<16xi32>, vector<16xi1> -> vector<16xi32>
    %add3A_867 = vector.broadcast %add3A_775 : i32 to vector<16xi32>
    %add3A_868 = arith.addi %add3A_867, %masked_cumsum3A_866 : vector<16xi32>
    %sub3A_869 = arith.constant 1 : i32
    %sub3A_870 = vector.broadcast %sub3A_869 : i32 to vector<16xi32>
    %sub3A_871 = arith.subi %add3A_868, %sub3A_870 : vector<16xi32>
    %select_n3A_872 = arith.select %eq3A_858, %sub3A_871, %broadcast_in_dim3A_16 : vector<16xi1>, vector<16xi32>
    %reduce_sum3A_873 = arith.constant true
    %reduce_sum3A_874 = vector.broadcast %reduce_sum3A_873 : i1 to vector<16xi1>
    %reduce_sum3A_875 = tpu.scan <sum>, %select_n3A_863 masked %reduce_sum3A_874 : vector<16xi32>, vector<16xi1> -> vector<16xi32>
    %reduce_sum3A_876 = vector.extract %reduce_sum3A_875[15] : i32 from vector<16xi32>
    %add3A_877 = arith.addi %add3A_775, %reduce_sum3A_876 : i32
    %eq3A_878 = arith.constant 1 : i32
    %eq3A_879 = vector.broadcast %eq3A_878 : i32 to vector<16xi32>
    %eq3A_880 = arith.cmpi eq, %get3A_855, %eq3A_879 : vector<16xi32>
    %jit3A_881 = arith.constant 1 : i32
    %jit3A_882 = arith.constant 0 : i32
    %broadcast_in_dim3A_883 = vector.broadcast %jit3A_881 : i32 to vector<16xi32>
    %broadcast_in_dim3A_884 = vector.broadcast %jit3A_882 : i32 to vector<16xi32>
    %select_n3A_885 = arith.select %eq3A_880, %broadcast_in_dim3A_883, %broadcast_in_dim3A_884 : vector<16xi1>, vector<16xi32>
    %broadcast_in_dim3A_886 = arith.constant true
    %broadcast_in_dim3A_887 = vector.broadcast %broadcast_in_dim3A_886 : i1 to vector<16xi1>
    %masked_cumsum3A_888 = tpu.scan <sum>, %select_n3A_885 masked %broadcast_in_dim3A_887 : vector<16xi32>, vector<16xi1> -> vector<16xi32>
    %add3A_889 = vector.broadcast %add3A_797 : i32 to vector<16xi32>
    %add3A_890 = arith.addi %add3A_889, %masked_cumsum3A_888 : vector<16xi32>
    %sub3A_891 = arith.constant 1 : i32
    %sub3A_892 = vector.broadcast %sub3A_891 : i32 to vector<16xi32>
    %sub3A_893 = arith.subi %add3A_890, %sub3A_892 : vector<16xi32>
    %select_n3A_894 = arith.select %eq3A_880, %sub3A_893, %select_n3A_872 : vector<16xi1>, vector<16xi32>
    %reduce_sum3A_895 = arith.constant true
    %reduce_sum3A_896 = vector.broadcast %reduce_sum3A_895 : i1 to vector<16xi1>
    %reduce_sum3A_897 = tpu.scan <sum>, %select_n3A_885 masked %reduce_sum3A_896 : vector<16xi32>, vector<16xi1> -> vector<16xi32>
    %reduce_sum3A_898 = vector.extract %reduce_sum3A_897[15] : i32 from vector<16xi32>
    %add3A_899 = arith.addi %add3A_797, %reduce_sum3A_898 : i32
    %eq3A_900 = arith.constant 2 : i32
    %eq3A_901 = vector.broadcast %eq3A_900 : i32 to vector<16xi32>
    %eq3A_902 = arith.cmpi eq, %get3A_855, %eq3A_901 : vector<16xi32>
    %jit3A_903 = arith.constant 1 : i32
    %jit3A_904 = arith.constant 0 : i32
    %broadcast_in_dim3A_905 = vector.broadcast %jit3A_903 : i32 to vector<16xi32>
    %broadcast_in_dim3A_906 = vector.broadcast %jit3A_904 : i32 to vector<16xi32>
    %select_n3A_907 = arith.select %eq3A_902, %broadcast_in_dim3A_905, %broadcast_in_dim3A_906 : vector<16xi1>, vector<16xi32>
    %broadcast_in_dim3A_908 = arith.constant true
    %broadcast_in_dim3A_909 = vector.broadcast %broadcast_in_dim3A_908 : i1 to vector<16xi1>
    %masked_cumsum3A_910 = tpu.scan <sum>, %select_n3A_907 masked %broadcast_in_dim3A_909 : vector<16xi32>, vector<16xi1> -> vector<16xi32>
    %add3A_911 = vector.broadcast %add3A_819 : i32 to vector<16xi32>
    %add3A_912 = arith.addi %add3A_911, %masked_cumsum3A_910 : vector<16xi32>
    %sub3A_913 = arith.constant 1 : i32
    %sub3A_914 = vector.broadcast %sub3A_913 : i32 to vector<16xi32>
    %sub3A_915 = arith.subi %add3A_912, %sub3A_914 : vector<16xi32>
    %select_n3A_916 = arith.select %eq3A_902, %sub3A_915, %select_n3A_894 : vector<16xi1>, vector<16xi32>
    %reduce_sum3A_917 = arith.constant true
    %reduce_sum3A_918 = vector.broadcast %reduce_sum3A_917 : i1 to vector<16xi1>
    %reduce_sum3A_919 = tpu.scan <sum>, %select_n3A_907 masked %reduce_sum3A_918 : vector<16xi32>, vector<16xi1> -> vector<16xi32>
    %reduce_sum3A_920 = vector.extract %reduce_sum3A_919[15] : i32 from vector<16xi32>
    %add3A_921 = arith.addi %add3A_819, %reduce_sum3A_920 : i32
    %eq3A_922 = arith.constant 3 : i32
    %eq3A_923 = vector.broadcast %eq3A_922 : i32 to vector<16xi32>
    %eq3A_924 = arith.cmpi eq, %get3A_855, %eq3A_923 : vector<16xi32>
    %jit3A_925 = arith.constant 1 : i32
    %jit3A_926 = arith.constant 0 : i32
    %broadcast_in_dim3A_927 = vector.broadcast %jit3A_925 : i32 to vector<16xi32>
    %broadcast_in_dim3A_928 = vector.broadcast %jit3A_926 : i32 to vector<16xi32>
    %select_n3A_929 = arith.select %eq3A_924, %broadcast_in_dim3A_927, %broadcast_in_dim3A_928 : vector<16xi1>, vector<16xi32>
    %broadcast_in_dim3A_930 = arith.constant true
    %broadcast_in_dim3A_931 = vector.broadcast %broadcast_in_dim3A_930 : i1 to vector<16xi1>
    %masked_cumsum3A_932 = tpu.scan <sum>, %select_n3A_929 masked %broadcast_in_dim3A_931 : vector<16xi32>, vector<16xi1> -> vector<16xi32>
    %add3A_933 = vector.broadcast %add3A_841 : i32 to vector<16xi32>
    %add3A_934 = arith.addi %add3A_933, %masked_cumsum3A_932 : vector<16xi32>
    %sub3A_935 = arith.constant 1 : i32
    %sub3A_936 = vector.broadcast %sub3A_935 : i32 to vector<16xi32>
    %sub3A_937 = arith.subi %add3A_934, %sub3A_936 : vector<16xi32>
    %select_n3A_938 = arith.select %eq3A_924, %sub3A_937, %select_n3A_916 : vector<16xi1>, vector<16xi32>
    %reduce_sum3A_939 = arith.constant true
    %reduce_sum3A_940 = vector.broadcast %reduce_sum3A_939 : i1 to vector<16xi1>
    %reduce_sum3A_941 = tpu.scan <sum>, %select_n3A_929 masked %reduce_sum3A_940 : vector<16xi32>, vector<16xi1> -> vector<16xi32>
    %reduce_sum3A_942 = vector.extract %reduce_sum3A_941[15] : i32 from vector<16xi32>
    %add3A_943 = arith.addi %add3A_841, %reduce_sum3A_942 : i32
    %swap3A_944 = arith.constant 3 : i32
    %swap3A_945 = arith.index_cast %swap3A_944 : i32 to index
    %swap3A_946 = arith.constant 0 : index
    %swap3A_947 = tpu.vector_load %arg8[%swap3A_945, %swap3A_946] {strides = array<i32>} : memref<4x32xi32, #tpu.memory_space<vmem>>, vector<16xi32>,
    tpu.vector_store %arg8[%swap3A_945, %swap3A_946], %select_n3A_938 {strides = array<i32>} : memref<4x32xi32, #tpu.memory_space<vmem>>, vector<16xi32>,
    %swap3A_948 = arith.constant 1 : i32
    %swap3A_949 = arith.index_cast %swap3A_948 : i32 to index
    %swap3A_950 = arith.constant 32 : index
    %swap3A_951 = tpu.vector_load %arg9[%swap3A_949, %swap3A_950] {strides = array<i32>} : memref<2x64xi32, #tpu.memory_space<vmem>>, vector<16xi32>,
    tpu.vector_store %arg9[%swap3A_949, %swap3A_950], %select_n3A_938 {strides = array<i32>} : memref<2x64xi32, #tpu.memory_space<vmem>>, vector<16xi32>,
    %add3A_952 = arith.constant 112 : i32
    %add3A_953 = arith.addi %mul3A_2, %add3A_952 : i32
    %get3A_954 = arith.constant 0 : i32
    %get3A_955 = arith.index_cast %get3A_954 : i32 to index
    %get3A_956 = arith.index_cast %add3A_953 : i32 to index
    %get3A_957 = tpu.vector_load %arg7[%get3A_955, %get3A_956] {strides = array<i32>} : memref<1x4096xi32, #tpu.memory_space<vmem>>, vector<16xi32>,
    %eq3A_958 = arith.constant 0 : i32
    %eq3A_959 = vector.broadcast %eq3A_958 : i32 to vector<16xi32>
    %eq3A_960 = arith.cmpi eq, %get3A_957, %eq3A_959 : vector<16xi32>
    %jit3A_961 = arith.constant 1 : i32
    %jit3A_962 = arith.constant 0 : i32
    %broadcast_in_dim3A_963 = vector.broadcast %jit3A_961 : i32 to vector<16xi32>
    %broadcast_in_dim3A_964 = vector.broadcast %jit3A_962 : i32 to vector<16xi32>
    %select_n3A_965 = arith.select %eq3A_960, %broadcast_in_dim3A_963, %broadcast_in_dim3A_964 : vector<16xi1>, vector<16xi32>
    %broadcast_in_dim3A_966 = arith.constant true
    %broadcast_in_dim3A_967 = vector.broadcast %broadcast_in_dim3A_966 : i1 to vector<16xi1>
    %masked_cumsum3A_968 = tpu.scan <sum>, %select_n3A_965 masked %broadcast_in_dim3A_967 : vector<16xi32>, vector<16xi1> -> vector<16xi32>
    %add3A_969 = vector.broadcast %add3A_877 : i32 to vector<16xi32>
    %add3A_970 = arith.addi %add3A_969, %masked_cumsum3A_968 : vector<16xi32>
    %sub3A_971 = arith.constant 1 : i32
    %sub3A_972 = vector.broadcast %sub3A_971 : i32 to vector<16xi32>
    %sub3A_973 = arith.subi %add3A_970, %sub3A_972 : vector<16xi32>
    %select_n3A_974 = arith.select %eq3A_960, %sub3A_973, %broadcast_in_dim3A_16 : vector<16xi1>, vector<16xi32>
    %reduce_sum3A_975 = arith.constant true
    %reduce_sum3A_976 = vector.broadcast %reduce_sum3A_975 : i1 to vector<16xi1>
    %reduce_sum3A_977 = tpu.scan <sum>, %select_n3A_965 masked %reduce_sum3A_976 : vector<16xi32>, vector<16xi1> -> vector<16xi32>
    %reduce_sum3A_978 = vector.extract %reduce_sum3A_977[15] : i32 from vector<16xi32>
    %add3A_979 = arith.addi %add3A_877, %reduce_sum3A_978 : i32
    %eq3A_980 = arith.constant 1 : i32
    %eq3A_981 = vector.broadcast %eq3A_980 : i32 to vector<16xi32>
    %eq3A_982 = arith.cmpi eq, %get3A_957, %eq3A_981 : vector<16xi32>
    %jit3A_983 = arith.constant 1 : i32
    %jit3A_984 = arith.constant 0 : i32
    %broadcast_in_dim3A_985 = vector.broadcast %jit3A_983 : i32 to vector<16xi32>
    %broadcast_in_dim3A_986 = vector.broadcast %jit3A_984 : i32 to vector<16xi32>
    %select_n3A_987 = arith.select %eq3A_982, %broadcast_in_dim3A_985, %broadcast_in_dim3A_986 : vector<16xi1>, vector<16xi32>
    %broadcast_in_dim3A_988 = arith.constant true
    %broadcast_in_dim3A_989 = vector.broadcast %broadcast_in_dim3A_988 : i1 to vector<16xi1>
    %masked_cumsum3A_990 = tpu.scan <sum>, %select_n3A_987 masked %broadcast_in_dim3A_989 : vector<16xi32>, vector<16xi1> -> vector<16xi32>
    %add3A_991 = vector.broadcast %add3A_899 : i32 to vector<16xi32>
    %add3A_992 = arith.addi %add3A_991, %masked_cumsum3A_990 : vector<16xi32>
    %sub3A_993 = arith.constant 1 : i32
    %sub3A_994 = vector.broadcast %sub3A_993 : i32 to vector<16xi32>
    %sub3A_995 = arith.subi %add3A_992, %sub3A_994 : vector<16xi32>
    %select_n3A_996 = arith.select %eq3A_982, %sub3A_995, %select_n3A_974 : vector<16xi1>, vector<16xi32>
    %reduce_sum3A_997 = arith.constant true
    %reduce_sum3A_998 = vector.broadcast %reduce_sum3A_997 : i1 to vector<16xi1>
    %reduce_sum3A_999 = tpu.scan <sum>, %select_n3A_987 masked %reduce_sum3A_998 : vector<16xi32>, vector<16xi1> -> vector<16xi32>
    %reduce_sum3A_1000 = vector.extract %reduce_sum3A_999[15] : i32 from vector<16xi32>
    %add3A_1001 = arith.addi %add3A_899, %reduce_sum3A_1000 : i32
    %eq3A_1002 = arith.constant 2 : i32
    %eq3A_1003 = vector.broadcast %eq3A_1002 : i32 to vector<16xi32>
    %eq3A_1004 = arith.cmpi eq, %get3A_957, %eq3A_1003 : vector<16xi32>
    %jit3A_1005 = arith.constant 1 : i32
    %jit3A_1006 = arith.constant 0 : i32
    %broadcast_in_dim3A_1007 = vector.broadcast %jit3A_1005 : i32 to vector<16xi32>
    %broadcast_in_dim3A_1008 = vector.broadcast %jit3A_1006 : i32 to vector<16xi32>
    %select_n3A_1009 = arith.select %eq3A_1004, %broadcast_in_dim3A_1007, %broadcast_in_dim3A_1008 : vector<16xi1>, vector<16xi32>
    %broadcast_in_dim3A_1010 = arith.constant true
    %broadcast_in_dim3A_1011 = vector.broadcast %broadcast_in_dim3A_1010 : i1 to vector<16xi1>
    %masked_cumsum3A_1012 = tpu.scan <sum>, %select_n3A_1009 masked %broadcast_in_dim3A_1011 : vector<16xi32>, vector<16xi1> -> vector<16xi32>
    %add3A_1013 = vector.broadcast %add3A_921 : i32 to vector<16xi32>
    %add3A_1014 = arith.addi %add3A_1013, %masked_cumsum3A_1012 : vector<16xi32>
    %sub3A_1015 = arith.constant 1 : i32
    %sub3A_1016 = vector.broadcast %sub3A_1015 : i32 to vector<16xi32>
    %sub3A_1017 = arith.subi %add3A_1014, %sub3A_1016 : vector<16xi32>
    %select_n3A_1018 = arith.select %eq3A_1004, %sub3A_1017, %select_n3A_996 : vector<16xi1>, vector<16xi32>
    %reduce_sum3A_1019 = arith.constant true
    %reduce_sum3A_1020 = vector.broadcast %reduce_sum3A_1019 : i1 to vector<16xi1>
    %reduce_sum3A_1021 = tpu.scan <sum>, %select_n3A_1009 masked %reduce_sum3A_1020 : vector<16xi32>, vector<16xi1> -> vector<16xi32>
    %reduce_sum3A_1022 = vector.extract %reduce_sum3A_1021[15] : i32 from vector<16xi32>
    %add3A_1023 = arith.addi %add3A_921, %reduce_sum3A_1022 : i32
    %eq3A_1024 = arith.constant 3 : i32
    %eq3A_1025 = vector.broadcast %eq3A_1024 : i32 to vector<16xi32>
    %eq3A_1026 = arith.cmpi eq, %get3A_957, %eq3A_1025 : vector<16xi32>
    %jit3A_1027 = arith.constant 1 : i32
    %jit3A_1028 = arith.constant 0 : i32
    %broadcast_in_dim3A_1029 = vector.broadcast %jit3A_1027 : i32 to vector<16xi32>
    %broadcast_in_dim3A_1030 = vector.broadcast %jit3A_1028 : i32 to vector<16xi32>
    %select_n3A_1031 = arith.select %eq3A_1026, %broadcast_in_dim3A_1029, %broadcast_in_dim3A_1030 : vector<16xi1>, vector<16xi32>
    %broadcast_in_dim3A_1032 = arith.constant true
    %broadcast_in_dim3A_1033 = vector.broadcast %broadcast_in_dim3A_1032 : i1 to vector<16xi1>
    %masked_cumsum3A_1034 = tpu.scan <sum>, %select_n3A_1031 masked %broadcast_in_dim3A_1033 : vector<16xi32>, vector<16xi1> -> vector<16xi32>
    %add3A_1035 = vector.broadcast %add3A_943 : i32 to vector<16xi32>
    %add3A_1036 = arith.addi %add3A_1035, %masked_cumsum3A_1034 : vector<16xi32>
    %sub3A_1037 = arith.constant 1 : i32
    %sub3A_1038 = vector.broadcast %sub3A_1037 : i32 to vector<16xi32>
    %sub3A_1039 = arith.subi %add3A_1036, %sub3A_1038 : vector<16xi32>
    %select_n3A_1040 = arith.select %eq3A_1026, %sub3A_1039, %select_n3A_1018 : vector<16xi1>, vector<16xi32>
    %reduce_sum3A_1041 = arith.constant true
    %reduce_sum3A_1042 = vector.broadcast %reduce_sum3A_1041 : i1 to vector<16xi1>
    %reduce_sum3A_1043 = tpu.scan <sum>, %select_n3A_1031 masked %reduce_sum3A_1042 : vector<16xi32>, vector<16xi1> -> vector<16xi32>
    %reduce_sum3A_1044 = vector.extract %reduce_sum3A_1043[15] : i32 from vector<16xi32>
    %add3A_1045 = arith.addi %add3A_943, %reduce_sum3A_1044 : i32
    %swap3A_1046 = arith.constant 3 : i32
    %swap3A_1047 = arith.index_cast %swap3A_1046 : i32 to index
    %swap3A_1048 = arith.constant 16 : index
    %swap3A_1049 = tpu.vector_load %arg8[%swap3A_1047, %swap3A_1048] {strides = array<i32>} : memref<4x32xi32, #tpu.memory_space<vmem>>, vector<16xi32>,
    tpu.vector_store %arg8[%swap3A_1047, %swap3A_1048], %select_n3A_1040 {strides = array<i32>} : memref<4x32xi32, #tpu.memory_space<vmem>>, vector<16xi32>,
    %swap3A_1050 = arith.constant 1 : i32
    %swap3A_1051 = arith.index_cast %swap3A_1050 : i32 to index
    %swap3A_1052 = arith.constant 48 : index
    %swap3A_1053 = tpu.vector_load %arg9[%swap3A_1051, %swap3A_1052] {strides = array<i32>} : memref<2x64xi32, #tpu.memory_space<vmem>>, vector<16xi32>,
    tpu.vector_store %arg9[%swap3A_1051, %swap3A_1052], %select_n3A_1040 {strides = array<i32>} : memref<2x64xi32, #tpu.memory_space<vmem>>, vector<16xi32>,
    %mul3A_1054 = arith.constant 4 : i32
    %mul3A_1055 = arith.muli %add3A, %mul3A_1054 : i32
    "tpu.region"() ({
      %run_scoped3A = tpu.sem_alloc : memref<!tpu.dma_semaphore, #tpu.memory_space<semaphore_mem>>
      %dma_start3A_1091 = arith.constant 0 : i32
      %dma_start3A_1092 = tpu.memref_slice %arg5[%mul3A_1055, %dma_start3A_1091] : memref<128x32xi32, #tpu.memory_space<hbm>> -> memref<4x32xi32, #tpu.memory_space<hbm>>
      %dma_start3A_1093 = arith.constant 0 : i32
      %dma_start3A_1094 = tpu.memref_slice %arg5[%mul3A_1055, %dma_start3A_1093] : memref<128x32xi32, #tpu.memory_space<hbm>> -> memref<4x32xi32, #tpu.memory_space<hbm>>
      tpu.enqueue_dma source(%arg8 : memref<4x32xi32, #tpu.memory_space<vmem>>) target(%dma_start3A_1094 : memref<4x32xi32, #tpu.memory_space<hbm>>) target_semaphore(%run_scoped3A : memref<!tpu.dma_semaphore, #tpu.memory_space<semaphore_mem>>)
      %dma_wait3A_1095 = arith.constant 0 : i32
      %dma_wait3A_1096 = tpu.memref_slice %arg5[%mul3A_1055, %dma_wait3A_1095] : memref<128x32xi32, #tpu.memory_space<hbm>> -> memref<4x32xi32, #tpu.memory_space<hbm>>
      %dma_wait3A_1097 = arith.constant 0 : i32
      %dma_wait3A_1098 = tpu.memref_slice %arg5[%mul3A_1055, %dma_wait3A_1097] : memref<128x32xi32, #tpu.memory_space<hbm>> -> memref<4x32xi32, #tpu.memory_space<hbm>>
      tpu.wait_dma2 semaphore(%run_scoped3A : memref<!tpu.dma_semaphore, #tpu.memory_space<semaphore_mem>>) src(%arg8 : memref<4x32xi32, #tpu.memory_space<vmem>>) dst(%dma_wait3A_1098 : memref<4x32xi32, #tpu.memory_space<hbm>>)
      tpu.yield
    }) : () -> ()
    %dma_wait3A = arith.constant 0 : i32
    %dma_wait3A_1056 = tpu.memref_slice %arg3[%add3A_6, %dma_wait3A] : memref<4096x512xi32, #tpu.memory_space<hbm>> -> memref<64x512xi32, #tpu.memory_space<hbm>>
    %dma_wait3A_1057 = arith.constant 0 : i32
    %dma_wait3A_1058 = tpu.memref_slice %arg3[%add3A_6, %dma_wait3A_1057] : memref<4096x512xi32, #tpu.memory_space<hbm>> -> memref<64x512xi32, #tpu.memory_space<hbm>>
    tpu.wait_dma2 semaphore(%arg14 : memref<!tpu.dma_semaphore, #tpu.memory_space<semaphore_mem>>) src(%dma_wait3A_1058 : memref<64x512xi32, #tpu.memory_space<hbm>>) dst(%arg10 : memref<64x512xi32, #tpu.memory_space<vmem>>)
    %dma_start3A_1059 = arith.constant 0 : i32
    %dma_start3A_1060 = arith.constant 0 : i32
    %dma_start3A_1061 = tpu.memref_slice %arg9[%dma_start3A_1059, %dma_start3A_1060] : memref<2x64xi32, #tpu.memory_space<vmem>> -> memref<1x64xi32, #tpu.memory_space<vmem>>
    %dma_start3A_1062 = tpu.memref_squeeze %dma_start3A_1061 : memref<1x64xi32, #tpu.memory_space<vmem>> -> memref<64xi32, #tpu.memory_space<vmem>>
    %dma_start3A_1063 = arith.constant 0 : i32
    %dma_start3A_1064 = arith.constant 0 : i32
    %dma_start3A_1065 = tpu.memref_slice %arg4[%dma_start3A_1063, %dma_start3A_1064] : memref<5632x512xi32, #tpu.memory_space<hbm>> -> memref<5632x512xi32, #tpu.memory_space<hbm>>
    tpu.enqueue_indirect_dma source(%arg10 : memref<64x512xi32, #tpu.memory_space<vmem>>) target(%dma_start3A_1065 : memref<5632x512xi32, #tpu.memory_space<hbm>>) offsets(%dma_start3A_1062 : memref<64xi32, #tpu.memory_space<vmem>>) semaphore(%arg14 : memref<!tpu.dma_semaphore, #tpu.memory_space<semaphore_mem>>)
    %dma_wait3A_1066 = arith.constant 0 : i32
    %dma_wait3A_1067 = tpu.memref_slice %arg3[%add3A_11, %dma_wait3A_1066] : memref<4096x512xi32, #tpu.memory_space<hbm>> -> memref<64x512xi32, #tpu.memory_space<hbm>>
    %dma_wait3A_1068 = arith.constant 0 : i32
    %dma_wait3A_1069 = tpu.memref_slice %arg3[%add3A_11, %dma_wait3A_1068] : memref<4096x512xi32, #tpu.memory_space<hbm>> -> memref<64x512xi32, #tpu.memory_space<hbm>>
    tpu.wait_dma2 semaphore(%arg15 : memref<!tpu.dma_semaphore, #tpu.memory_space<semaphore_mem>>) src(%dma_wait3A_1069 : memref<64x512xi32, #tpu.memory_space<hbm>>) dst(%arg11 : memref<64x512xi32, #tpu.memory_space<vmem>>)
    %dma_start3A_1070 = arith.constant 1 : i32
    %dma_start3A_1071 = arith.constant 0 : i32
    %dma_start3A_1072 = tpu.memref_slice %arg9[%dma_start3A_1070, %dma_start3A_1071] : memref<2x64xi32, #tpu.memory_space<vmem>> -> memref<1x64xi32, #tpu.memory_space<vmem>>
    %dma_start3A_1073 = tpu.memref_squeeze %dma_start3A_1072 : memref<1x64xi32, #tpu.memory_space<vmem>> -> memref<64xi32, #tpu.memory_space<vmem>>
    %dma_start3A_1074 = arith.constant 0 : i32
    %dma_start3A_1075 = arith.constant 0 : i32
    %dma_start3A_1076 = tpu.memref_slice %arg4[%dma_start3A_1074, %dma_start3A_1075] : memref<5632x512xi32, #tpu.memory_space<hbm>> -> memref<5632x512xi32, #tpu.memory_space<hbm>>
    tpu.enqueue_indirect_dma source(%arg11 : memref<64x512xi32, #tpu.memory_space<vmem>>) target(%dma_start3A_1076 : memref<5632x512xi32, #tpu.memory_space<hbm>>) offsets(%dma_start3A_1073 : memref<64xi32, #tpu.memory_space<vmem>>) semaphore(%arg15 : memref<!tpu.dma_semaphore, #tpu.memory_space<semaphore_mem>>)
    %dma_wait3A_1077 = arith.constant 0 : i32
    %dma_wait3A_1078 = arith.constant 0 : i32
    %dma_wait3A_1079 = tpu.memref_slice %arg9[%dma_wait3A_1077, %dma_wait3A_1078] : memref<2x64xi32, #tpu.memory_space<vmem>> -> memref<1x64xi32, #tpu.memory_space<vmem>>
    %dma_wait3A_1080 = tpu.memref_squeeze %dma_wait3A_1079 : memref<1x64xi32, #tpu.memory_space<vmem>> -> memref<64xi32, #tpu.memory_space<vmem>>
    %dma_wait3A_1081 = arith.constant 0 : i32
    %dma_wait3A_1082 = arith.constant 0 : i32
    %dma_wait3A_1083 = tpu.memref_slice %arg4[%dma_wait3A_1081, %dma_wait3A_1082] : memref<5632x512xi32, #tpu.memory_space<hbm>> -> memref<5632x512xi32, #tpu.memory_space<hbm>>
    tpu.wait_indirect_dma semaphore(%arg14 : memref<!tpu.dma_semaphore, #tpu.memory_space<semaphore_mem>>) src(%arg10 : memref<64x512xi32, #tpu.memory_space<vmem>>) dst(%dma_wait3A_1083 : memref<5632x512xi32, #tpu.memory_space<hbm>>)
    %dma_wait3A_1084 = arith.constant 1 : i32
    %dma_wait3A_1085 = arith.constant 0 : i32
    %dma_wait3A_1086 = tpu.memref_slice %arg9[%dma_wait3A_1084, %dma_wait3A_1085] : memref<2x64xi32, #tpu.memory_space<vmem>> -> memref<1x64xi32, #tpu.memory_space<vmem>>
    %dma_wait3A_1087 = tpu.memref_squeeze %dma_wait3A_1086 : memref<1x64xi32, #tpu.memory_space<vmem>> -> memref<64xi32, #tpu.memory_space<vmem>>
    %dma_wait3A_1088 = arith.constant 0 : i32
    %dma_wait3A_1089 = arith.constant 0 : i32
    %dma_wait3A_1090 = tpu.memref_slice %arg4[%dma_wait3A_1088, %dma_wait3A_1089] : memref<5632x512xi32, #tpu.memory_space<hbm>> -> memref<5632x512xi32, #tpu.memory_space<hbm>>
    tpu.wait_indirect_dma semaphore(%arg15 : memref<!tpu.dma_semaphore, #tpu.memory_space<semaphore_mem>>) src(%arg11 : memref<64x512xi32, #tpu.memory_space<vmem>>) dst(%dma_wait3A_1090 : memref<5632x512xi32, #tpu.memory_space<hbm>>)
    return
  }
}

#map = affine_map<(d0, d1) -> (0, 0)>
module attributes {stable_mosaic.version = 14 : i64} {
  func.func @_ungather_body(%arg0: i32, %arg1: i32, %arg2: memref<5632x1024xf32, #tpu.memory_space<hbm>>, %arg3: memref<128x32xi32, #tpu.memory_space<hbm>>, %arg4: memref<4096x1024xf32, #tpu.memory_space<hbm>>, %arg5: memref<4x32xi32, #tpu.memory_space<vmem>>, %arg6: memref<32x1024xf32, #tpu.memory_space<vmem>>, %arg7: memref<32x1024xf32, #tpu.memory_space<vmem>>, %arg8: memref<32x1024xf32, #tpu.memory_space<vmem>>, %arg9: memref<!tpu.dma_semaphore, #tpu.memory_space<semaphore_mem>>, %arg10: memref<!tpu.dma_semaphore, #tpu.memory_space<semaphore_mem>>, %arg11: memref<!tpu.dma_semaphore, #tpu.memory_space<semaphore_mem>>, %arg12: memref<!tpu.dma_semaphore, #tpu.memory_space<semaphore_mem>>, %arg13: memref<!tpu.dma_semaphore, #tpu.memory_space<semaphore_mem>>, %arg14: memref<!tpu.dma_semaphore, #tpu.memory_space<semaphore_mem>>) attributes {dimension_semantics = [#tpu.dimension_semantics<core_parallel>, #tpu.dimension_semantics<subcore_parallel>], iteration_bounds = array<i64: 2, 16>, scalar_prefetch = 0 : i64, scratch_operands = 10 : i64, tpu.core_type = #tpu.core_type<sc_vector_subcore>, window_params = [{transform_indices = #map}, {transform_indices = #map}, {transform_indices = #map}]} {
    %mul3A = arith.constant 2 : i32
    %mul3A_0 = arith.muli %arg1, %mul3A : i32
    %add3A = arith.addi %mul3A_0, %arg0 : i32
    %mul3A_1 = arith.constant 128 : i32
    %mul3A_2 = arith.muli %add3A, %mul3A_1 : i32
    %mul3A_3 = arith.constant 4 : i32
    %mul3A_4 = arith.muli %add3A, %mul3A_3 : i32
    "tpu.region"() ({
      %run_scoped3A = tpu.sem_alloc : memref<!tpu.dma_semaphore, #tpu.memory_space<semaphore_mem>>
      %dma_start3A_99 = arith.constant 0 : i32
      %dma_start3A_100 = tpu.memref_slice %arg3[%mul3A_4, %dma_start3A_99] : memref<128x32xi32, #tpu.memory_space<hbm>> -> memref<4x32xi32, #tpu.memory_space<hbm>>
      %dma_start3A_101 = arith.constant 0 : i32
      %dma_start3A_102 = tpu.memref_slice %arg3[%mul3A_4, %dma_start3A_101] : memref<128x32xi32, #tpu.memory_space<hbm>> -> memref<4x32xi32, #tpu.memory_space<hbm>>
      tpu.enqueue_dma source(%dma_start3A_102 : memref<4x32xi32, #tpu.memory_space<hbm>>) target(%arg5 : memref<4x32xi32, #tpu.memory_space<vmem>>) target_semaphore(%run_scoped3A : memref<!tpu.dma_semaphore, #tpu.memory_space<semaphore_mem>>)
      %dma_wait3A_103 = arith.constant 0 : i32
      %dma_wait3A_104 = tpu.memref_slice %arg3[%mul3A_4, %dma_wait3A_103] : memref<128x32xi32, #tpu.memory_space<hbm>> -> memref<4x32xi32, #tpu.memory_space<hbm>>
      %dma_wait3A_105 = arith.constant 0 : i32
      %dma_wait3A_106 = tpu.memref_slice %arg3[%mul3A_4, %dma_wait3A_105] : memref<128x32xi32, #tpu.memory_space<hbm>> -> memref<4x32xi32, #tpu.memory_space<hbm>>
      tpu.wait_dma2 semaphore(%run_scoped3A : memref<!tpu.dma_semaphore, #tpu.memory_space<semaphore_mem>>) src(%dma_wait3A_106 : memref<4x32xi32, #tpu.memory_space<hbm>>) dst(%arg5 : memref<4x32xi32, #tpu.memory_space<vmem>>)
      tpu.yield
    }) : () -> ()
    %dma_start3A = arith.constant 0 : i32
    %dma_start3A_5 = arith.constant 0 : i32
    %dma_start3A_6 = tpu.memref_slice %arg5[%dma_start3A, %dma_start3A_5] : memref<4x32xi32, #tpu.memory_space<vmem>> -> memref<1x32xi32, #tpu.memory_space<vmem>>
    %dma_start3A_7 = tpu.memref_squeeze %dma_start3A_6 : memref<1x32xi32, #tpu.memory_space<vmem>> -> memref<32xi32, #tpu.memory_space<vmem>>
    %dma_start3A_8 = arith.constant 0 : i32
    %dma_start3A_9 = arith.constant 0 : i32
    %dma_start3A_10 = tpu.memref_slice %arg2[%dma_start3A_8, %dma_start3A_9] : memref<5632x1024xf32, #tpu.memory_space<hbm>> -> memref<5632x1024xf32, #tpu.memory_space<hbm>>
    tpu.enqueue_indirect_dma source(%dma_start3A_10 : memref<5632x1024xf32, #tpu.memory_space<hbm>>) target(%arg6 : memref<32x1024xf32, #tpu.memory_space<vmem>>) offsets(%dma_start3A_7 : memref<32xi32, #tpu.memory_space<vmem>>) semaphore(%arg9 : memref<!tpu.dma_semaphore, #tpu.memory_space<semaphore_mem>>)
    %dma_start3A_11 = arith.constant 1 : i32
    %dma_start3A_12 = arith.constant 0 : i32
    %dma_start3A_13 = tpu.memref_slice %arg5[%dma_start3A_11, %dma_start3A_12] : memref<4x32xi32, #tpu.memory_space<vmem>> -> memref<1x32xi32, #tpu.memory_space<vmem>>
    %dma_start3A_14 = tpu.memref_squeeze %dma_start3A_13 : memref<1x32xi32, #tpu.memory_space<vmem>> -> memref<32xi32, #tpu.memory_space<vmem>>
    %dma_start3A_15 = arith.constant 0 : i32
    %dma_start3A_16 = arith.constant 0 : i32
    %dma_start3A_17 = tpu.memref_slice %arg2[%dma_start3A_15, %dma_start3A_16] : memref<5632x1024xf32, #tpu.memory_space<hbm>> -> memref<5632x1024xf32, #tpu.memory_space<hbm>>
    tpu.enqueue_indirect_dma source(%dma_start3A_17 : memref<5632x1024xf32, #tpu.memory_space<hbm>>) target(%arg7 : memref<32x1024xf32, #tpu.memory_space<vmem>>) offsets(%dma_start3A_14 : memref<32xi32, #tpu.memory_space<vmem>>) semaphore(%arg10 : memref<!tpu.dma_semaphore, #tpu.memory_space<semaphore_mem>>)
    %dma_start3A_18 = arith.constant 2 : i32
    %dma_start3A_19 = arith.constant 0 : i32
    %dma_start3A_20 = tpu.memref_slice %arg5[%dma_start3A_18, %dma_start3A_19] : memref<4x32xi32, #tpu.memory_space<vmem>> -> memref<1x32xi32, #tpu.memory_space<vmem>>
    %dma_start3A_21 = tpu.memref_squeeze %dma_start3A_20 : memref<1x32xi32, #tpu.memory_space<vmem>> -> memref<32xi32, #tpu.memory_space<vmem>>
    %dma_start3A_22 = arith.constant 0 : i32
    %dma_start3A_23 = arith.constant 0 : i32
    %dma_start3A_24 = tpu.memref_slice %arg2[%dma_start3A_22, %dma_start3A_23] : memref<5632x1024xf32, #tpu.memory_space<hbm>> -> memref<5632x1024xf32, #tpu.memory_space<hbm>>
    tpu.enqueue_indirect_dma source(%dma_start3A_24 : memref<5632x1024xf32, #tpu.memory_space<hbm>>) target(%arg8 : memref<32x1024xf32, #tpu.memory_space<vmem>>) offsets(%dma_start3A_21 : memref<32xi32, #tpu.memory_space<vmem>>) semaphore(%arg11 : memref<!tpu.dma_semaphore, #tpu.memory_space<semaphore_mem>>)
    %dma_wait3A = arith.constant 0 : i32
    %dma_wait3A_25 = arith.constant 0 : i32
    %dma_wait3A_26 = tpu.memref_slice %arg5[%dma_wait3A, %dma_wait3A_25] : memref<4x32xi32, #tpu.memory_space<vmem>> -> memref<1x32xi32, #tpu.memory_space<vmem>>
    %dma_wait3A_27 = tpu.memref_squeeze %dma_wait3A_26 : memref<1x32xi32, #tpu.memory_space<vmem>> -> memref<32xi32, #tpu.memory_space<vmem>>
    %dma_wait3A_28 = arith.constant 0 : i32
    %dma_wait3A_29 = arith.constant 0 : i32
    %dma_wait3A_30 = tpu.memref_slice %arg2[%dma_wait3A_28, %dma_wait3A_29] : memref<5632x1024xf32, #tpu.memory_space<hbm>> -> memref<5632x1024xf32, #tpu.memory_space<hbm>>
    tpu.wait_indirect_dma semaphore(%arg9 : memref<!tpu.dma_semaphore, #tpu.memory_space<semaphore_mem>>) src(%dma_wait3A_30 : memref<5632x1024xf32, #tpu.memory_space<hbm>>) dst(%arg6 : memref<32x1024xf32, #tpu.memory_space<vmem>>)
    %add3A_31 = arith.constant 0 : i32
    %add3A_32 = arith.addi %mul3A_2, %add3A_31 : i32
    %dma_start3A_33 = arith.constant 0 : i32
    %dma_start3A_34 = tpu.memref_slice %arg4[%add3A_32, %dma_start3A_33] : memref<4096x1024xf32, #tpu.memory_space<hbm>> -> memref<32x1024xf32, #tpu.memory_space<hbm>>
    %dma_start3A_35 = arith.constant 0 : i32
    %dma_start3A_36 = tpu.memref_slice %arg4[%add3A_32, %dma_start3A_35] : memref<4096x1024xf32, #tpu.memory_space<hbm>> -> memref<32x1024xf32, #tpu.memory_space<hbm>>
    tpu.enqueue_dma source(%arg6 : memref<32x1024xf32, #tpu.memory_space<vmem>>) target(%dma_start3A_36 : memref<32x1024xf32, #tpu.memory_space<hbm>>) target_semaphore(%arg12 : memref<!tpu.dma_semaphore, #tpu.memory_space<semaphore_mem>>)
    %dma_wait3A_37 = arith.constant 0 : i32
    %dma_wait3A_38 = tpu.memref_slice %arg4[%add3A_32, %dma_wait3A_37] : memref<4096x1024xf32, #tpu.memory_space<hbm>> -> memref<32x1024xf32, #tpu.memory_space<hbm>>
    %dma_wait3A_39 = arith.constant 0 : i32
    %dma_wait3A_40 = tpu.memref_slice %arg4[%add3A_32, %dma_wait3A_39] : memref<4096x1024xf32, #tpu.memory_space<hbm>> -> memref<32x1024xf32, #tpu.memory_space<hbm>>
    tpu.wait_dma2 semaphore(%arg12 : memref<!tpu.dma_semaphore, #tpu.memory_space<semaphore_mem>>) src(%arg6 : memref<32x1024xf32, #tpu.memory_space<vmem>>) dst(%dma_wait3A_40 : memref<32x1024xf32, #tpu.memory_space<hbm>>)
    %dma_start3A_41 = arith.constant 3 : i32
    %dma_start3A_42 = arith.constant 0 : i32
    %dma_start3A_43 = tpu.memref_slice %arg5[%dma_start3A_41, %dma_start3A_42] : memref<4x32xi32, #tpu.memory_space<vmem>> -> memref<1x32xi32, #tpu.memory_space<vmem>>
    %dma_start3A_44 = tpu.memref_squeeze %dma_start3A_43 : memref<1x32xi32, #tpu.memory_space<vmem>> -> memref<32xi32, #tpu.memory_space<vmem>>
    %dma_start3A_45 = arith.constant 0 : i32
    %dma_start3A_46 = arith.constant 0 : i32
    %dma_start3A_47 = tpu.memref_slice %arg2[%dma_start3A_45, %dma_start3A_46] : memref<5632x1024xf32, #tpu.memory_space<hbm>> -> memref<5632x1024xf32, #tpu.memory_space<hbm>>
    tpu.enqueue_indirect_dma source(%dma_start3A_47 : memref<5632x1024xf32, #tpu.memory_space<hbm>>) target(%arg6 : memref<32x1024xf32, #tpu.memory_space<vmem>>) offsets(%dma_start3A_44 : memref<32xi32, #tpu.memory_space<vmem>>) semaphore(%arg9 : memref<!tpu.dma_semaphore, #tpu.memory_space<semaphore_mem>>)
    %dma_wait3A_48 = arith.constant 1 : i32
    %dma_wait3A_49 = arith.constant 0 : i32
    %dma_wait3A_50 = tpu.memref_slice %arg5[%dma_wait3A_48, %dma_wait3A_49] : memref<4x32xi32, #tpu.memory_space<vmem>> -> memref<1x32xi32, #tpu.memory_space<vmem>>
    %dma_wait3A_51 = tpu.memref_squeeze %dma_wait3A_50 : memref<1x32xi32, #tpu.memory_space<vmem>> -> memref<32xi32, #tpu.memory_space<vmem>>
    %dma_wait3A_52 = arith.constant 0 : i32
    %dma_wait3A_53 = arith.constant 0 : i32
    %dma_wait3A_54 = tpu.memref_slice %arg2[%dma_wait3A_52, %dma_wait3A_53] : memref<5632x1024xf32, #tpu.memory_space<hbm>> -> memref<5632x1024xf32, #tpu.memory_space<hbm>>
    tpu.wait_indirect_dma semaphore(%arg10 : memref<!tpu.dma_semaphore, #tpu.memory_space<semaphore_mem>>) src(%dma_wait3A_54 : memref<5632x1024xf32, #tpu.memory_space<hbm>>) dst(%arg7 : memref<32x1024xf32, #tpu.memory_space<vmem>>)
    %add3A_55 = arith.constant 32 : i32
    %add3A_56 = arith.addi %mul3A_2, %add3A_55 : i32
    %dma_start3A_57 = arith.constant 0 : i32
    %dma_start3A_58 = tpu.memref_slice %arg4[%add3A_56, %dma_start3A_57] : memref<4096x1024xf32, #tpu.memory_space<hbm>> -> memref<32x1024xf32, #tpu.memory_space<hbm>>
    %dma_start3A_59 = arith.constant 0 : i32
    %dma_start3A_60 = tpu.memref_slice %arg4[%add3A_56, %dma_start3A_59] : memref<4096x1024xf32, #tpu.memory_space<hbm>> -> memref<32x1024xf32, #tpu.memory_space<hbm>>
    tpu.enqueue_dma source(%arg7 : memref<32x1024xf32, #tpu.memory_space<vmem>>) target(%dma_start3A_60 : memref<32x1024xf32, #tpu.memory_space<hbm>>) target_semaphore(%arg13 : memref<!tpu.dma_semaphore, #tpu.memory_space<semaphore_mem>>)
    %dma_wait3A_61 = arith.constant 2 : i32
    %dma_wait3A_62 = arith.constant 0 : i32
    %dma_wait3A_63 = tpu.memref_slice %arg5[%dma_wait3A_61, %dma_wait3A_62] : memref<4x32xi32, #tpu.memory_space<vmem>> -> memref<1x32xi32, #tpu.memory_space<vmem>>
    %dma_wait3A_64 = tpu.memref_squeeze %dma_wait3A_63 : memref<1x32xi32, #tpu.memory_space<vmem>> -> memref<32xi32, #tpu.memory_space<vmem>>
    %dma_wait3A_65 = arith.constant 0 : i32
    %dma_wait3A_66 = arith.constant 0 : i32
    %dma_wait3A_67 = tpu.memref_slice %arg2[%dma_wait3A_65, %dma_wait3A_66] : memref<5632x1024xf32, #tpu.memory_space<hbm>> -> memref<5632x1024xf32, #tpu.memory_space<hbm>>
    tpu.wait_indirect_dma semaphore(%arg11 : memref<!tpu.dma_semaphore, #tpu.memory_space<semaphore_mem>>) src(%dma_wait3A_67 : memref<5632x1024xf32, #tpu.memory_space<hbm>>) dst(%arg8 : memref<32x1024xf32, #tpu.memory_space<vmem>>)
    %add3A_68 = arith.constant 64 : i32
    %add3A_69 = arith.addi %mul3A_2, %add3A_68 : i32
    %dma_start3A_70 = arith.constant 0 : i32
    %dma_start3A_71 = tpu.memref_slice %arg4[%add3A_69, %dma_start3A_70] : memref<4096x1024xf32, #tpu.memory_space<hbm>> -> memref<32x1024xf32, #tpu.memory_space<hbm>>
    %dma_start3A_72 = arith.constant 0 : i32
    %dma_start3A_73 = tpu.memref_slice %arg4[%add3A_69, %dma_start3A_72] : memref<4096x1024xf32, #tpu.memory_space<hbm>> -> memref<32x1024xf32, #tpu.memory_space<hbm>>
    tpu.enqueue_dma source(%arg8 : memref<32x1024xf32, #tpu.memory_space<vmem>>) target(%dma_start3A_73 : memref<32x1024xf32, #tpu.memory_space<hbm>>) target_semaphore(%arg14 : memref<!tpu.dma_semaphore, #tpu.memory_space<semaphore_mem>>)
    %dma_wait3A_74 = arith.constant 3 : i32
    %dma_wait3A_75 = arith.constant 0 : i32
    %dma_wait3A_76 = tpu.memref_slice %arg5[%dma_wait3A_74, %dma_wait3A_75] : memref<4x32xi32, #tpu.memory_space<vmem>> -> memref<1x32xi32, #tpu.memory_space<vmem>>
    %dma_wait3A_77 = tpu.memref_squeeze %dma_wait3A_76 : memref<1x32xi32, #tpu.memory_space<vmem>> -> memref<32xi32, #tpu.memory_space<vmem>>
    %dma_wait3A_78 = arith.constant 0 : i32
    %dma_wait3A_79 = arith.constant 0 : i32
    %dma_wait3A_80 = tpu.memref_slice %arg2[%dma_wait3A_78, %dma_wait3A_79] : memref<5632x1024xf32, #tpu.memory_space<hbm>> -> memref<5632x1024xf32, #tpu.memory_space<hbm>>
    tpu.wait_indirect_dma semaphore(%arg9 : memref<!tpu.dma_semaphore, #tpu.memory_space<semaphore_mem>>) src(%dma_wait3A_80 : memref<5632x1024xf32, #tpu.memory_space<hbm>>) dst(%arg6 : memref<32x1024xf32, #tpu.memory_space<vmem>>)
    %add3A_81 = arith.constant 96 : i32
    %add3A_82 = arith.addi %mul3A_2, %add3A_81 : i32
    %dma_start3A_83 = arith.constant 0 : i32
    %dma_start3A_84 = tpu.memref_slice %arg4[%add3A_82, %dma_start3A_83] : memref<4096x1024xf32, #tpu.memory_space<hbm>> -> memref<32x1024xf32, #tpu.memory_space<hbm>>
    %dma_start3A_85 = arith.constant 0 : i32
    %dma_start3A_86 = tpu.memref_slice %arg4[%add3A_82, %dma_start3A_85] : memref<4096x1024xf32, #tpu.memory_space<hbm>> -> memref<32x1024xf32, #tpu.memory_space<hbm>>
    tpu.enqueue_dma source(%arg6 : memref<32x1024xf32, #tpu.memory_space<vmem>>) target(%dma_start3A_86 : memref<32x1024xf32, #tpu.memory_space<hbm>>) target_semaphore(%arg12 : memref<!tpu.dma_semaphore, #tpu.memory_space<semaphore_mem>>)
    %dma_wait3A_87 = arith.constant 0 : i32
    %dma_wait3A_88 = tpu.memref_slice %arg4[%add3A_56, %dma_wait3A_87] : memref<4096x1024xf32, #tpu.memory_space<hbm>> -> memref<32x1024xf32, #tpu.memory_space<hbm>>
    %dma_wait3A_89 = arith.constant 0 : i32
    %dma_wait3A_90 = tpu.memref_slice %arg4[%add3A_56, %dma_wait3A_89] : memref<4096x1024xf32, #tpu.memory_space<hbm>> -> memref<32x1024xf32, #tpu.memory_space<hbm>>
    tpu.wait_dma2 semaphore(%arg13 : memref<!tpu.dma_semaphore, #tpu.memory_space<semaphore_mem>>) src(%arg7 : memref<32x1024xf32, #tpu.memory_space<vmem>>) dst(%dma_wait3A_90 : memref<32x1024xf32, #tpu.memory_space<hbm>>)
    %dma_wait3A_91 = arith.constant 0 : i32
    %dma_wait3A_92 = tpu.memref_slice %arg4[%add3A_69, %dma_wait3A_91] : memref<4096x1024xf32, #tpu.memory_space<hbm>> -> memref<32x1024xf32, #tpu.memory_space<hbm>>
    %dma_wait3A_93 = arith.constant 0 : i32
    %dma_wait3A_94 = tpu.memref_slice %arg4[%add3A_69, %dma_wait3A_93] : memref<4096x1024xf32, #tpu.memory_space<hbm>> -> memref<32x1024xf32, #tpu.memory_space<hbm>>
    tpu.wait_dma2 semaphore(%arg14 : memref<!tpu.dma_semaphore, #tpu.memory_space<semaphore_mem>>) src(%arg8 : memref<32x1024xf32, #tpu.memory_space<vmem>>) dst(%dma_wait3A_94 : memref<32x1024xf32, #tpu.memory_space<hbm>>)
    %dma_wait3A_95 = arith.constant 0 : i32
    %dma_wait3A_96 = tpu.memref_slice %arg4[%add3A_82, %dma_wait3A_95] : memref<4096x1024xf32, #tpu.memory_space<hbm>> -> memref<32x1024xf32, #tpu.memory_space<hbm>>
    %dma_wait3A_97 = arith.constant 0 : i32
    %dma_wait3A_98 = tpu.memref_slice %arg4[%add3A_82, %dma_wait3A_97] : memref<4096x1024xf32, #tpu.memory_space<hbm>> -> memref<32x1024xf32, #tpu.memory_space<hbm>>
    tpu.wait_dma2 semaphore(%arg12 : memref<!tpu.dma_semaphore, #tpu.memory_space<semaphore_mem>>) src(%arg6 : memref<32x1024xf32, #tpu.memory_space<vmem>>) dst(%dma_wait3A_98 : memref<32x1024xf32, #tpu.memory_space<hbm>>)
    return
  }
}

module attributes {stable_mosaic.version = 14 : i64} {
  func.func @_gate_body(%arg0: i32, %arg1: memref<512x1024xf32, #tpu.memory_space<vmem>>, %arg2: memref<1024x4xf32, #tpu.memory_space<vmem>>, %arg3: memref<1x512xi32, #tpu.memory_space<vmem>>, %arg4: memref<512x512xi32, #tpu.memory_space<vmem>>) attributes {dimension_semantics = [#tpu.dimension_semantics<arbitrary>], iteration_bounds = array<i64: 8>, scalar_prefetch = 0 : i64, scratch_operands = 0 : i64, tpu.core_type = #tpu.core_type<tc>, window_params = [{transform_indices = @transform_0, window_bounds = array<i64: 512, 1024>}, {pipeline_mode = #tpu.pipeline_mode<synchronous>, transform_indices = @transform_1, window_bounds = array<i64: 1024, 4>}, {transform_indices = @transform_2, window_bounds = array<i64: 1, 512>}, {transform_indices = @transform_3, window_bounds = array<i64: 512, 512>}]} {
    %get3A = arith.constant 0 : index
    %get3A_0 = arith.constant 0 : index
    %get3A_1 = vector.load %arg1[%get3A, %get3A_0] : memref<512x1024xf32, #tpu.memory_space<vmem>>, vector<512x1024xf32>
    %get3A_2 = arith.constant 0 : index
    %get3A_3 = arith.constant 0 : index
    %get3A_4 = vector.load %arg2[%get3A_2, %get3A_3] : memref<1024x4xf32, #tpu.memory_space<vmem>>, vector<1024x4xf32>
    %dot_general3A = arith.constant dense<0.000000e+00> : vector<512x4xf32>
    %dot_general3A_5 = tpu.matmul %get3A_1, %get3A_4, %dot_general3A {dimension_numbers = #tpu.dot_dimension_numbers<[1], [0], [0], [1], [0, 0, 1, 1], [], []>, transpose_lhs_hint = false} : vector<512x1024xf32>, vector<1024x4xf32>, vector<512x4xf32> -> vector<512x4xf32>
    %reduce_max3A = arith.constant dense<0xFF800000> : vector<512xf32>
    %reduce_max3A_6 = vector.multi_reduction <maximumf>, %dot_general3A_5, %reduce_max3A [1] : vector<512x4xf32> to vector<512xf32>
    %broadcast_in_dim3A = vector.shape_cast %reduce_max3A_6 : vector<512xf32> to vector<512x1xf32>
    %iota3A = tpu.iota {dimensions = array<i32: 1>} : vector<512x4xi32>
    %eq3A = vector.broadcast %broadcast_in_dim3A : vector<512x1xf32> to vector<512x4xf32>
    %eq3A_7 = arith.cmpf oeq, %dot_general3A_5, %eq3A : vector<512x4xf32>
    %jit3A = arith.constant 3 : i32
    %broadcast_in_dim3A_8 = vector.broadcast %jit3A : i32 to vector<512x4xi32>
    %select_n3A = arith.select %eq3A_7, %iota3A, %broadcast_in_dim3A_8 : vector<512x4xi1>, vector<512x4xi32>
    %reduce_min3A = arith.constant dense<2147483647> : vector<512xi32>
    %reduce_min3A_9 = vector.multi_reduction <minsi>, %select_n3A, %reduce_min3A [1] : vector<512x4xi32> to vector<512xi32>
    %swap3A = arith.constant 0 : index
    %swap3A_10 = arith.constant 0 : index
    %swap3A_11 = vector.load %arg3[%swap3A, %swap3A_10] : memref<1x512xi32, #tpu.memory_space<vmem>>, vector<1x512xi32>
    %swap3A_12 = vector.shape_cast %swap3A_11 : vector<1x512xi32> to vector<512xi32>
    %swap3A_13 = vector.shape_cast %reduce_min3A_9 : vector<512xi32> to vector<1x512xi32>
    tpu.vector_store %arg3[%swap3A, %swap3A_10], %swap3A_13 {strides = array<i32>} : memref<1x512xi32, #tpu.memory_space<vmem>>, vector<1x512xi32>,
    %get3A_14 = arith.constant 0 : index
    %get3A_15 = arith.constant 0 : index
    %get3A_16 = vector.load %arg1[%get3A_14, %get3A_15] : memref<512x1024xf32, #tpu.memory_space<vmem>>, vector<512x1024xf32>
    %slice3A = vector.extract_strided_slice %get3A_16 {offsets = [0, 0], sizes = [512, 512], strides = [1, 1]} : vector<512x1024xf32> to vector<512x512xf32>
    %bitcast_convert_type3A = tpu.bitcast %slice3A : vector<512x512xf32> -> vector<512x512xi32>
    %slice3A_17 = vector.extract_strided_slice %get3A_16 {offsets = [0, 512], sizes = [512, 512], strides = [1, 1]} : vector<512x1024xf32> to vector<512x512xf32>
    %bitcast_convert_type3A_18 = tpu.bitcast %slice3A_17 : vector<512x512xf32> -> vector<512x512xi32>
    %add3A = arith.constant 32767 : i32
    %add3A_19 = vector.broadcast %add3A : i32 to vector<512x512xi32>
    %add3A_20 = arith.addi %bitcast_convert_type3A, %add3A_19 : vector<512x512xi32>
    %shift_right_arithmetic3A = arith.constant 16 : i32
    %shift_right_arithmetic3A_21 = vector.broadcast %shift_right_arithmetic3A : i32 to vector<512x512xi32>
    %shift_right_arithmetic3A_22 = arith.shrsi %bitcast_convert_type3A, %shift_right_arithmetic3A_21 : vector<512x512xi32>
    %and3A = arith.constant 1 : i32
    %and3A_23 = vector.broadcast %and3A : i32 to vector<512x512xi32>
    %and3A_24 = arith.andi %shift_right_arithmetic3A_22, %and3A_23 : vector<512x512xi32>
    %add3A_25 = arith.addi %add3A_20, %and3A_24 : vector<512x512xi32>
    %shift_right_arithmetic3A_26 = arith.constant 16 : i32
    %shift_right_arithmetic3A_27 = vector.broadcast %shift_right_arithmetic3A_26 : i32 to vector<512x512xi32>
    %shift_right_arithmetic3A_28 = arith.shrsi %add3A_25, %shift_right_arithmetic3A_27 : vector<512x512xi32>
    %add3A_29 = arith.constant 32767 : i32
    %add3A_30 = vector.broadcast %add3A_29 : i32 to vector<512x512xi32>
    %add3A_31 = arith.addi %bitcast_convert_type3A_18, %add3A_30 : vector<512x512xi32>
    %shift_right_arithmetic3A_32 = arith.constant 16 : i32
    %shift_right_arithmetic3A_33 = vector.broadcast %shift_right_arithmetic3A_32 : i32 to vector<512x512xi32>
    %shift_right_arithmetic3A_34 = arith.shrsi %bitcast_convert_type3A_18, %shift_right_arithmetic3A_33 : vector<512x512xi32>
    %and3A_35 = arith.constant 1 : i32
    %and3A_36 = vector.broadcast %and3A_35 : i32 to vector<512x512xi32>
    %and3A_37 = arith.andi %shift_right_arithmetic3A_34, %and3A_36 : vector<512x512xi32>
    %add3A_38 = arith.addi %add3A_31, %and3A_37 : vector<512x512xi32>
    %shift_right_arithmetic3A_39 = arith.constant 16 : i32
    %shift_right_arithmetic3A_40 = vector.broadcast %shift_right_arithmetic3A_39 : i32 to vector<512x512xi32>
    %shift_right_arithmetic3A_41 = arith.shrsi %add3A_38, %shift_right_arithmetic3A_40 : vector<512x512xi32>
    %and3A_42 = arith.constant 65535 : i32
    %and3A_43 = vector.broadcast %and3A_42 : i32 to vector<512x512xi32>
    %and3A_44 = arith.andi %shift_right_arithmetic3A_28, %and3A_43 : vector<512x512xi32>
    %shift_left3A = arith.constant 16 : i32
    %shift_left3A_45 = vector.broadcast %shift_left3A : i32 to vector<512x512xi32>
    %shift_left3A_46 = arith.shli %shift_right_arithmetic3A_41, %shift_left3A_45 : vector<512x512xi32>
    %or3A = arith.ori %and3A_44, %shift_left3A_46 : vector<512x512xi32>
    %swap3A_47 = arith.constant 0 : index
    %swap3A_48 = arith.constant 0 : index
    %swap3A_49 = vector.load %arg4[%swap3A_47, %swap3A_48] : memref<512x512xi32, #tpu.memory_space<vmem>>, vector<512x512xi32>
    tpu.vector_store %arg4[%swap3A_47, %swap3A_48], %or3A {strides = array<i32>} : memref<512x512xi32, #tpu.memory_space<vmem>>, vector<512x512xi32>,
    return
  }
  func.func @transform_0(%arg0: i32) -> (i32, i32) {
    %c0_i32 = arith.constant 0 : i32
    %c0_i32_0 = arith.constant 0 : i32
    return %arg0, %c0_i32 : i32, i32
  }
  func.func @transform_1(%arg0: i32) -> (i32, i32) {
    %c0_i32 = arith.constant 0 : i32
    %c0_i32_0 = arith.constant 0 : i32
    %c0_i32_1 = arith.constant 0 : i32
    return %c0_i32, %c0_i32_0 : i32, i32
  }
  func.func @transform_2(%arg0: i32) -> (i32, i32) {
    %c0_i32 = arith.constant 0 : i32
    %c0_i32_0 = arith.constant 0 : i32
    return %c0_i32, %arg0 : i32, i32
  }
  func.func @transform_3(%arg0: i32) -> (i32, i32) {
    %c0_i32 = arith.constant 0 : i32
    %c0_i32_0 = arith.constant 0 : i32
    return %arg0, %c0_i32 : i32, i32
  }
}

module attributes {stable_mosaic.version = 14 : i64} {
  func.func @_tree_body(%arg0: i32, %arg1: memref<32xi32, #tpu.memory_space<smem>>, %arg2: memref<512x512xi32, #tpu.memory_space<vmem>>, %arg3: memref<1x1024x1024xf32, #tpu.memory_space<vmem>>, %arg4: memref<1x1024x1024xf32, #tpu.memory_space<vmem>>, %arg5: memref<1024x1024xf32, #tpu.memory_space<vmem>>, %arg6: memref<512x1024xf32, #tpu.memory_space<vmem>>) attributes {dimension_semantics = [#tpu.dimension_semantics<arbitrary>], iteration_bounds = array<i64: 11>, scalar_prefetch = 1 : i64, scratch_operands = 0 : i64, tpu.core_type = #tpu.core_type<tc>, window_params = [{transform_indices = @transform_0, window_bounds = array<i64: 512, 512>}, {transform_indices = @transform_1, window_bounds = array<i64: 1, 1024, 1024>}, {transform_indices = @transform_2, window_bounds = array<i64: 1, 1024, 1024>}, {pipeline_mode = #tpu.pipeline_mode<synchronous>, transform_indices = @transform_3, window_bounds = array<i64: 1024, 1024>}, {transform_indices = @transform_4, window_bounds = array<i64: 512, 1024>}]} {
    %get3A = arith.index_cast %arg0 : i32 to index
    %get3A_0 = memref.load %arg1[%get3A] : memref<32xi32, #tpu.memory_space<smem>>
    %lt3A = arith.constant 4 : i32
    %lt3A_1 = arith.cmpi slt, %get3A_0, %lt3A : i32
    %convert_element_type3A = arith.extui %lt3A_1 : i1 to i32
    %cond3A = arith.constant 0 : i32
    %cond3A_2 = arith.cmpi ne, %convert_element_type3A, %cond3A : i32
    scf.if %cond3A_2 {
      %get3A_3 = arith.constant 0 : index
      %get3A_4 = arith.constant 0 : index
      %get3A_5 = vector.load %arg2[%get3A_3, %get3A_4] : memref<512x512xi32, #tpu.memory_space<vmem>>, vector<512x512xi32>
      %shift_left3A = arith.constant 16 : i32
      %shift_left3A_6 = vector.broadcast %shift_left3A : i32 to vector<512x512xi32>
      %shift_left3A_7 = arith.shli %get3A_5, %shift_left3A_6 : vector<512x512xi32>
      %bitcast_convert_type3A = tpu.bitcast %shift_left3A_7 : vector<512x512xi32> -> vector<512x512xf32>
      %and3A = arith.constant -65536 : i32
      %and3A_8 = vector.broadcast %and3A : i32 to vector<512x512xi32>
      %and3A_9 = arith.andi %get3A_5, %and3A_8 : vector<512x512xi32>
      %bitcast_convert_type3A_10 = tpu.bitcast %and3A_9 : vector<512x512xi32> -> vector<512x512xf32>
      %get3A_11 = arith.constant 0 : index
      %get3A_12 = arith.constant 0 : index
      %get3A_13 = arith.constant 0 : index
      %get3A_14 = vector.load %arg3[%get3A_11, %get3A_12, %get3A_13] : memref<1x1024x1024xf32, #tpu.memory_space<vmem>>, vector<1x1024x1024xf32>
      %get3A_15 = vector.shape_cast %get3A_14 : vector<1x1024x1024xf32> to vector<1024x1024xf32>
      %slice3A = vector.extract_strided_slice %get3A_15 {offsets = [0, 0], sizes = [512, 1024], strides = [1, 1]} : vector<1024x1024xf32> to vector<512x1024xf32>
      %dot_general3A = arith.constant dense<0.000000e+00> : vector<512x1024xf32>
      %dot_general3A_16 = tpu.matmul %bitcast_convert_type3A, %slice3A, %dot_general3A {dimension_numbers = #tpu.dot_dimension_numbers<[1], [0], [0], [1], [0, 0, 1, 1], [], []>, transpose_lhs_hint = false} : vector<512x512xf32>, vector<512x1024xf32>, vector<512x1024xf32> -> vector<512x1024xf32>
      %slice3A_17 = vector.extract_strided_slice %get3A_15 {offsets = [512, 0], sizes = [512, 1024], strides = [1, 1]} : vector<1024x1024xf32> to vector<512x1024xf32>
      %dot_general3A_18 = arith.constant dense<0.000000e+00> : vector<512x1024xf32>
      %dot_general3A_19 = tpu.matmul %bitcast_convert_type3A_10, %slice3A_17, %dot_general3A_18 {dimension_numbers = #tpu.dot_dimension_numbers<[1], [0], [0], [1], [0, 0, 1, 1], [], []>, transpose_lhs_hint = false} : vector<512x512xf32>, vector<512x1024xf32>, vector<512x1024xf32> -> vector<512x1024xf32>
      %add3A = arith.addf %dot_general3A_16, %dot_general3A_19 : vector<512x1024xf32>
      %max3A = arith.constant 0.000000e+00 : f32
      %max3A_20 = vector.broadcast %max3A : f32 to vector<512x1024xf32>
      %max3A_21 = arith.maximumf %add3A, %max3A_20 : vector<512x1024xf32>
      %get3A_22 = arith.constant 0 : index
      %get3A_23 = arith.constant 0 : index
      %get3A_24 = arith.constant 0 : index
      %get3A_25 = vector.load %arg4[%get3A_22, %get3A_23, %get3A_24] : memref<1x1024x1024xf32, #tpu.memory_space<vmem>>, vector<1x1024x1024xf32>
      %get3A_26 = vector.shape_cast %get3A_25 : vector<1x1024x1024xf32> to vector<1024x1024xf32>
      %dot_general3A_27 = arith.constant dense<0.000000e+00> : vector<512x1024xf32>
      %dot_general3A_28 = tpu.matmul %max3A_21, %get3A_26, %dot_general3A_27 {dimension_numbers = #tpu.dot_dimension_numbers<[1], [0], [0], [1], [0, 0, 1, 1], [], []>, transpose_lhs_hint = false} : vector<512x1024xf32>, vector<1024x1024xf32>, vector<512x1024xf32> -> vector<512x1024xf32>
      %max3A_29 = arith.constant 0.000000e+00 : f32
      %max3A_30 = vector.broadcast %max3A_29 : f32 to vector<512x1024xf32>
      %max3A_31 = arith.maximumf %dot_general3A_28, %max3A_30 : vector<512x1024xf32>
      %get3A_32 = arith.constant 0 : index
      %get3A_33 = arith.constant 0 : index
      %get3A_34 = vector.load %arg5[%get3A_32, %get3A_33] : memref<1024x1024xf32, #tpu.memory_space<vmem>>, vector<1024x1024xf32>
      %dot_general3A_35 = arith.constant dense<0.000000e+00> : vector<512x1024xf32>
      %dot_general3A_36 = tpu.matmul %max3A_31, %get3A_34, %dot_general3A_35 {dimension_numbers = #tpu.dot_dimension_numbers<[1], [0], [0], [1], [0, 0, 1, 1], [], []>, transpose_lhs_hint = false} : vector<512x1024xf32>, vector<1024x1024xf32>, vector<512x1024xf32> -> vector<512x1024xf32>
      %max3A_37 = arith.constant 0.000000e+00 : f32
      %max3A_38 = vector.broadcast %max3A_37 : f32 to vector<512x1024xf32>
      %max3A_39 = arith.maximumf %dot_general3A_36, %max3A_38 : vector<512x1024xf32>
      %swap3A = arith.constant 0 : index
      %swap3A_40 = arith.constant 0 : index
      %swap3A_41 = vector.load %arg6[%swap3A, %swap3A_40] : memref<512x1024xf32, #tpu.memory_space<vmem>>, vector<512x1024xf32>
      tpu.vector_store %arg6[%swap3A, %swap3A_40], %max3A_39 {strides = array<i32>} : memref<512x1024xf32, #tpu.memory_space<vmem>>, vector<512x1024xf32>,
    } else {
    }
    return
  }
  func.func @transform_0(%arg0: i32, %arg1: memref<32xi32, #tpu.memory_space<smem>>) -> (i32, i32) {
    %get3A = arith.index_cast %arg0 : i32 to index
    %get3A_0 = memref.load %arg1[%get3A] : memref<32xi32, #tpu.memory_space<smem>>
    %lt3A = arith.constant 4 : i32
    %lt3A_1 = arith.cmpi slt, %get3A_0, %lt3A : i32
    %jit3A = arith.constant 10 : i32
    %select_n3A = arith.select %lt3A_1, %arg0, %jit3A : i32
    %c0_i32 = arith.constant 0 : i32
    %c0_i32_2 = arith.constant 0 : i32
    return %select_n3A, %c0_i32 : i32, i32
  }
  func.func @transform_1(%arg0: i32, %arg1: memref<32xi32, #tpu.memory_space<smem>>) -> (i32, i32, i32) {
    %get3A = arith.index_cast %arg0 : i32 to index
    %get3A_0 = memref.load %arg1[%get3A] : memref<32xi32, #tpu.memory_space<smem>>
    %min3A = arith.constant 3 : i32
    %min3A_1 = arith.minsi %get3A_0, %min3A : i32
    %c0_i32 = arith.constant 0 : i32
    %c0_i32_2 = arith.constant 0 : i32
    %c0_i32_3 = arith.constant 0 : i32
    return %min3A_1, %c0_i32, %c0_i32_2 : i32, i32, i32
  }
  func.func @transform_2(%arg0: i32, %arg1: memref<32xi32, #tpu.memory_space<smem>>) -> (i32, i32, i32) {
    %get3A = arith.index_cast %arg0 : i32 to index
    %get3A_0 = memref.load %arg1[%get3A] : memref<32xi32, #tpu.memory_space<smem>>
    %min3A = arith.constant 3 : i32
    %min3A_1 = arith.minsi %get3A_0, %min3A : i32
    %jit3A = arith.constant 2 : i32
    %div3A = arith.divsi %min3A_1, %jit3A : i32
    %sign3A = arith.constant 0 : i32
    %sign3A_2 = arith.cmpi sgt, %min3A_1, %sign3A : i32
    %sign3A_3 = arith.extui %sign3A_2 : i1 to i32
    %sign3A_4 = arith.constant 0 : i32
    %sign3A_5 = arith.cmpi slt, %min3A_1, %sign3A_4 : i32
    %sign3A_6 = arith.extui %sign3A_5 : i1 to i32
    %sign3A_7 = arith.subi %sign3A_3, %sign3A_6 : i32
    %sign3A_8 = arith.constant 0 : i32
    %sign3A_9 = arith.cmpi sgt, %jit3A, %sign3A_8 : i32
    %sign3A_10 = arith.extui %sign3A_9 : i1 to i32
    %sign3A_11 = arith.constant 0 : i32
    %sign3A_12 = arith.cmpi slt, %jit3A, %sign3A_11 : i32
    %sign3A_13 = arith.extui %sign3A_12 : i1 to i32
    %sign3A_14 = arith.subi %sign3A_10, %sign3A_13 : i32
    %ne3A = arith.cmpi ne, %sign3A_7, %sign3A_14 : i32
    %rem3A = arith.remsi %min3A_1, %jit3A : i32
    %ne3A_15 = arith.constant 0 : i32
    %ne3A_16 = arith.cmpi ne, %rem3A, %ne3A_15 : i32
    %and3A = arith.andi %ne3A, %ne3A_16 : i1
    %sub3A = arith.constant 1 : i32
    %sub3A_17 = arith.subi %div3A, %sub3A : i32
    %select_n3A = arith.select %and3A, %sub3A_17, %div3A : i32
    %c0_i32 = arith.constant 0 : i32
    %c0_i32_18 = arith.constant 0 : i32
    %c0_i32_19 = arith.constant 0 : i32
    return %select_n3A, %c0_i32, %c0_i32_18 : i32, i32, i32
  }
  func.func @transform_3(%arg0: i32, %arg1: memref<32xi32, #tpu.memory_space<smem>>) -> (i32, i32) {
    %c0_i32 = arith.constant 0 : i32
    %c0_i32_0 = arith.constant 0 : i32
    %c0_i32_1 = arith.constant 0 : i32
    return %c0_i32, %c0_i32_0 : i32, i32
  }
  func.func @transform_4(%arg0: i32, %arg1: memref<32xi32, #tpu.memory_space<smem>>) -> (i32, i32) {
    %get3A = arith.index_cast %arg0 : i32 to index
    %get3A_0 = memref.load %arg1[%get3A] : memref<32xi32, #tpu.memory_space<smem>>
    %lt3A = arith.constant 4 : i32
    %lt3A_1 = arith.cmpi slt, %get3A_0, %lt3A : i32
    %jit3A = arith.constant 10 : i32
    %select_n3A = arith.select %lt3A_1, %arg0, %jit3A : i32
    %c0_i32 = arith.constant 0 : i32
    %c0_i32_2 = arith.constant 0 : i32
    return %select_n3A, %c0_i32 : i32, i32
  }
}

</mosaic_0001>

<sc_bundles>
// kernel: kernel.6.cloned.1.call-start
scs
__scs_entry_jumppad:
0x0: {  	(pc) =	sbr.rel $0x88, $3  }
0x1: {  	(tag) =	ssettag $0x0;
	lr =	simm.s32 $0x1  }
0x2: {  	[smem:$0x3F9C] =	sst lr;
	_ =	strace $0xD0000000  }
0x3: {  	_ = 	snop  }
0x4: {  	_ = 	snop  }
0x5: {  	_ = 	snop  }
0x6: {  	_ = 	snop  }
0x7: {  	_ = 	snop  }
__scs_overlays_trampoline_lowered:
0x8: {  	[smem:$0x3FAB] =	sst s0  }
0x9: {  	[smem:$0x3FAC] =	sst s1  }
0xa: {  	[smem:$0x3FAD] =	sst s2  }
0xb: {  	[smem:$0x3FAE] =	sst s3  }
0xc: {  	[smem:$0x3FAF] =	sst s4  }
0xd: {  	[smem:$0x3FB0] =	sst s5  }
0xe: {  	[smem:$0x3FB1] =	sst s6  }
0xf: {  	[smem:$0x3FB2] =	sst s7  }
0x10: {  	[smem:$0x3FB3] =	sst s8  }
0x11: {  	[smem:$0x3FB4] =	sst s9;
	s0 =	simm.s32 @!p0 $0x0  }
0x12: {  	s1 =	sld [smem:$0x3F9A];
	s0 =	simm.s32 @p0 $0x1  }
0x13: {  	[smem:$0x3FB5] =	sst s0;
	s0 =	simm.s32 @!p1 $0x0  }
0x14: {  	s2 =	sld [smem:$0x3F99];
	s0 =	simm.s32 @p1 $0x1  }
0x15: {  	[smem:$0x3FB6] =	sst s0;
	s0 =	simm.s32 @!p2 $0x0  }
0x16: {  	s3 =	sld [smem:$0x3FDB];
	s0 =	simm.s32 @p2 $0x1  }
0x17: {  	s4 =	simm.s32 $0x1BF5;
	[smem:$0x3FB8] =	sst s0  }
0x18: {  	s0 =	sld [smem:$0x3F9B];
	_ =	swait.ge [sflag:s4], $0x0  }
0x19: {  	s7 =	sld [smem:$0x3F9C]  }
0x1a: {  	s8 =	sadd.s32 $0xFFFFE003, lr  }
0x1b: {  	s9 =	sadd.s32 $0xFFFFFEF7, lr;
	s5 =	simm.s32 $0xFFFFFFFF;
	p2 =	slt.u32 s8, $0xFFFFF086  }
0x1c: {  	p1 =	slt.u32 s9, $0xF7A;
	s5 =	simm.s32 @!p2 $0x0  }
0x1d: {  	s5 =	simm.s32 @p1 $0x1;
	p0 =	seq.s32 s7, s2  }
0x1e: {  	s7 =	smul.u32 @!p0 $0xF7A, s2;
	p2 =	seq.s32 @!p0 s5, $0x0  }
0x1f: {  	s9 =	smul.u32 $0xF7A, s1;
	s8 =	simm.s32 @!p0 $0x1BF5;
	p2 =	por !p2, p0  }
0x20: {  	[sflag:s8] =	ssyncset.s32 @!p0 $0xFFFFF086;
	s6 =	sadd.s32 @!p0 s3, s7;
	s7 =	simm.s32 @!p0 $0x108  }
0x21: {  	s3 =	sadd.s32 s3, s9;
	s6 =	sadd.s32 @!p0 $0x88, s6;
	s7 =	simm.s32 @p2 $0x1082  }
0x22: {  	[simem:s7], [sflag:s8] =	dma.local @!p0 [hbm:s6], $0xF7A  }
0x23: {  	s9 =	sor.u32 $0xD0000000, s2;
	s6 =	simm.s32 $0x108;
	_ =	swait.ge @!p0 [sflag:s8], $0x0  }
0x24: {  	s3 =	sadd.s32 $0x88, s3;
	s6 =	simm.s32 @!p1 $0x1082;
	[sflag:s4] =	ssyncset.s32 $0xFFFFF086  }
0x25: {  	[simem:s6], [sflag:s4] =	dma.local [hbm:s3], $0xF7A  }
0x26: {  	[smem:$0x3F9C] =	sst s1;
	(tag) =	ssettag s2;
	_ =	strace s9  }
0x27: {  	s1 =	sld [smem:$0x3FAC]  }
0x28: {  	s2 =	sld [smem:$0x3FAD]  }
0x29: {  	s4 =	sld [smem:$0x3FAF]  }
0x2a: {  	p0 =	seq.s32 s5, $0x0;
	s5 =	sld [smem:$0x3FB0]  }
0x2b: {  	s6 =	sld [smem:$0x3FB1]  }
0x2c: {  	s7 =	sld [smem:$0x3FB2]  }
0x2d: {  	s3 =	simm.s32 $0x108;
	s8 =	sld [smem:$0x3FB3]  }
0x2e: {  	s3 =	simm.s32 @!p0 $0x1082;
	s9 =	sld [smem:$0x3FB4]  }
0x2f: {  	lr =	sadd.s32 s0, s3;
	s0 =	sld [smem:$0x3FAB]  }
0x30: {  	s3 =	sld [smem:$0x3FAE]  }
0x31: {  	[smem:$0x3FB7] =	sst s10  }
0x32: {  	s10 =	sld [smem:$0x3FB5];
	_ =	sdelay $0x3  }
0x33: {  	p0 =	seq.s32 s10, $0x1;
	s10 =	sld [smem:$0x3FB7];
	_ =	sdelay $0x3  }
0x34: {  	[smem:$0x3FB7] =	sst s10  }
0x35: {  	s10 =	sld [smem:$0x3FB6];
	_ =	sdelay $0x3  }
0x36: {  	p1 =	seq.s32 s10, $0x1;
	s10 =	sld [smem:$0x3FB7];
	_ =	sdelay $0x3  }
0x37: {  	[smem:$0x3FB7] =	sst s10  }
0x38: {  	s10 =	sld [smem:$0x3FB8]  }
0x39: {  	_ = 	snop;
	(pc) =	sbr.ind lr, $3  }
0x3a: {  	_ = 	snop  }
0x3b: {  	_ = 	snop  }
0x3c: {  	p2 =	seq.s32 s10, $0x1;
	s10 =	sld [smem:$0x3FB7]  }
0x3d: {  	_ =	shalt  }
0x3e: {  	_ =	shalt  }
0x3f: {  	_ =	shalt  }
0x40: {  	_ =	shalt  }
0x41: {  	_ =	shalt  }
0x42: {  	_ =	shalt  }
0x43: {  	_ =	shalt  }
0x44: {  	_ =	shalt  }
0x45: {  	_ =	shalt  }
0x46: {  	_ =	shalt  }
0x47: {  	_ =	shalt  }
0x48: {  	_ =	shalt  }
0x49: {  	_ =	shalt  }
0x4a: {  	_ =	shalt  }
0x4b: {  	_ =	shalt  }
0x4c: {  	_ =	shalt  }
0x4d: {  	_ =	shalt  }
0x4e: {  	_ =	shalt  }
0x4f: {  	_ =	shalt  }
0x50: {  	_ =	shalt  }
0x51: {  	_ =	shalt  }
0x52: {  	_ =	shalt  }
0x53: {  	_ =	shalt  }
0x54: {  	_ =	shalt  }
0x55: {  	_ =	shalt  }
0x56: {  	_ =	shalt  }
0x57: {  	_ =	shalt  }
0x58: {  	_ =	shalt  }
0x59: {  	_ =	shalt  }
0x5a: {  	_ =	shalt  }
0x5b: {  	_ =	shalt  }
0x5c: {  	_ =	shalt  }
0x5d: {  	_ =	shalt  }
0x5e: {  	_ =	shalt  }
0x5f: {  	_ =	shalt  }
0x60: {  	_ =	shalt  }
0x61: {  	_ =	shalt  }
0x62: {  	_ =	shalt  }
0x63: {  	_ =	shalt  }
0x64: {  	_ =	shalt  }
0x65: {  	_ =	shalt  }
0x66: {  	_ =	shalt  }
0x67: {  	_ =	shalt  }
0x68: {  	_ =	shalt  }
0x69: {  	_ =	shalt  }
0x6a: {  	_ =	shalt  }
0x6b: {  	_ =	shalt  }
0x6c: {  	_ =	shalt  }
0x6d: {  	_ =	shalt  }
0x6e: {  	_ =	shalt  }
0x6f: {  	_ =	shalt  }
0x70: {  	_ =	shalt  }
0x71: {  	_ =	shalt  }
0x72: {  	_ =	shalt  }
0x73: {  	_ =	shalt  }
0x74: {  	_ =	shalt  }
0x75: {  	_ =	shalt  }
0x76: {  	_ =	shalt  }
0x77: {  	_ =	shalt  }
0x78: {  	_ =	shalt  }
0x79: {  	_ =	shalt  }
0x7a: {  	_ =	shalt  }
0x7b: {  	_ =	shalt  }
0x7c: {  	_ =	shalt  }
0x7d: {  	_ =	shalt  }
0x7e: {  	_ =	shalt  }
0x7f: {  	_ =	shalt  }
0x80: {  	_ =	shalt  }
0x81: {  	_ =	shalt  }
0x82: {  	_ =	shalt  }
0x83: {  	_ =	shalt  }
0x84: {  	_ =	shalt  }
0x85: {  	_ =	shalt  }
0x86: {  	_ =	shalt  }
0x87: {  	_ =	shalt  }
.Lfunc_end0:
.L_simem_size_0:
called_computation_lowered:
.L_overlay_start_0:
0x88: {  	s2 =	sld [smem:$0x3FD9]  }
0x89: {  	s3 =	sld [smem:$0x3FFE];
	_ =	sdelay $0x1  }
0x8a: {  	s1 =	srdreg.scid  }
0x8b: {  	s0 =	sand.u32 $0x1, s1  }
0x8c: {  	s17 =	sshll.u32 s0, $0xA;
	s2 =	sadd.s32 s3, s2  }
0x8d: {  	s2 =	sadd.s32 s2, s17  }
0x8e: {  	[smem:$0x3FC3] =	sst s2  }
0x8f: {  	_ = 	snop  }
0x90: {  	s2 =	sld [smem:$0x3FD0];
	(tm) =	ssettm $0x1  }
0x91: {  	s18 =	sld [smem:$0x3FFB];
	_ =	sdelay $0x3  }
0x92: {  	_ =	strace s18  }
0x93: {  	s3 =	sld [smem:$0x3FFC];
	_ =	sdelay $0x3  }
0x94: {  	_ =	strace s3  }
0x95: {  	s3 =	sld [smem:$0x3FFD];
	_ =	sdelay $0x3  }
0x96: {  	_ =	strace s3  }
0x97: {  	_ =	strace $0x8FFFFFFF  }
0x98: {  	s19 =	sld [smem:$0x3FDB];
	_ =	sdelay $0x1  }
0x99: {  	s4 =	simm.s32 $_scs_section_size  }
0x9a: {  	s5 =	simm.s32 $_size__tile_overlayer_lowered;
	s6 =	simm.s32 $_tile_overlayer_lowered  }
0x9b: {  	s22 =	simm.s32 $0x1BFF;
	s21 =	sshll.u32 s6, $0x1;
	s3 =	sadd.s32 s4, s19  }
0x9c: {  	s7 =	simm.s32 $0x0;
	s20 =	sshll.u32 s5, $0x1;
	s5 =	sadd.s32 s21, s3  }
0x9d: {  	[timem:s7], [sflag:s22] =	dma.local [hbm:s5], s20  }
0x9e: {  	_ =	swait.ge [sflag:s22], s20  }
0x9f: {  	s4 =	ssub.s32 $0x0, s20;
	[sflag:s22] =	ssyncset.done $0x0  }
0xa0: {  	[sflag:s22] =	ssyncadd.s32 s4;
	_ =	sdelay $0x1  }
0xa1: {  	s23 =	simm.s32 $0x1B8B  }
0xa2: {  	_ =	swait.ge [sflag:s23], $0x1  }
0xa3: {  	[sflag:s23] =	ssyncset.done $0x0  }
0xa4: {  	s25 =	simm.s32 $0x1B8E;
	s24 =	sld [smem:$0x3FFE];
	[sflag:s23] =	ssyncadd.s32 $0xFFFFFFFF  }
0xa5: {  	s26 =	simm.s32 $execute0_lowered;
	[smem:$0x3FD2] =	sst s25  }
0xa6: {  	s5 =	sshll.u32 s26, $0x1;
	_ =	strace $0x80000046;
	[dreg:$0x1] =	wrdreg $0xFFFFFFFF  }
0xa7: {  	s28 =	simm.s32 $_size_execute0_lowered;
	s3 =	sadd.s32 s3, s5;
	[dreg:$0x0] =	wrdreg $0x0  }
0xa8: {  	s5 =	sshll.u32 s28, $0x1;
	[dreg:$0x2] =	wrdreg s3  }
0xa9: {  	[dreg:$0x3] =	wrdreg s5  }
0xaa: {  	[dreg:$0x4] =	wrdreg $0xC0  }
0xab: {  	_ =	task [dreg:s7], $0x5FFFF  }
0xac: {  	[dreg:$0x1] =	wrdreg $0xFFFFFFFF  }
0xad: {  	[dreg:$0x0] =	wrdreg $0x60  }
0xae: {  	[dreg:$0x2] =	wrdreg s24  }
0xaf: {  	[dreg:$0x3] =	wrdreg s2  }
0xb0: {  	[dreg:$0x4] =	wrdreg $0x9  }
0xb1: {  	_ =	task.clear_ibuf [dreg:s7], $0x5FFFF;
	_ =	strace $0x90000046  }
0xb2: {  	s29 =	simm.s32 $0x9;
	_ =	strace $0x80000048  }
0xb3: {  	_ =	swait.ge [sflag:s29], $0x1  }
0xb4: {  	[sflag:s29] =	ssyncadd.s32 $0xFFFFFFFF  }
0xb5: {  	_ =	strace $0x90000048  }
0xb6: {  	_ =	sfence  }
0xb7: {  	s30 =	sld [smem:$0x0];
	_ =	sdelay $0x2  }
0xb8: {  	s31 =	sshll.u32 s1, $0xD;
	s1 =	sshrl.u32 s1, $0x2  }
0xb9: {  	s3 =	sand.u32 $0x4000, s31;
	s1 =	sadd.s32 s1, s30  }
0xba: {  	s0 =	sor.u32 s3, s0;
	s1 =	sshll.u32 s1, $0x11  }
0xbb: {  	s0 =	sor.u32 s1, s0  }
0xbc: {  	s0 =	sadd.s32 $0x8F2B, s0  }
0xbd: {  	[sflag:s0] =	ssyncadd.remote.s32 $0x1  }
0xbe: {  	_ =	sfence.sel $0xFFFF  }
0xbf: {  	[dreg:$0x0] =	wrdreg $0xFFFFFFFF;
	(pc) =	sbr.abs _section_cstart, $3  }
0xc0: {  	[dreg:$0x1] =	wrdreg $0xFFFFFFFF  }
0xc1: {  	_ =	task.clear_ibuf [dreg:s7], $0x2FFFF;
	_ =	strace $0x9FFFFFFF  }
0xc2: {  	(tm) =	ssettm $0x7FFFFFFF  }
0xc3: {  	_ =	shalt  }
tec
execute0_lowered:
.L_overlay_start_1:
0x0: {  	(tag) =	ssettag $0x1  }
0x1: {  	s0 =	srdreg.scid  }
0x2: {  	s2 =	stileid.u32;
	s1 =	rddreg [dreg:$0x0];
	s13 =	simm.s32 $0x1300  }
0x3: {  	s14 =	simm.s32 $0x9300;
	s15 =	simm.s32 $0x1;
	s17 =	simm.s32 $0x4  }
0x4: {  	s18 =	simm.s32 $0x2;
	s19 =	simm.s32 $0x3;
	s31 =	simm.s32 $0xEB00  }
0x5: {  	s20 =	simm.s32 $0x10B00;
	s21 =	simm.s32 $0x0;
	s0 =	sand.u32 $0x1, s0  }
0x6: {  	s3 =	sshll.u32 s2, $0x1;
	s2 =	rddreg [dreg:$0x1];
	s4 =	sadd.s32 $0x41E00, s1  }
0x7: {  	s16 =	sor.u32 s0, s3;
	s3 =	simm.s32 $0x0;
	s6 =	sshll.u32 s0, $0x9  }
0x8: {  	s0 =	ssub.s32 $0x2, s0;
	s11 =	sadd.s32 $0x100, s2;
	s9 =	sshll.u32 s16, $0x9  }
0x9: {  	[smem:$0x7FF] =	sst s3;
	s29 =	sshll.u32 s16, $0xD;
	s30 =	sshrl.u32 s0, $0x1  }
0xa: {  	p0 =	sne.s32 s16, $0x0;
	s5 =	sand.u32 $0x3C00, s9;
	_ =	strace $0x80000047  }
0xb: {  	s8 =	sadd.s32 s29, s1;
	s0 =	ssub.s32 s0, s30;
	s9 =	sshrl.u32 s9, $0x2  }
0xc: {  	s5 =	sor.u32 s6, s5;
	s6 =	sshll.u32 s16, $0x3;
	s7 =	sadd.s32 $0x1E00, s8  }
0xd: {  	v5 =	vlaneseq.u32;
	v0 =	vimm.s32 $0x0;
	vm0 =	vmmov $0xffff;
	s8 =	sadd.s32 $0x2E00, s8;
	s12 =	smax.u32 s0, $0x1;
	s5 =	sshrl.u32 s5, $0x3  }
0xe: {  	v1 =	vadd.s32 $0x1, v5;
	v2 =	vadd.s32 $0x11, v5;
	v4 =	vshrl.u32 v5, $0x3;
	s0 =	simm.s32 $0xFB00;
	s16 =	simm.s32 $0x10300;
	s10 =	sadd.s32 s5, s1  }
0xf: {  	v3 =	vand.u32 $0x7, v5;
	v5 =	vor.u32 $0x8, v5;
	v4 =	vmul.u32 $0x8, v4;
	s5 =	sadd.s32 $0x42000, s1;
	s1 =	simm.s32 $0xF300;
	s10 =	sadd.s32 $0x42200, s10  }
.LBB2_1:
0x10: {  	[tilespmem:s3], [sflag:$0x1] =	stream.linear.gather [hbm4b:s4+s3], $0x1000, $0x38;
	[tilespmem:$0x11380] =	vst v63  }
0x11: {  	_ = 	snop  }
0x12: {  	[tilespmem:s13], [sflag:$0x2] =	stream.linear.gather [hbm4b:s7+s3], $0x8000, $0x38;
	[tilespmem:$0x11380] =	vst v63  }
0x13: {  	_ = 	snop  }
0x14: {  	[tilespmem:s14], [sflag:$0x3] =	stream.linear.gather [hbm4b:s8+s3], $0x8000, $0x38;
	[tilespmem:$0x11380] =	vst v63  }
0x15: {  	_ =	swait.ge [sflag:s15], $0x1000  }
0x16: {  	[sflag:s15] =	ssyncset.done $0x0  }
0x17: {  	[sflag:s15] =	ssyncadd.s32 $0xFFFFF000  }
0x18: {  	v6 =	vld [tilespmem:s3+$0x0];
	_ =	sdelay $0x2  }
0x19: {  	v9 =	vimm.s32 $0x0;
	v7 =	vimm.s32 $0x0  }
0x1a: {  	v19 =	vimm.s32 $0x0;
	v18 =	vimm.s32 $0x0;
	v8 =	vimm.s32 $0x0  }
0x1b: {  	v17 =	vimm.s32 $0x0;
	v15 =	vimm.s32 $0x0;
	vm1 =	veq.s32 v6, $0x0  }
0x1c: {  	vm2 =	veq.s32 v6, $0x1;
	vm3 =	veq.s32 v6, $0x3;
	v11 =	vsel vm1, $0x1, v0  }
0x1d: {  	p1 =	sgt.u32 s6, $0x0;
	s23 =	simm.s32 $0x10;
	vm1 =	veq.s32 v6, $0x2;
	v14 =	vsel vm3, $0x1, v0;
	v13 =	vsel vm2, $0x1, v0  }
0x1e: {  	s22 =	simm.s32 $0x1;
	s24 =	simm.s32 $0x2;
	v16 =	vld [tilespmem:s23+$0x0];
	v6 =	vimm.s32 $0x0;
	v12 =	vsel vm1, $0x1, v0;
	v10 =	vpsel !p1, $0x0, v14  }
.LBB2_2:
0x1f: {  	p2 =	sne.s32 s24, $0xFF;
	v20 =	vpsel !p1, $0x0, v11;
	v21 =	vpsel !p1, $0x0, v13;
	v6 =	vadd.s32 v6, v10  }
0x20: {  	v10 =	vpsel !p1, $0x0, v12;
	v9 =	vadd.s32 v9, v20;
	v7 =	vadd.s32 v7, v21  }
.Ltmp0:
0x21: {  	v19 =	vadd.s32 v11, v19;
	v18 =	vadd.s32 v13, v18;
	v8 =	vadd.s32 v8, v10;
	(pc) =	sbr.rel @p2 .LBB2_2-.Ltmp0, $4  }
0x22: {  	v17 =	vadd.s32 v12, v17;
	v15 =	vadd.s32 v14, v15  }
0x23: {  	vm1 =	veq.s32 v16, $0x0;
	vm2 =	veq.s32 v16, $0x1;
	vm3 =	veq.s32 v16, $0x3  }
0x24: {  	p1 =	slt.u32 s22, s6;
	s23 =	sadd.s32 $0x10, s23;
	s22 =	smov.u32 s24;
	v11 =	vsel vm1, $0x1, v0;
	vm1 =	veq.s32 v16, $0x2;
	v14 =	vsel vm3, $0x1, v0  }
0x25: {  	s24 =	sadd.s32 $0x1, s24;
	v13 =	vsel vm2, $0x1, v0;
	v16 =	vld [tilespmem:s23+$0x0];
	v12 =	vsel vm1, $0x1, v0;
	v10 =	vpsel !p1, $0x0, v14  }
0x26: {  	_ =	sdelay $0x3  }
0x27: {  	v19 =	vadd.s32 v11, v19;
	vm1 =	veq.s32 v16, $0x0  }
0x28: {  	v18 =	vadd.s32 v13, v18;
	vm2 =	veq.s32 v16, $0x1;
	v20 =	vsel vm1, $0x1, v0  }
0x29: {  	vm1 =	veq.s32 v16, $0x2;
	v21 =	vsel vm2, $0x1, v0;
	v19 =	vadd.s32 v20, v19  }
0x2a: {  	v17 =	vadd.s32 v12, v17;
	v34 =	vsel vm1, $0x1, v0;
	v18 =	vadd.s32 v21, v18;
	(xrf0) =	vadd.scan.msk.s32 $0xffff, v19  }
0x2b: {  	vm1 =	veq.s32 v16, $0x3;
	v35 =	vadd.s32 v34, v17;
	(xrf0) =	vadd.scan.msk.s32 $0xffff, v18  }
0x2c: {  	v14 =	vadd.s32 v14, v15;
	v36 =	vsel vm1, $0x1, v0;
	(xrf0) =	vadd.scan.msk.s32 $0xffff, v35  }
0x2d: {  	v14 =	vadd.s32 v36, v14  }
0x2e: {  	(xrf0) =	vadd.scan.msk.s32 $0xffff, v14;
	_ =	sdelay $0x1  }
0x2f: {  	v37, _, _ =	vpop (xrf0)  }
0x30: {  	(v2sf) =	vpush v37, $0xF;
	v38, _, _ =	vpop (xrf0)  }
0x31: {  	(v2sf) =	vpush v38, $0xF;
	v39, _, _ =	vpop (xrf0)  }
0x32: {  	(v2sf) =	vpush v39, $0xF  }
0x33: {  	v40, _, _ =	vpop (xrf0)  }
0x34: {  	(v2sf) =	vpush v40, $0xF;
	_ =	sdelay $0xa  }
0x35: {  	s23 =	spop (v2sf)  }
0x36: {  	s30 =	spop (v2sf);
	s23 =	sadd.s32 $0x1FF, s23  }
0x37: {  	p2 =	slt.u32 s22, s6;
	v41 =	vpsel !p1, $0x0, v11;
	v42 =	vpsel !p1, $0x0, v13;
	s24 =	spop (v2sf);
	s25 =	sshra.s32 s23, $0x1F  }
0x38: {  	v43 =	vpsel !p1, $0x0, v12;
	v9 =	vadd.s32 v9, v41;
	v44 =	vpsel !p2, $0x0, v20;
	s26 =	sand.u32 $0x1FF, s23;
	p4 =	slt.s32 s23, $0x1;
	s28 =	sadd.s32 $0x1FF, s30  }
0x39: {  	v7 =	vadd.s32 v7, v42;
	v45 =	vpsel !p2, $0x0, v21;
	v9 =	vadd.s32 v9, v44;
	s25 =	sshrl.u32 s25, $0x17;
	p3 =	sne.s32 s26, $0x0;
	s26 =	spop (v2sf)  }
0x3a: {  	v8 =	vadd.s32 v8, v43;
	v7 =	vadd.s32 v7, v45;
	v46 =	vpsel !p2, $0x0, v34;
	(xrf0) =	vadd.scan.msk.s32 $0xffff, v9;
	s29 =	sshra.s32 s28, $0x1F;
	s30 =	sand.u32 $0x1FF, s28;
	p5 =	slt.s32 s28, $0x1  }
0x3b: {  	v8 =	vadd.s32 v8, v46;
	(xrf0) =	vadd.scan.msk.s32 $0xffff, v7;
	s24 =	sadd.s32 $0x1FF, s24;
	p1 =	por !p4, !p3;
	s23 =	sadd.s32 s25, s23  }
0x3c: {  	v6 =	vadd.s32 v6, v10;
	v7 =	vpsel !p2, $0x0, v36;
	(xrf0) =	vadd.scan.msk.s32 $0xffff, v8;
	s25 =	simm.s32 $0x1;
	p6 =	sne.s32 s30, $0x0;
	p3 =	slt.s32 s24, $0x1  }
0x3d: {  	v6 =	vadd.s32 v6, v7;
	s26 =	sadd.s32 $0x1FF, s26;
	p1 =	por !p1, !p1;
	s23 =	sshra.s32 s23, $0x9  }
0x3e: {  	(xrf0) =	vadd.scan.msk.s32 $0xffff, v6;
	s30 =	sand.u32 $0x1FF, s26;
	s25 =	simm.s32 @!p1 $0x0;
	p1 =	por !p5, !p6  }
0x3f: {  	p5 =	slt.s32 s26, $0x1;
	p6 =	sne.s32 s30, $0x0;
	s22 =	ssub.s32 s23, s25  }
0x40: {  	v6, _, _ =	vpop (xrf0);
	s23 =	sshrl.u32 s29, $0x17;
	p1 =	por !p1, !p1;
	s25 =	simm.s32 $0x1  }
0x41: {  	v7, _, _ =	vpop (xrf0);
	(v2sf) =	vpush v6, $0xF;
	s29 =	sshra.s32 s24, $0x1F;
	s23 =	sadd.s32 s23, s28;
	s25 =	simm.s32 @!p1 $0x0  }
0x42: {  	(v2sf) =	vpush v7, $0xF;
	v7, _, _ =	vpop (xrf0);
	s28 =	sshrl.u32 s29, $0x17;
	s29 =	sand.u32 $0x1FF, s24;
	s23 =	sshra.s32 s23, $0x9  }
0x43: {  	(v2sf) =	vpush v7, $0xF;
	s28 =	sadd.s32 s28, s24;
	p4 =	sne.s32 s29, $0x0;
	s23 =	ssub.s32 s23, s25  }
0x44: {  	v7, _, _ =	vpop (xrf0);
	s24 =	sshra.s32 s28, $0x9;
	p1 =	por !p3, !p4;
	s28 =	sshra.s32 s26, $0x1F  }
0x45: {  	(v2sf) =	vpush v7, $0xF;
	s25 =	simm.s32 $0x1;
	p1 =	por !p1, !p1;
	s28 =	sshrl.u32 s28, $0x17  }
0x46: {  	s25 =	simm.s32 @!p1 $0x0;
	s30 =	sadd.s32 s28, s26;
	p1 =	por !p5, !p6  }
0x47: {  	s26 =	simm.s32 $0x1;
	s28 =	sadd.s32 s22, s23;
	p1 =	por !p1, !p1  }
0x48: {  	v7 =	vmov s22;
	s24 =	ssub.s32 s24, s25;
	s25 =	sshra.s32 s30, $0x9;
	v47 =	vmov s28;
	s26 =	simm.s32 @!p1 $0x0  }
0x49: {  	vm1 =	vlt.s32 v7, v1;
	s24 =	sadd.s32 s28, s24;
	vm2 =	vlt.s32 v47, v1;
	s23 =	ssub.s32 s25, s26  }
0x4a: {  	v49 =	vsel vm1, $0x1, v0;
	v48 =	vmov s24;
	v50 =	vsel vm2, $0x1, v0;
	s23 =	sadd.s32 s24, s23  }
0x4b: {  	vm2 =	vlt.s32 v47, v2;
	vm1 =	vlt.s32 v48, v1;
	v52 =	vmov s23  }
0x4c: {  	v10 =	vadd.s32 v49, v50;
	v51 =	vsel vm1, $0x1, v0;
	vm1 =	vlt.s32 v52, v1  }
0x4d: {  	v8 =	vsel vm2, $0x1, v0;
	v53 =	vsel vm1, $0x1, v0;
	vm1 =	vlt.s32 v7, v2  }
0x4e: {  	v10 =	vadd.s32 v51, v10;
	v7 =	vsel vm1, $0x1, v0;
	vm1 =	vlt.s32 v48, v2  }
0x4f: {  	v7 =	vadd.s32 v7, v8;
	v54 =	vsel vm1, $0x1, v0;
	vm1 =	vlt.s32 v52, v2  }
0x50: {  	s23 =	spop (v2sf);
	v55 =	vadd.s32 v53, v10;
	v7 =	vadd.s32 v54, v7;
	v56 =	vsel vm1, $0x1, v0  }
0x51: {  	s25 =	spop (v2sf);
	[tilespmem:$0x11300] =	vst v55;
	v7 =	vadd.s32 v56, v7  }
0x52: {  	s29 =	simm.s32 @!p0 $0x0;
	s30 =	simm.s32 @!p0 $0x11300;
	s26 =	spop (v2sf);
	[tilespmem:$0x11310] =	vst v7  }
0x53: {  	[hbm4b:s5+s29] =	stream.linear.scatter @!p0 [tilespmem:s30], [sflag:$0x4], $0x80, $0x38;
	[tilespmem:$0x11380] =	vst v63  }
0x54: {  	s29 =	spop (v2sf);
	s30 =	simm.s32 @!p0 $0x4  }
0x55: {  	_ =	swait.ge @!p0 [sflag:s30], $0x80  }
0x56: {  	[sflag:s30] =	ssyncset.done @!p0 $0x0  }
0x57: {  	[sflag:s30] =	ssyncadd.s32 @!p0 $0xFFFFFF80  }
0x58: {  	v7 =	vld [tilespmem:s9+$0x0];
	_ =	sdelay $0x4  }
0x59: {  	vm4 =	veq.s32 v7, $0x0  }
0x5a: {  	vm3 =	veq.s32 v7, $0x1;
	v57 =	vsel vm4, $0x1, v0  }
0x5b: {  	vm1 =	veq.s32 v7, $0x2;
	v58 =	vsel vm3, $0x1, v0;
	(xrf0) =	vadd.scan.msk.s32 $0xffff, v57  }
0x5c: {  	vm2 =	veq.s32 v7, $0x3;
	v59 =	vsel vm1, $0x1, v0;
	(xrf0) =	vadd.scan.msk.s32 $0xffff, v58  }
0x5d: {  	s22 =	sshll.u32 s22, $0x9;
	s28 =	sshll.u32 s28, $0x9;
	v7 =	vsel vm2, $0x1, v0;
	(xrf0) =	vadd.scan.msk.s32 $0xffff, v59  }
0x5e: {  	v6 =	vadd.s32 $0xFFFFFFFF, v6;
	s24 =	sshll.u32 s24, $0x9;
	s22 =	sadd.s32 s25, s22;
	s25 =	sadd.s32 s26, s28;
	(xrf0) =	vadd.scan.msk.s32 $0xffff, v7  }
0x5f: {  	v6 =	vbroadcast v6, $0xF;
	v60 =	vmov s22;
	v61 =	vmov s25;
	s24 =	sadd.s32 s29, s24  }
0x60: {  	v8 =	vadd.s32 $0xFFFFFFFF, v60;
	v9 =	vadd.s32 $0xFFFFFFFF, v61;
	v62 =	vmov s24  }
0x61: {  	v8 =	vbroadcast v8, $0x0;
	v9 =	vbroadcast v9, $0x0;
	v10 =	vadd.s32 $0xFFFFFFFF, v62;
	v7, _, _ =	vpop (xrf0)  }
0x62: {  	v10 =	vbroadcast v10, $0x0;
	v6 =	vadd.s32 v7, v6;
	(v2sf) =	vpush v7, $0xF;
	v7, _, _ =	vpop (xrf0)  }
0x63: {  	v6 =	vnsel vm4, $0x0, v6;
	v8 =	vadd.s32 v7, v8;
	v63, _, _ =	vpop (xrf0);
	(v2sf) =	vpush v7, $0xF  }
0x64: {  	v6 =	vsel vm3, v8, v6;
	v12 =	vadd.s32 v63, v9;
	v13, _, _ =	vpop (xrf0)  }
0x65: {  	(v2sf) =	vpush v63, $0xF;
	v6 =	vsel vm1, v12, v6;
	v7 =	vadd.s32 v13, v10  }
0x66: {  	(v2sf) =	vpush v13, $0xF;
	v6 =	vsel vm2, v7, v6  }
0x67: {  	[tilespmem:$0x1000] =	vst v6  }
0x68: {  	[tilespmem:$0x1200] =	vst v6  }
0x69: {  	v6 =	vld [tilespmem:s9+$0x10];
	_ =	sdelay $0x4  }
0x6a: {  	vm2 =	veq.s32 v6, $0x0  }
0x6b: {  	v7 =	vsel vm2, $0x1, v0  }
0x6c: {  	vm3 =	veq.s32 v6, $0x1;
	(xrf0) =	vadd.scan.msk.s32 $0xffff, v7  }
0x6d: {  	vm1 =	veq.s32 v6, $0x2;
	v7 =	vsel vm3, $0x1, v0;
	s30 =	spop (v2sf)  }
0x6e: {  	vm9 =	veq.s32 v6, $0x3;
	(xrf0) =	vadd.scan.msk.s32 $0xffff, v7;
	v7 =	vsel vm1, $0x1, v0;
	s28 =	spop (v2sf)  }
0x6f: {  	(xrf0) =	vadd.scan.msk.s32 $0xffff, v7;
	v7 =	vsel vm9, $0x1, v0;
	s23 =	sadd.s32 s23, s30;
	s22 =	sadd.s32 s22, s28  }
0x70: {  	(xrf0) =	vadd.scan.msk.s32 $0xffff, v7;
	v14 =	vmov s23;
	s29 =	spop (v2sf);
	v15 =	vmov s22  }
0x71: {  	v6 =	vadd.s32 $0xFFFFFFFF, v14;
	s25 =	sadd.s32 s25, s29;
	s30 =	spop (v2sf);
	v8 =	vadd.s32 $0xFFFFFFFF, v15  }
0x72: {  	v6 =	vbroadcast v6, $0x0;
	v7, _, _ =	vpop (xrf0);
	s24 =	sadd.s32 s24, s30;
	v16 =	vmov s25;
	v8 =	vbroadcast v8, $0x0  }
0x73: {  	v9 =	vadd.s32 $0xFFFFFFFF, v16;
	v17 =	vmov s24;
	(v2sf) =	vpush v7, $0xF  }
0x74: {  	v6 =	vadd.s32 v7, v6;
	v7, _, _ =	vpop (xrf0);
	v9 =	vbroadcast v9, $0x0;
	v10 =	vadd.s32 $0xFFFFFFFF, v17  }
0x75: {  	v6 =	vnsel vm2, $0x0, v6;
	v8 =	vadd.s32 v7, v8;
	v18, _, _ =	vpop (xrf0);
	v10 =	vbroadcast v10, $0x0  }
0x76: {  	(v2sf) =	vpush v7, $0xF;
	v6 =	vsel vm3, v8, v6;
	v19 =	vadd.s32 v18, v9;
	v20, _, _ =	vpop (xrf0)  }
0x77: {  	v6 =	vsel vm1, v19, v6;
	v7 =	vadd.s32 v20, v10  }
0x78: {  	(v2sf) =	vpush v18, $0xF;
	v6 =	vsel vm9, v7, v6  }
0x79: {  	(v2sf) =	vpush v20, $0xF;
	[tilespmem:$0x1010] =	vst v6  }
0x7a: {  	[tilespmem:$0x1210] =	vst v6  }
0x7b: {  	v6 =	vld [tilespmem:s9+$0x20];
	_ =	sdelay $0x4  }
0x7c: {  	vm2 =	veq.s32 v6, $0x0  }
0x7d: {  	v7 =	vsel vm2, $0x1, v0  }
0x7e: {  	vm3 =	veq.s32 v6, $0x1;
	(xrf0) =	vadd.scan.msk.s32 $0xffff, v7  }
0x7f: {  	vm1 =	veq.s32 v6, $0x2;
	v7 =	vsel vm3, $0x1, v0;
	s28 =	spop (v2sf)  }
0x80: {  	vm10 =	veq.s32 v6, $0x3;
	(xrf0) =	vadd.scan.msk.s32 $0xffff, v7;
	v7 =	vsel vm1, $0x1, v0;
	s23 =	sadd.s32 s23, s28  }
0x81: {  	(xrf0) =	vadd.scan.msk.s32 $0xffff, v7;
	v7 =	vsel vm10, $0x1, v0;
	v21 =	vmov s23;
	s29 =	spop (v2sf)  }
0x82: {  	v6 =	vadd.s32 $0xFFFFFFFF, v21;
	s22 =	sadd.s32 s22, s29  }
0x83: {  	(xrf0) =	vadd.scan.msk.s32 $0xffff, v7;
	s30 =	spop (v2sf);
	v6 =	vbroadcast v6, $0x0;
	v22 =	vmov s22  }
0x84: {  	s25 =	sadd.s32 s25, s30;
	s28 =	spop (v2sf);
	v7, _, _ =	vpop (xrf0);
	v8 =	vadd.s32 $0xFFFFFFFF, v22  }
0x85: {  	s24 =	sadd.s32 s24, s28;
	v23 =	vmov s25;
	v6 =	vadd.s32 v7, v6;
	v8 =	vbroadcast v8, $0x0  }
0x86: {  	v9 =	vadd.s32 $0xFFFFFFFF, v23;
	v24 =	vmov s24;
	(v2sf) =	vpush v7, $0xF  }
0x87: {  	v7, _, _ =	vpop (xrf0);
	v9 =	vbroadcast v9, $0x0;
	v10 =	vadd.s32 $0xFFFFFFFF, v24;
	v6 =	vnsel vm2, $0x0, v6  }
0x88: {  	v25, _, _ =	vpop (xrf0);
	(v2sf) =	vpush v7, $0xF;
	v8 =	vadd.s32 v7, v8;
	v10 =	vbroadcast v10, $0x0  }
0x89: {  	v27, _, _ =	vpop (xrf0);
	(v2sf) =	vpush v25, $0xF;
	v6 =	vsel vm3, v8, v6;
	v26 =	vadd.s32 v25, v9  }
0x8a: {  	v6 =	vsel vm1, v26, v6;
	v7 =	vadd.s32 v27, v10  }
0x8b: {  	(v2sf) =	vpush v27, $0xF;
	v6 =	vsel vm10, v7, v6  }
0x8c: {  	[tilespmem:$0x1080] =	vst v6  }
0x8d: {  	[tilespmem:$0x1220] =	vst v6  }
0x8e: {  	v6 =	vld [tilespmem:s9+$0x30];
	_ =	sdelay $0x4  }
0x8f: {  	vm2 =	veq.s32 v6, $0x0  }
0x90: {  	v7 =	vsel vm2, $0x1, v0  }
0x91: {  	vm3 =	veq.s32 v6, $0x1;
	(xrf0) =	vadd.scan.msk.s32 $0xffff, v7  }
0x92: {  	vm1 =	veq.s32 v6, $0x2;
	v7 =	vsel vm3, $0x1, v0;
	s29 =	spop (v2sf)  }
0x93: {  	vm11 =	veq.s32 v6, $0x3;
	(xrf0) =	vadd.scan.msk.s32 $0xffff, v7;
	v7 =	vsel vm1, $0x1, v0;
	s23 =	sadd.s32 s23, s29;
	s30 =	spop (v2sf)  }
0x94: {  	(xrf0) =	vadd.scan.msk.s32 $0xffff, v7;
	v7 =	vsel vm11, $0x1, v0;
	v28 =	vmov s23;
	s22 =	sadd.s32 s22, s30;
	s28 =	spop (v2sf)  }
0x95: {  	(xrf0) =	vadd.scan.msk.s32 $0xffff, v7;
	v6 =	vadd.s32 $0xFFFFFFFF, v28;
	s25 =	sadd.s32 s25, s28;
	v29 =	vmov s22  }
0x96: {  	s29 =	spop (v2sf);
	v6 =	vbroadcast v6, $0x0;
	v8 =	vadd.s32 $0xFFFFFFFF, v29;
	v30 =	vmov s25  }
0x97: {  	s24 =	sadd.s32 s24, s29;
	v7, _, _ =	vpop (xrf0);
	v8 =	vbroadcast v8, $0x0;
	v9 =	vadd.s32 $0xFFFFFFFF, v30  }
0x98: {  	v31 =	vmov s24;
	v6 =	vadd.s32 v7, v6;
	(v2sf) =	vpush v7, $0xF  }
0x99: {  	v7, _, _ =	vpop (xrf0);
	v9 =	vbroadcast v9, $0x0;
	v10 =	vadd.s32 $0xFFFFFFFF, v31;
	v6 =	vnsel vm2, $0x0, v6  }
0x9a: {  	v8 =	vadd.s32 v7, v8;
	v32, _, _ =	vpop (xrf0);
	v10 =	vbroadcast v10, $0x0;
	(v2sf) =	vpush v7, $0xF  }
0x9b: {  	v6 =	vsel vm3, v8, v6;
	v33 =	vadd.s32 v32, v9;
	v34, _, _ =	vpop (xrf0)  }
0x9c: {  	(v2sf) =	vpush v32, $0xF;
	v6 =	vsel vm1, v33, v6;
	v7 =	vadd.s32 v34, v10  }
0x9d: {  	(v2sf) =	vpush v34, $0xF;
	v6 =	vsel vm11, v7, v6  }
0x9e: {  	[tilespmem:$0x1090] =	vst v6  }
0x9f: {  	[tilespmem:$0x1230] =	vst v6  }
0xa0: {  	v6 =	vld [tilespmem:s9+$0x40];
	_ =	sdelay $0x4  }
0xa1: {  	vm2 =	veq.s32 v6, $0x0  }
0xa2: {  	v7 =	vsel vm2, $0x1, v0  }
0xa3: {  	vm3 =	veq.s32 v6, $0x1;
	(xrf0) =	vadd.scan.msk.s32 $0xffff, v7  }
0xa4: {  	vm1 =	veq.s32 v6, $0x2;
	v7 =	vsel vm3, $0x1, v0;
	s30 =	spop (v2sf)  }
0xa5: {  	vm12 =	veq.s32 v6, $0x3;
	(xrf0) =	vadd.scan.msk.s32 $0xffff, v7;
	v7 =	vsel vm1, $0x1, v0;
	s28 =	spop (v2sf)  }
0xa6: {  	(xrf0) =	vadd.scan.msk.s32 $0xffff, v7;
	v7 =	vsel vm12, $0x1, v0;
	s23 =	sadd.s32 s23, s30;
	s22 =	sadd.s32 s22, s28  }
0xa7: {  	(xrf0) =	vadd.scan.msk.s32 $0xffff, v7;
	v35 =	vmov s23;
	s29 =	spop (v2sf);
	v36 =	vmov s22  }
0xa8: {  	v6 =	vadd.s32 $0xFFFFFFFF, v35;
	s25 =	sadd.s32 s25, s29;
	s30 =	spop (v2sf);
	v8 =	vadd.s32 $0xFFFFFFFF, v36  }
0xa9: {  	v6 =	vbroadcast v6, $0x0;
	v7, _, _ =	vpop (xrf0);
	s24 =	sadd.s32 s24, s30;
	v37 =	vmov s25;
	v8 =	vbroadcast v8, $0x0  }
0xaa: {  	v9 =	vadd.s32 $0xFFFFFFFF, v37;
	v38 =	vmov s24;
	(v2sf) =	vpush v7, $0xF  }
0xab: {  	v6 =	vadd.s32 v7, v6;
	v7, _, _ =	vpop (xrf0);
	v9 =	vbroadcast v9, $0x0;
	v10 =	vadd.s32 $0xFFFFFFFF, v38  }
0xac: {  	v6 =	vnsel vm2, $0x0, v6;
	v8 =	vadd.s32 v7, v8;
	v39, _, _ =	vpop (xrf0);
	v10 =	vbroadcast v10, $0x0  }
0xad: {  	v6 =	vsel vm3, v8, v6;
	v40 =	vadd.s32 v39, v9;
	v41, _, _ =	vpop (xrf0)  }
0xae: {  	(v2sf) =	vpush v7, $0xF;
	v6 =	vsel vm1, v40, v6;
	v7 =	vadd.s32 v41, v10  }
0xaf: {  	(v2sf) =	vpush v39, $0xF;
	v6 =	vsel vm12, v7, v6  }
0xb0: {  	(v2sf) =	vpush v41, $0xF;
	[tilespmem:$0x1100] =	vst v6  }
0xb1: {  	[tilespmem:$0x1280] =	vst v6  }
0xb2: {  	v6 =	vld [tilespmem:s9+$0x50];
	_ =	sdelay $0x4  }
0xb3: {  	vm1 =	veq.s32 v6, $0x0  }
0xb4: {  	v7 =	vsel vm1, $0x1, v0  }
0xb5: {  	vm2 =	veq.s32 v6, $0x1;
	(xrf0) =	vadd.scan.msk.s32 $0xffff, v7  }
0xb6: {  	vm3 =	veq.s32 v6, $0x2;
	v7 =	vsel vm2, $0x1, v0;
	s28 =	spop (v2sf)  }
0xb7: {  	vm13 =	veq.s32 v6, $0x3;
	(xrf0) =	vadd.scan.msk.s32 $0xffff, v7;
	v7 =	vsel vm3, $0x1, v0;
	s23 =	sadd.s32 s23, s28  }
0xb8: {  	(xrf0) =	vadd.scan.msk.s32 $0xffff, v7;
	v7 =	vsel vm13, $0x1, v0;
	v42 =	vmov s23  }
0xb9: {  	s29 =	spop (v2sf);
	v6 =	vadd.s32 $0xFFFFFFFF, v42  }
0xba: {  	(xrf0) =	vadd.scan.msk.s32 $0xffff, v7;
	s22 =	sadd.s32 s22, s29;
	s30 =	spop (v2sf);
	v6 =	vbroadcast v6, $0x0  }
0xbb: {  	s25 =	sadd.s32 s25, s30;
	s28 =	spop (v2sf);
	v43 =	vmov s22;
	v7, _, _ =	vpop (xrf0)  }
0xbc: {  	s24 =	sadd.s32 s24, s28;
	v8 =	vadd.s32 $0xFFFFFFFF, v43;
	v44 =	vmov s25;
	v6 =	vadd.s32 v7, v6  }
0xbd: {  	v8 =	vbroadcast v8, $0x0;
	v9 =	vadd.s32 $0xFFFFFFFF, v44;
	v45 =	vmov s24  }
0xbe: {  	(v2sf) =	vpush v7, $0xF;
	v7, _, _ =	vpop (xrf0);
	v9 =	vbroadcast v9, $0x0;
	v10 =	vadd.s32 $0xFFFFFFFF, v45  }
0xbf: {  	v6 =	vnsel vm1, $0x0, v6;
	v46, _, _ =	vpop (xrf0);
	v8 =	vadd.s32 v7, v8;
	v10 =	vbroadcast v10, $0x0  }
0xc0: {  	v48, _, _ =	vpop (xrf0);
	v6 =	vsel vm2, v8, v6;
	v47 =	vadd.s32 v46, v9  }
0xc1: {  	(v2sf) =	vpush v7, $0xF;
	v6 =	vsel vm3, v47, v6;
	v49 =	vadd.s32 v48, v10  }
0xc2: {  	(v2sf) =	vpush v46, $0xF;
	v6 =	vsel vm13, v49, v6  }
0xc3: {  	(v2sf) =	vpush v48, $0xF;
	[tilespmem:$0x1110] =	vst v6  }
0xc4: {  	[tilespmem:$0x1290] =	vst v6  }
0xc5: {  	v6 =	vld [tilespmem:s9+$0x60];
	_ =	sdelay $0x4  }
0xc6: {  	vm14 =	veq.s32 v6, $0x0  }
0xc7: {  	v7 =	vsel vm14, $0x1, v0  }
0xc8: {  	(xrf0) =	vadd.scan.msk.s32 $0xffff, v7  }
0xc9: {  	s29 =	spop (v2sf)  }
0xca: {  	vm2 =	veq.s32 v6, $0x1;
	s23 =	sadd.s32 s23, s29  }
0xcb: {  	vm1 =	veq.s32 v6, $0x2;
	v50 =	vsel vm2, $0x1, v0;
	v7 =	vmov s23  }
0xcc: {  	vm3 =	veq.s32 v6, $0x3;
	v51 =	vsel vm1, $0x1, v0;
	(xrf0) =	vadd.scan.msk.s32 $0xffff, v50;
	s30 =	spop (v2sf);
	v7 =	vadd.s32 $0xFFFFFFFF, v7  }
0xcd: {  	(xrf0) =	vadd.scan.msk.s32 $0xffff, v51;
	s28 =	spop (v2sf);
	v6 =	vbroadcast v7, $0x0;
	v7 =	vsel vm3, $0x1, v0  }
0xce: {  	s22 =	sadd.s32 s22, s30;
	s25 =	sadd.s32 s25, s28;
	s29 =	spop (v2sf);
	v52, _, _ =	vpop (xrf0);
	(xrf0) =	vadd.scan.msk.s32 $0xffff, v7  }
0xcf: {  	s24 =	sadd.s32 s24, s29;
	v53 =	vmov s25;
	v7 =	vmov s22  }
0xd0: {  	v9 =	vadd.s32 $0xFFFFFFFF, v53;
	v54 =	vmov s24;
	v7 =	vadd.s32 $0xFFFFFFFF, v7  }
0xd1: {  	v6 =	vadd.s32 v52, v6;
	(v2sf) =	vpush v52, $0xF;
	v7 =	vbroadcast v7, $0x0  }
0xd2: {  	v55, _, _ =	vpop (xrf0);
	v9 =	vbroadcast v9, $0x0;
	v10 =	vadd.s32 $0xFFFFFFFF, v54;
	v6 =	vnsel vm14, $0x0, v6  }
0xd3: {  	(v2sf) =	vpush v55, $0xF;
	v56, _, _ =	vpop (xrf0);
	v10 =	vbroadcast v10, $0x0;
	v7 =	vadd.s32 v55, v7  }
0xd4: {  	(v2sf) =	vpush v56, $0xF;
	v6 =	vsel vm2, v7, v6;
	v7 =	vadd.s32 v56, v9;
	v57, _, _ =	vpop (xrf0)  }
0xd5: {  	v6 =	vsel vm1, v7, v6;
	v7 =	vadd.s32 v57, v10;
	(v2sf) =	vpush v57, $0xF  }
0xd6: {  	v6 =	vsel vm3, v7, v6  }
0xd7: {  	[tilespmem:$0x1180] =	vst v6  }
0xd8: {  	[tilespmem:$0x12A0] =	vst v6  }
0xd9: {  	v6 =	vld [tilespmem:s9+$0x70];
	_ =	sdelay $0x4  }
0xda: {  	vm3 =	veq.s32 v6, $0x0  }
0xdb: {  	vm1 =	veq.s32 v6, $0x1;
	v7 =	vsel vm3, $0x1, v0  }
0xdc: {  	vm2 =	veq.s32 v6, $0x2;
	(xrf0) =	vadd.scan.msk.s32 $0xffff, v7;
	v7 =	vsel vm1, $0x1, v0  }
0xdd: {  	vm15 =	veq.s32 v6, $0x3;
	s30 =	spop (v2sf);
	(xrf0) =	vadd.scan.msk.s32 $0xffff, v7;
	v7 =	vsel vm2, $0x1, v0  }
0xde: {  	v6 =	vsel vm15, $0x1, v0;
	s23 =	sadd.s32 s23, s30;
	s28 =	spop (v2sf);
	(xrf0) =	vadd.scan.msk.s32 $0xffff, v7  }
0xdf: {  	s22 =	sadd.s32 s22, s28;
	s29 =	spop (v2sf);
	v7 =	vmov s23;
	(xrf0) =	vadd.scan.msk.s32 $0xffff, v6  }
0xe0: {  	s23 =	sadd.s32 s25, s29;
	v6 =	vmov s22;
	v7 =	vadd.s32 $0xFFFFFFFF, v7;
	s30 =	spop (v2sf)  }
0xe1: {  	v58 =	vmov s23;
	v7 =	vbroadcast v7, $0x0;
	v6 =	vadd.s32 $0xFFFFFFFF, v6;
	s22 =	sadd.s32 s24, s30  }
0xe2: {  	v8 =	vadd.s32 $0xFFFFFFFF, v58;
	v6 =	vbroadcast v6, $0x0;
	v60, _, _ =	vpop (xrf0);
	v59 =	vmov s22  }
0xe3: {  	v8 =	vbroadcast v8, $0x0;
	v61, _, _ =	vpop (xrf0);
	v7 =	vadd.s32 v60, v7;
	v9 =	vadd.s32 $0xFFFFFFFF, v59  }
0xe4: {  	v62, _, _ =	vpop (xrf0);
	v7 =	vnsel vm3, $0x0, v7;
	v6 =	vadd.s32 v61, v6;
	v9 =	vbroadcast v9, $0x0  }
0xe5: {  	v6 =	vsel vm1, v6, v7;
	v7 =	vadd.s32 v62, v8;
	v63, _, _ =	vpop (xrf0)  }
0xe6: {  	v6 =	vsel vm2, v7, v6;
	v7 =	vadd.s32 v63, v9  }
0xe7: {  	v6 =	vsel vm15, v7, v6  }
0xe8: {  	[tilespmem:$0x1190] =	vst v6  }
0xe9: {  	s25 =	simm.s32 $0x1000;
	[tilespmem:$0x12B0] =	vst v6  }
0xea: {  	[hbm4b:s10+s3] =	stream.linear.scatter [tilespmem:s25], [sflag:$0x4], $0x200, $0x38;
	[tilespmem:$0x11380] =	vst v63  }
0xeb: {  	_ =	swait.ge [sflag:s17], $0x200  }
0xec: {  	[sflag:s17] =	ssyncset.done $0x0  }
0xed: {  	[sflag:s17] =	ssyncadd.s32 $0xFFFFFE00  }
0xee: {  	_ =	swait.ge [sflag:s18], $0x8000  }
0xef: {  	[sflag:s18] =	ssyncset.done $0x0  }
0xf0: {  	[sflag:s18] =	ssyncadd.s32 $0xFFFF8000  }
0xf1: {  	v6 =	vld [tilespmem:$0x1200];
	_ =	sdelay $0x4  }
0xf2: {  	v7 =	vshll.u32 v6, $0x2  }
0xf3: {  	v6 =	vand.u32 $0x7, v6;
	v7 =	vand.u32 $0xFFFFFFE0, v7  }
0xf4: {  	v6 =	vor.u32 v6, v7  }
0xf5: {  	v7 =	vperm.xlane v6, v3;
	_ =	sdelay $0x1  }
0xf6: {  	v7 =	vadd.s32 v4, v7;
	_ =	sdelay $0x1  }
0xf7: {  	v6 =	vperm.xlane v6, v5;
	_ =	sdelay $0x1  }
0xf8: {  	v6 =	vadd.s32 v4, v6  }
0xf9: {  	[hbm4b:s2+s3] =	stream.indirect_vreg.scatter [tilespmem:s13], [sflag:$0x2], $0x80, v7, vm0, $0xb8;
	[tilespmem:$0x11380] =	vst v63  }
0xfa: {  	s26 =	simm.s32 $0x1B00  }
0xfb: {  	[hbm4b:s11+s3] =	stream.indirect_vreg.scatter [tilespmem:s26], [sflag:$0x2], $0x80, v7, vm0, $0xb8;
	[tilespmem:$0x11380] =	vst v63  }
0xfc: {  	s28 =	simm.s32 $0x2300  }
0xfd: {  	[hbm4b:s2+s3] =	stream.indirect_vreg.scatter [tilespmem:s28], [sflag:$0x2], $0x80, v6, vm0, $0xb8;
	[tilespmem:$0x11380] =	vst v63  }
0xfe: {  	s29 =	simm.s32 $0x2B00  }
0xff: {  	[hbm4b:s11+s3] =	stream.indirect_vreg.scatter [tilespmem:s29], [sflag:$0x2], $0x80, v6, vm0, $0xb8;
	[tilespmem:$0x11380] =	vst v63  }
0x100: {  	v6 =	vld [tilespmem:$0x1210];
	_ =	sdelay $0x4  }
0x101: {  	v7 =	vshll.u32 v6, $0x2  }
0x102: {  	v6 =	vand.u32 $0x7, v6;
	v7 =	vand.u32 $0xFFFFFFE0, v7  }
0x103: {  	v6 =	vor.u32 v6, v7  }
0x104: {  	v7 =	vperm.xlane v6, v3;
	_ =	sdelay $0x1  }
0x105: {  	v7 =	vadd.s32 v4, v7;
	_ =	sdelay $0x1  }
0x106: {  	v6 =	vperm.xlane v6, v5;
	_ =	sdelay $0x1  }
0x107: {  	s30 =	simm.s32 $0x3300;
	v6 =	vadd.s32 v4, v6  }
0x108: {  	[hbm4b:s2+s3] =	stream.indirect_vreg.scatter [tilespmem:s30], [sflag:$0x2], $0x80, v7, vm0, $0xb8;
	[tilespmem:$0x11380] =	vst v63  }
0x109: {  	s23 =	simm.s32 $0x3B00  }
0x10a: {  	[hbm4b:s11+s3] =	stream.indirect_vreg.scatter [tilespmem:s23], [sflag:$0x2], $0x80, v7, vm0, $0xb8;
	[tilespmem:$0x11380] =	vst v63  }
0x10b: {  	s24 =	simm.s32 $0x4300  }
0x10c: {  	[hbm4b:s2+s3] =	stream.indirect_vreg.scatter [tilespmem:s24], [sflag:$0x2], $0x80, v6, vm0, $0xb8;
	[tilespmem:$0x11380] =	vst v63  }
0x10d: {  	s25 =	simm.s32 $0x4B00  }
0x10e: {  	[hbm4b:s11+s3] =	stream.indirect_vreg.scatter [tilespmem:s25], [sflag:$0x2], $0x80, v6, vm0, $0xb8;
	[tilespmem:$0x11380] =	vst v63  }
0x10f: {  	v6 =	vld [tilespmem:$0x1220];
	_ =	sdelay $0x4  }
0x110: {  	v7 =	vshll.u32 v6, $0x2  }
0x111: {  	v6 =	vand.u32 $0x7, v6;
	v7 =	vand.u32 $0xFFFFFFE0, v7  }
0x112: {  	v6 =	vor.u32 v6, v7  }
0x113: {  	v7 =	vperm.xlane v6, v3;
	_ =	sdelay $0x1  }
0x114: {  	v7 =	vadd.s32 v4, v7;
	_ =	sdelay $0x1  }
0x115: {  	v6 =	vperm.xlane v6, v5;
	_ =	sdelay $0x1  }
0x116: {  	s26 =	simm.s32 $0x5300;
	v6 =	vadd.s32 v4, v6  }
0x117: {  	[hbm4b:s2+s3] =	stream.indirect_vreg.scatter [tilespmem:s26], [sflag:$0x2], $0x80, v7, vm0, $0xb8;
	[tilespmem:$0x11380] =	vst v63  }
0x118: {  	s28 =	simm.s32 $0x5B00  }
0x119: {  	[hbm4b:s11+s3] =	stream.indirect_vreg.scatter [tilespmem:s28], [sflag:$0x2], $0x80, v7, vm0, $0xb8;
	[tilespmem:$0x11380] =	vst v63  }
0x11a: {  	s29 =	simm.s32 $0x6300  }
0x11b: {  	[hbm4b:s2+s3] =	stream.indirect_vreg.scatter [tilespmem:s29], [sflag:$0x2], $0x80, v6, vm0, $0xb8;
	[tilespmem:$0x11380] =	vst v63  }
0x11c: {  	s30 =	simm.s32 $0x6B00  }
0x11d: {  	[hbm4b:s11+s3] =	stream.indirect_vreg.scatter [tilespmem:s30], [sflag:$0x2], $0x80, v6, vm0, $0xb8;
	[tilespmem:$0x11380] =	vst v63  }
0x11e: {  	v6 =	vld [tilespmem:$0x1230];
	_ =	sdelay $0x4  }
0x11f: {  	v7 =	vshll.u32 v6, $0x2  }
0x120: {  	v6 =	vand.u32 $0x7, v6;
	v7 =	vand.u32 $0xFFFFFFE0, v7  }
0x121: {  	v6 =	vor.u32 v6, v7  }
0x122: {  	v7 =	vperm.xlane v6, v3;
	_ =	sdelay $0x1  }
0x123: {  	v7 =	vadd.s32 v4, v7;
	_ =	sdelay $0x1  }
0x124: {  	v6 =	vperm.xlane v6, v5;
	_ =	sdelay $0x1  }
0x125: {  	s23 =	simm.s32 $0x7300;
	v6 =	vadd.s32 v4, v6  }
0x126: {  	[hbm4b:s2+s3] =	stream.indirect_vreg.scatter [tilespmem:s23], [sflag:$0x2], $0x80, v7, vm0, $0xb8;
	[tilespmem:$0x11380] =	vst v63  }
0x127: {  	s24 =	simm.s32 $0x7B00  }
0x128: {  	[hbm4b:s11+s3] =	stream.indirect_vreg.scatter [tilespmem:s24], [sflag:$0x2], $0x80, v7, vm0, $0xb8;
	[tilespmem:$0x11380] =	vst v63  }
0x129: {  	s25 =	simm.s32 $0x8300  }
0x12a: {  	[hbm4b:s2+s3] =	stream.indirect_vreg.scatter [tilespmem:s25], [sflag:$0x2], $0x80, v6, vm0, $0xb8;
	[tilespmem:$0x11380] =	vst v63  }
0x12b: {  	s26 =	simm.s32 $0x8B00  }
0x12c: {  	[hbm4b:s11+s3] =	stream.indirect_vreg.scatter [tilespmem:s26], [sflag:$0x2], $0x80, v6, vm0, $0xb8;
	[tilespmem:$0x11380] =	vst v63  }
0x12d: {  	_ =	swait.ge [sflag:s19], $0x8000  }
0x12e: {  	[sflag:s19] =	ssyncset.done $0x0  }
0x12f: {  	[sflag:s19] =	ssyncadd.s32 $0xFFFF8000  }
0x130: {  	v6 =	vld [tilespmem:$0x1280];
	_ =	sdelay $0x4  }
0x131: {  	v7 =	vshll.u32 v6, $0x2  }
0x132: {  	v6 =	vand.u32 $0x7, v6;
	v7 =	vand.u32 $0xFFFFFFE0, v7  }
0x133: {  	v6 =	vor.u32 v6, v7  }
0x134: {  	v7 =	vperm.xlane v6, v3;
	_ =	sdelay $0x1  }
0x135: {  	v7 =	vadd.s32 v4, v7;
	_ =	sdelay $0x1  }
0x136: {  	v6 =	vperm.xlane v6, v5;
	_ =	sdelay $0x1  }
0x137: {  	v6 =	vadd.s32 v4, v6  }
0x138: {  	[hbm4b:s2+s3] =	stream.indirect_vreg.scatter [tilespmem:s14], [sflag:$0x3], $0x80, v7, vm0, $0xb8;
	[tilespmem:$0x11380] =	vst v63  }
0x139: {  	s28 =	simm.s32 $0x9B00  }
0x13a: {  	[hbm4b:s11+s3] =	stream.indirect_vreg.scatter [tilespmem:s28], [sflag:$0x3], $0x80, v7, vm0, $0xb8;
	[tilespmem:$0x11380] =	vst v63  }
0x13b: {  	s29 =	simm.s32 $0xA300  }
0x13c: {  	[hbm4b:s2+s3] =	stream.indirect_vreg.scatter [tilespmem:s29], [sflag:$0x3], $0x80, v6, vm0, $0xb8;
	[tilespmem:$0x11380] =	vst v63  }
0x13d: {  	s30 =	simm.s32 $0xAB00  }
0x13e: {  	[hbm4b:s11+s3] =	stream.indirect_vreg.scatter [tilespmem:s30], [sflag:$0x3], $0x80, v6, vm0, $0xb8;
	[tilespmem:$0x11380] =	vst v63  }
0x13f: {  	v6 =	vld [tilespmem:$0x1290];
	_ =	sdelay $0x4  }
0x140: {  	v7 =	vshll.u32 v6, $0x2  }
0x141: {  	v6 =	vand.u32 $0x7, v6;
	v7 =	vand.u32 $0xFFFFFFE0, v7  }
0x142: {  	v6 =	vor.u32 v6, v7  }
0x143: {  	v7 =	vperm.xlane v6, v3;
	_ =	sdelay $0x1  }
0x144: {  	v7 =	vadd.s32 v4, v7;
	_ =	sdelay $0x1  }
0x145: {  	v6 =	vperm.xlane v6, v5;
	_ =	sdelay $0x1  }
0x146: {  	s23 =	simm.s32 $0xB300;
	v6 =	vadd.s32 v4, v6  }
0x147: {  	[hbm4b:s2+s3] =	stream.indirect_vreg.scatter [tilespmem:s23], [sflag:$0x3], $0x80, v7, vm0, $0xb8;
	[tilespmem:$0x11380] =	vst v63  }
0x148: {  	s24 =	simm.s32 $0xBB00  }
0x149: {  	[hbm4b:s11+s3] =	stream.indirect_vreg.scatter [tilespmem:s24], [sflag:$0x3], $0x80, v7, vm0, $0xb8;
	[tilespmem:$0x11380] =	vst v63  }
0x14a: {  	s25 =	simm.s32 $0xC300  }
0x14b: {  	[hbm4b:s2+s3] =	stream.indirect_vreg.scatter [tilespmem:s25], [sflag:$0x3], $0x80, v6, vm0, $0xb8;
	[tilespmem:$0x11380] =	vst v63  }
0x14c: {  	s26 =	simm.s32 $0xCB00  }
0x14d: {  	[hbm4b:s11+s3] =	stream.indirect_vreg.scatter [tilespmem:s26], [sflag:$0x3], $0x80, v6, vm0, $0xb8;
	[tilespmem:$0x11380] =	vst v63  }
0x14e: {  	v6 =	vld [tilespmem:$0x12A0];
	_ =	sdelay $0x4  }
0x14f: {  	v7 =	vshll.u32 v6, $0x2  }
0x150: {  	v6 =	vand.u32 $0x7, v6;
	v7 =	vand.u32 $0xFFFFFFE0, v7  }
0x151: {  	v6 =	vor.u32 v6, v7  }
0x152: {  	v7 =	vperm.xlane v6, v3;
	_ =	sdelay $0x1  }
0x153: {  	v7 =	vadd.s32 v4, v7;
	_ =	sdelay $0x1  }
0x154: {  	v6 =	vperm.xlane v6, v5;
	_ =	sdelay $0x1  }
0x155: {  	s28 =	simm.s32 $0xD300;
	v6 =	vadd.s32 v4, v6  }
0x156: {  	[hbm4b:s2+s3] =	stream.indirect_vreg.scatter [tilespmem:s28], [sflag:$0x3], $0x80, v7, vm0, $0xb8;
	[tilespmem:$0x11380] =	vst v63  }
0x157: {  	s29 =	simm.s32 $0xDB00  }
0x158: {  	[hbm4b:s11+s3] =	stream.indirect_vreg.scatter [tilespmem:s29], [sflag:$0x3], $0x80, v7, vm0, $0xb8;
	[tilespmem:$0x11380] =	vst v63  }
0x159: {  	s30 =	simm.s32 $0xE300  }
0x15a: {  	[hbm4b:s2+s3] =	stream.indirect_vreg.scatter [tilespmem:s30], [sflag:$0x3], $0x80, v6, vm0, $0xb8;
	[tilespmem:$0x11380] =	vst v63  }
0x15b: {  	_ = 	snop  }
0x15c: {  	[hbm4b:s11+s3] =	stream.indirect_vreg.scatter [tilespmem:s31], [sflag:$0x3], $0x80, v6, vm0, $0xb8;
	[tilespmem:$0x11380] =	vst v63  }
0x15d: {  	v6 =	vld [tilespmem:$0x12B0];
	_ =	sdelay $0x4  }
0x15e: {  	v7 =	vshll.u32 v6, $0x2  }
0x15f: {  	v6 =	vand.u32 $0x7, v6;
	v7 =	vand.u32 $0xFFFFFFE0, v7  }
0x160: {  	v6 =	vor.u32 v6, v7  }
0x161: {  	v7 =	vperm.xlane v6, v3;
	_ =	sdelay $0x1  }
0x162: {  	v7 =	vadd.s32 v4, v7;
	_ =	sdelay $0x1  }
0x163: {  	v6 =	vperm.xlane v6, v5;
	_ =	sdelay $0x1  }
0x164: {  	v6 =	vadd.s32 v4, v6  }
0x165: {  	[hbm4b:s2+s3] =	stream.indirect_vreg.scatter [tilespmem:s1], [sflag:$0x3], $0x80, v7, vm0, $0xb8;
	[tilespmem:$0x11380] =	vst v63  }
0x166: {  	_ = 	snop  }
0x167: {  	[hbm4b:s11+s3] =	stream.indirect_vreg.scatter [tilespmem:s0], [sflag:$0x3], $0x80, v7, vm0, $0xb8;
	[tilespmem:$0x11380] =	vst v63  }
0x168: {  	_ = 	snop  }
0x169: {  	[hbm4b:s2+s3] =	stream.indirect_vreg.scatter [tilespmem:s16], [sflag:$0x3], $0x80, v6, vm0, $0xb8;
	[tilespmem:$0x11380] =	vst v63  }
0x16a: {  	s21 =	sadd.s32 $0x1, s21  }
0x16b: {  	[hbm4b:s11+s3] =	stream.indirect_vreg.scatter [tilespmem:s20], [sflag:$0x3], $0x80, v6, vm0, $0xb8;
	[tilespmem:$0x11380] =	vst v63  }
0x16c: {  	p1 =	sne.s32 s21, s12;
	_ =	swait.ge [sflag:s18], $0x8000  }
.Ltmp1:
0x16d: {  	[sflag:s18] =	ssyncset.done $0x0;
	(pc) =	sbr.rel @p1 .LBB2_1-.Ltmp1, $4  }
0x16e: {  	[sflag:s18] =	ssyncadd.s32 $0xFFFF8000  }
0x16f: {  	_ =	swait.ge [sflag:s19], $0x8000  }
0x170: {  	[sflag:s19] =	ssyncset.done $0x0  }
0x171: {  	[sflag:s19] =	ssyncadd.s32 $0xFFFF8000  }
0x172: {  	_ =	sfence.sel $0x180000  }
0x173: {  	[bflag:$0x0] =	sbarrier.arrive $0xFFFF  }
0x174: {  	_ =	strace $0x90000047  }
0x175: {  	s0 =	stileid.u32;
	[bflag:$0x2] =	sbarrier.arrive $0xFFFF  }
0x176: {  	p0 =	sne.s32 s0, $0x0;
	s0 =	rddreg [dreg:$0x2]  }
0x177: {  	s0 =	sadd.s32 @!p0 $0x100000, s0  }
0x178: {  	[sflag:s0] =	ssyncadd.tile.s32 @!p0 $0x1;
	_ =	shalt  }
.Lfunc_end2:
_tile_overlayer_lowered:
.L_overlay_start_2:
0x179: {  	(tag) =	ssettag $0x2  }
0x17a: {  	s0 =	rddreg [dreg:$0x0];
	s2 =	stileid.u32  }
0x17b: {  	s1 =	rddreg [dreg:$0x1];
	p0 =	sne.s32 s2, $0x0  }
0x17c: {  	s3 =	rddreg [dreg:$0x2];
	[bflag:$0x3] =	sbarrier.arrive $0xFFFF;
	s2 =	simm.s32 @!p0 $0x1C04  }
0x17d: {  	[timem:s3], [sflag:s2] =	dma.local @!p0 [hbm:s0], s1  }
0x17e: {  	s0 =	simm.s32 @!p0 $0x4  }
0x17f: {  	_ =	swait.ge @!p0 [sflag:s0], s1  }
0x180: {  	s1 =	ssub.s32 @!p0 $0x0, s1;
	[sflag:s0] =	ssyncset.done @!p0 $0x0  }
0x181: {  	[sflag:s0] =	ssyncadd.s32 @!p0 s1  }
0x182: {  	[bflag:$0x3] =	sbarrier.arrive $0xFFFF  }
0x183: {  	_ =	shalt  }

// kernel: kernel.9.cloned.1.call-start
scs
__scs_entry_jumppad:
0x0: {  	(pc) =	sbr.rel $0x88, $3  }
0x1: {  	(tag) =	ssettag $0x0;
	lr =	simm.s32 $0x1  }
0x2: {  	[smem:$0x3F9C] =	sst lr;
	_ =	strace $0xD0000000  }
0x3: {  	_ = 	snop  }
0x4: {  	_ = 	snop  }
0x5: {  	_ = 	snop  }
0x6: {  	_ = 	snop  }
0x7: {  	_ = 	snop  }
__scs_overlays_trampoline_lowered:
0x8: {  	[smem:$0x3FAB] =	sst s0  }
0x9: {  	[smem:$0x3FAC] =	sst s1  }
0xa: {  	[smem:$0x3FAD] =	sst s2  }
0xb: {  	[smem:$0x3FAE] =	sst s3  }
0xc: {  	[smem:$0x3FAF] =	sst s4  }
0xd: {  	[smem:$0x3FB0] =	sst s5  }
0xe: {  	[smem:$0x3FB1] =	sst s6  }
0xf: {  	[smem:$0x3FB2] =	sst s7  }
0x10: {  	[smem:$0x3FB3] =	sst s8  }
0x11: {  	[smem:$0x3FB4] =	sst s9;
	s0 =	simm.s32 @!p0 $0x0  }
0x12: {  	s1 =	sld [smem:$0x3F9A];
	s0 =	simm.s32 @p0 $0x1  }
0x13: {  	[smem:$0x3FB5] =	sst s0;
	s0 =	simm.s32 @!p1 $0x0  }
0x14: {  	s2 =	sld [smem:$0x3F99];
	s0 =	simm.s32 @p1 $0x1  }
0x15: {  	[smem:$0x3FB6] =	sst s0;
	s0 =	simm.s32 @!p2 $0x0  }
0x16: {  	s3 =	sld [smem:$0x3FDB];
	s0 =	simm.s32 @p2 $0x1  }
0x17: {  	s4 =	simm.s32 $0x1BF5;
	[smem:$0x3FB8] =	sst s0  }
0x18: {  	s0 =	sld [smem:$0x3F9B];
	_ =	swait.ge [sflag:s4], $0x0  }
0x19: {  	s7 =	sld [smem:$0x3F9C]  }
0x1a: {  	s8 =	sadd.s32 $0xFFFFE003, lr  }
0x1b: {  	s9 =	sadd.s32 $0xFFFFFEF7, lr;
	s5 =	simm.s32 $0xFFFFFFFF;
	p2 =	slt.u32 s8, $0xFFFFF086  }
0x1c: {  	p1 =	slt.u32 s9, $0xF7A;
	s5 =	simm.s32 @!p2 $0x0  }
0x1d: {  	s5 =	simm.s32 @p1 $0x1;
	p0 =	seq.s32 s7, s2  }
0x1e: {  	s7 =	smul.u32 @!p0 $0xF7A, s2;
	p2 =	seq.s32 @!p0 s5, $0x0  }
0x1f: {  	s9 =	smul.u32 $0xF7A, s1;
	s8 =	simm.s32 @!p0 $0x1BF5;
	p2 =	por !p2, p0  }
0x20: {  	[sflag:s8] =	ssyncset.s32 @!p0 $0xFFFFF086;
	s6 =	sadd.s32 @!p0 s3, s7;
	s7 =	simm.s32 @!p0 $0x108  }
0x21: {  	s3 =	sadd.s32 s3, s9;
	s6 =	sadd.s32 @!p0 $0x88, s6;
	s7 =	simm.s32 @p2 $0x1082  }
0x22: {  	[simem:s7], [sflag:s8] =	dma.local @!p0 [hbm:s6], $0xF7A  }
0x23: {  	s9 =	sor.u32 $0xD0000000, s2;
	s6 =	simm.s32 $0x108;
	_ =	swait.ge @!p0 [sflag:s8], $0x0  }
0x24: {  	s3 =	sadd.s32 $0x88, s3;
	s6 =	simm.s32 @!p1 $0x1082;
	[sflag:s4] =	ssyncset.s32 $0xFFFFF086  }
0x25: {  	[simem:s6], [sflag:s4] =	dma.local [hbm:s3], $0xF7A  }
0x26: {  	[smem:$0x3F9C] =	sst s1;
	(tag) =	ssettag s2;
	_ =	strace s9  }
0x27: {  	s1 =	sld [smem:$0x3FAC]  }
0x28: {  	s2 =	sld [smem:$0x3FAD]  }
0x29: {  	s4 =	sld [smem:$0x3FAF]  }
0x2a: {  	p0 =	seq.s32 s5, $0x0;
	s5 =	sld [smem:$0x3FB0]  }
0x2b: {  	s6 =	sld [smem:$0x3FB1]  }
0x2c: {  	s7 =	sld [smem:$0x3FB2]  }
0x2d: {  	s3 =	simm.s32 $0x108;
	s8 =	sld [smem:$0x3FB3]  }
0x2e: {  	s3 =	simm.s32 @!p0 $0x1082;
	s9 =	sld [smem:$0x3FB4]  }
0x2f: {  	lr =	sadd.s32 s0, s3;
	s0 =	sld [smem:$0x3FAB]  }
0x30: {  	s3 =	sld [smem:$0x3FAE]  }
0x31: {  	[smem:$0x3FB7] =	sst s10  }
0x32: {  	s10 =	sld [smem:$0x3FB5];
	_ =	sdelay $0x3  }
0x33: {  	p0 =	seq.s32 s10, $0x1;
	s10 =	sld [smem:$0x3FB7];
	_ =	sdelay $0x3  }
0x34: {  	[smem:$0x3FB7] =	sst s10  }
0x35: {  	s10 =	sld [smem:$0x3FB6];
	_ =	sdelay $0x3  }
0x36: {  	p1 =	seq.s32 s10, $0x1;
	s10 =	sld [smem:$0x3FB7];
	_ =	sdelay $0x3  }
0x37: {  	[smem:$0x3FB7] =	sst s10  }
0x38: {  	s10 =	sld [smem:$0x3FB8]  }
0x39: {  	_ = 	snop;
	(pc) =	sbr.ind lr, $3  }
0x3a: {  	_ = 	snop  }
0x3b: {  	_ = 	snop  }
0x3c: {  	p2 =	seq.s32 s10, $0x1;
	s10 =	sld [smem:$0x3FB7]  }
0x3d: {  	_ =	shalt  }
0x3e: {  	_ =	shalt  }
0x3f: {  	_ =	shalt  }
0x40: {  	_ =	shalt  }
0x41: {  	_ =	shalt  }
0x42: {  	_ =	shalt  }
0x43: {  	_ =	shalt  }
0x44: {  	_ =	shalt  }
0x45: {  	_ =	shalt  }
0x46: {  	_ =	shalt  }
0x47: {  	_ =	shalt  }
0x48: {  	_ =	shalt  }
0x49: {  	_ =	shalt  }
0x4a: {  	_ =	shalt  }
0x4b: {  	_ =	shalt  }
0x4c: {  	_ =	shalt  }
0x4d: {  	_ =	shalt  }
0x4e: {  	_ =	shalt  }
0x4f: {  	_ =	shalt  }
0x50: {  	_ =	shalt  }
0x51: {  	_ =	shalt  }
0x52: {  	_ =	shalt  }
0x53: {  	_ =	shalt  }
0x54: {  	_ =	shalt  }
0x55: {  	_ =	shalt  }
0x56: {  	_ =	shalt  }
0x57: {  	_ =	shalt  }
0x58: {  	_ =	shalt  }
0x59: {  	_ =	shalt  }
0x5a: {  	_ =	shalt  }
0x5b: {  	_ =	shalt  }
0x5c: {  	_ =	shalt  }
0x5d: {  	_ =	shalt  }
0x5e: {  	_ =	shalt  }
0x5f: {  	_ =	shalt  }
0x60: {  	_ =	shalt  }
0x61: {  	_ =	shalt  }
0x62: {  	_ =	shalt  }
0x63: {  	_ =	shalt  }
0x64: {  	_ =	shalt  }
0x65: {  	_ =	shalt  }
0x66: {  	_ =	shalt  }
0x67: {  	_ =	shalt  }
0x68: {  	_ =	shalt  }
0x69: {  	_ =	shalt  }
0x6a: {  	_ =	shalt  }
0x6b: {  	_ =	shalt  }
0x6c: {  	_ =	shalt  }
0x6d: {  	_ =	shalt  }
0x6e: {  	_ =	shalt  }
0x6f: {  	_ =	shalt  }
0x70: {  	_ =	shalt  }
0x71: {  	_ =	shalt  }
0x72: {  	_ =	shalt  }
0x73: {  	_ =	shalt  }
0x74: {  	_ =	shalt  }
0x75: {  	_ =	shalt  }
0x76: {  	_ =	shalt  }
0x77: {  	_ =	shalt  }
0x78: {  	_ =	shalt  }
0x79: {  	_ =	shalt  }
0x7a: {  	_ =	shalt  }
0x7b: {  	_ =	shalt  }
0x7c: {  	_ =	shalt  }
0x7d: {  	_ =	shalt  }
0x7e: {  	_ =	shalt  }
0x7f: {  	_ =	shalt  }
0x80: {  	_ =	shalt  }
0x81: {  	_ =	shalt  }
0x82: {  	_ =	shalt  }
0x83: {  	_ =	shalt  }
0x84: {  	_ =	shalt  }
0x85: {  	_ =	shalt  }
0x86: {  	_ =	shalt  }
0x87: {  	_ =	shalt  }
.Lfunc_end0:
.L_simem_size_0:
called_computation.1_lowered:
.L_overlay_start_0:
0x88: {  	s2 =	sld [smem:$0x3FD9]  }
0x89: {  	s3 =	sld [smem:$0x3FFE];
	_ =	sdelay $0x1  }
0x8a: {  	s1 =	srdreg.scid  }
0x8b: {  	s0 =	sand.u32 $0x1, s1  }
0x8c: {  	s17 =	sshll.u32 s0, $0xA;
	s2 =	sadd.s32 s3, s2  }
0x8d: {  	s2 =	sadd.s32 s2, s17  }
0x8e: {  	[smem:$0x3FC3] =	sst s2  }
0x8f: {  	_ = 	snop  }
0x90: {  	s2 =	sld [smem:$0x3FD0];
	(tm) =	ssettm $0x1  }
0x91: {  	s18 =	sld [smem:$0x3FFB];
	_ =	sdelay $0x3  }
0x92: {  	_ =	strace s18  }
0x93: {  	s3 =	sld [smem:$0x3FFC];
	_ =	sdelay $0x3  }
0x94: {  	_ =	strace s3  }
0x95: {  	s3 =	sld [smem:$0x3FFD];
	_ =	sdelay $0x3  }
0x96: {  	_ =	strace s3  }
0x97: {  	_ =	strace $0x8FFFFFFF  }
0x98: {  	s19 =	sld [smem:$0x3FDB];
	_ =	sdelay $0x1  }
0x99: {  	s4 =	simm.s32 $_scs_section_size  }
0x9a: {  	s5 =	simm.s32 $_size__tile_overlayer_lowered;
	s6 =	simm.s32 $_tile_overlayer_lowered  }
0x9b: {  	s22 =	simm.s32 $0x1BFF;
	s21 =	sshll.u32 s6, $0x1;
	s3 =	sadd.s32 s4, s19  }
0x9c: {  	s7 =	simm.s32 $0x0;
	s20 =	sshll.u32 s5, $0x1;
	s5 =	sadd.s32 s21, s3  }
0x9d: {  	[timem:s7], [sflag:s22] =	dma.local [hbm:s5], s20  }
0x9e: {  	_ =	swait.ge [sflag:s22], s20  }
0x9f: {  	s4 =	ssub.s32 $0x0, s20;
	[sflag:s22] =	ssyncset.done $0x0  }
0xa0: {  	[sflag:s22] =	ssyncadd.s32 s4;
	_ =	sdelay $0x1  }
0xa1: {  	s23 =	simm.s32 $0x1B8B  }
0xa2: {  	_ =	swait.ge [sflag:s23], $0x1  }
0xa3: {  	[sflag:s23] =	ssyncset.done $0x0  }
0xa4: {  	s25 =	simm.s32 $0x1B8E;
	s24 =	sld [smem:$0x3FFE];
	[sflag:s23] =	ssyncadd.s32 $0xFFFFFFFF  }
0xa5: {  	s26 =	simm.s32 $execute0_lowered;
	[smem:$0x3FD2] =	sst s25  }
0xa6: {  	s5 =	sshll.u32 s26, $0x1;
	_ =	strace $0x80000049;
	[dreg:$0x1] =	wrdreg $0xFFFFFFFF  }
0xa7: {  	s28 =	simm.s32 $_size_execute0_lowered;
	s3 =	sadd.s32 s3, s5;
	[dreg:$0x0] =	wrdreg $0x0  }
0xa8: {  	s5 =	sshll.u32 s28, $0x1;
	[dreg:$0x2] =	wrdreg s3  }
0xa9: {  	[dreg:$0x3] =	wrdreg s5  }
0xaa: {  	[dreg:$0x4] =	wrdreg $0xC0  }
0xab: {  	_ =	task [dreg:s7], $0x5FFFF  }
0xac: {  	[dreg:$0x1] =	wrdreg $0xFFFFFFFF  }
0xad: {  	[dreg:$0x0] =	wrdreg $0x60  }
0xae: {  	[dreg:$0x2] =	wrdreg s24  }
0xaf: {  	[dreg:$0x3] =	wrdreg s2  }
0xb0: {  	[dreg:$0x4] =	wrdreg $0x9  }
0xb1: {  	_ =	task.clear_ibuf [dreg:s7], $0x5FFFF;
	_ =	strace $0x90000049  }
0xb2: {  	s29 =	simm.s32 $0x9;
	_ =	strace $0x8000004B  }
0xb3: {  	_ =	swait.ge [sflag:s29], $0x1  }
0xb4: {  	[sflag:s29] =	ssyncadd.s32 $0xFFFFFFFF  }
0xb5: {  	_ =	strace $0x9000004B  }
0xb6: {  	_ =	sfence  }
0xb7: {  	s30 =	sld [smem:$0x0];
	_ =	sdelay $0x2  }
0xb8: {  	s31 =	sshll.u32 s1, $0xD;
	s1 =	sshrl.u32 s1, $0x2  }
0xb9: {  	s3 =	sand.u32 $0x4000, s31;
	s1 =	sadd.s32 s1, s30  }
0xba: {  	s0 =	sor.u32 s3, s0;
	s1 =	sshll.u32 s1, $0x11  }
0xbb: {  	s0 =	sor.u32 s1, s0  }
0xbc: {  	s0 =	sadd.s32 $0x8F2B, s0  }
0xbd: {  	[sflag:s0] =	ssyncadd.remote.s32 $0x1  }
0xbe: {  	_ =	sfence.sel $0xFFFF  }
0xbf: {  	[dreg:$0x0] =	wrdreg $0xFFFFFFFF;
	(pc) =	sbr.abs _section_cstart, $3  }
0xc0: {  	[dreg:$0x1] =	wrdreg $0xFFFFFFFF  }
0xc1: {  	_ =	task.clear_ibuf [dreg:s7], $0x2FFFF;
	_ =	strace $0x9FFFFFFF  }
0xc2: {  	(tm) =	ssettm $0x7FFFFFFF  }
0xc3: {  	_ =	shalt  }
tec
execute0_lowered:
.L_overlay_start_1:
0x0: {  	(tag) =	ssettag $0x1  }
0x1: {  	s0 =	rddreg [dreg:$0x0]  }
0x2: {  	s3 =	rddreg [dreg:$0x1];
	s2 =	simm.s32 $0x0  }
0x3: {  	s18 =	simm.s32 $0x8A00;
	[smem:$0x7FF] =	sst s2  }
0x4: {  	s19 =	simm.s32 $0x9200;
	_ =	strace $0x8000004A;
	[dreg:$0x7] =	wrdreg s18  }
0x5: {  	s20 =	simm.s32 $0x9A00;
	[dreg:$0x8] =	wrdreg s19  }
0x6: {  	s21 =	simm.s32 $0xA200;
	[dreg:$0x9] =	wrdreg s20  }
0x7: {  	s22 =	simm.s32 $0xAA00;
	[dreg:$0xa] =	wrdreg s21  }
0x8: {  	s23 =	simm.s32 $0xB200;
	[dreg:$0xb] =	wrdreg s22  }
0x9: {  	s1 =	srdreg.scid;
	s24 =	simm.s32 $0xBA00;
	[dreg:$0xc] =	wrdreg s23  }
0xa: {  	s6 =	stileid.u32;
	s25 =	simm.s32 $0xC200;
	[dreg:$0xd] =	wrdreg s24  }
0xb: {  	s26 =	simm.s32 $0xCA00;
	s8 =	simm.s32 $0xE200;
	[dreg:$0xe] =	wrdreg s25  }
0xc: {  	s9 =	simm.s32 $0xEA00;
	s10 =	simm.s32 $0xF200;
	[dreg:$0xf] =	wrdreg s26  }
0xd: {  	s11 =	simm.s32 $0xFA00;
	s12 =	simm.s32 $0x10A00;
	[dreg:$0x12] =	wrdreg s8  }
0xe: {  	s13 =	simm.s32 $0x11200;
	s14 =	simm.s32 $0x11A00;
	[dreg:$0x13] =	wrdreg s9  }
0xf: {  	s29 =	simm.s32 $0x1;
	s30 =	simm.s32 $0x4;
	[dreg:$0x14] =	wrdreg s10  }
0x10: {  	s28 =	simm.s32 $0x7A00;
	s31 =	simm.s32 $0x10200;
	[dreg:$0x15] =	wrdreg s11  }
0x11: {  	s1 =	sand.u32 $0x1, s1;
	s5 =	sshll.u32 s6, $0x7;
	[dreg:$0x16] =	wrdreg s12  }
0x12: {  	s6 =	sshll.u32 s6, $0xF;
	s4 =	sshll.u32 s1, $0x6;
	[dreg:$0x17] =	wrdreg s13  }
0x13: {  	s7 =	sshll.u32 s1, $0xE;
	[dreg:$0x18] =	wrdreg s14;
	s18 =	simm.s32 $0x13A00  }
0x14: {  	s1 =	ssub.s32 $0x2, s1;
	s19 =	simm.s32 $0x14200;
	[dreg:$0x1c] =	wrdreg s18  }
0x15: {  	s10 =	simm.s32 $0x200;
	s20 =	simm.s32 $0x14A00;
	[dreg:$0x1d] =	wrdreg s19  }
0x16: {  	s21 =	simm.s32 $0x15200;
	s22 =	simm.s32 $0x15A00;
	[dreg:$0x1e] =	wrdreg s20  }
0x17: {  	s23 =	simm.s32 $0x16200;
	s24 =	simm.s32 $0x16A00;
	[dreg:$0x1f] =	wrdreg s21  }
0x18: {  	s25 =	simm.s32 $0x17200;
	s26 =	simm.s32 $0x17A00;
	[smem:$0x7F9] =	sst s22  }
0x19: {  	s13 =	simm.s32 $0xA00;
	s14 =	simm.s32 $0x1200;
	[smem:$0x7FA] =	sst s23  }
0x1a: {  	s4 =	sadd.s32 s4, s0;
	s15 =	sor.u32 s7, s6;
	[smem:$0x7FB] =	sst s24  }
0x1b: {  	s6 =	sshrl.u32 s1, $0x1;
	s7 =	simm.s32 $0xDA00;
	[smem:$0x7FC] =	sst s25  }
0x1c: {  	[smem:$0x7FD] =	sst s26;
	s18 =	simm.s32 $0x3200;
	s19 =	simm.s32 $0x3A00  }
0x1d: {  	s20 =	simm.s32 $0x4200;
	s21 =	simm.s32 $0x4A00;
	s22 =	simm.s32 $0x5200  }
0x1e: {  	s23 =	simm.s32 $0x5A00;
	s24 =	simm.s32 $0x6200;
	s25 =	simm.s32 $0x6A00  }
0x1f: {  	s4 =	sadd.s32 s5, s4;
	s5 =	sadd.s32 s3, s15;
	[dreg:$0x11] =	wrdreg s7  }
0x20: {  	s26 =	simm.s32 $0x7200;
	s15 =	simm.s32 $0x12200;
	[smem:$0x7F8] =	sst s5  }
0x21: {  	s1 =	ssub.s32 s1, s6;
	s4 =	sadd.s32 $0x42200, s4;
	[dreg:$0x19] =	wrdreg s15  }
0x22: {  	s6 =	sadd.s32 $0x42C00, s0;
	s3 =	sadd.s32 $0x1000, s5;
	[dreg:$0x3] =	wrdreg s4  }
0x23: {  	s7 =	sadd.s32 $0x42D00, s0;
	s16 =	sadd.s32 $0x2000, s5;
	[dreg:$0x4] =	wrdreg s3  }
0x24: {  	s17 =	sadd.s32 $0x3000, s5;
	s5 =	simm.s32 $0xD200;
	[dreg:$0x5] =	wrdreg s16  }
0x25: {  	s8 =	smax.u32 s1, $0x1;
	s1 =	simm.s32 $0x5;
	[dreg:$0x6] =	wrdreg s17  }
0x26: {  	s15 =	simm.s32 $0x1A00;
	s4 =	sadd.s32 $0x42A00, s0;
	[dreg:$0x10] =	wrdreg s5  }
0x27: {  	v2 =	vlaneseq.u32;
	s5 =	sadd.s32 $0x42B00, s0;
	s16 =	simm.s32 $0x12A00;
	s17 =	simm.s32 $0x13200  }
0x28: {  	vm0 =	vmmov $0xffff;
	v1 =	vshrl.u32 v2, $0x3;
	s0 =	simm.s32 $0x3;
	s3 =	simm.s32 $0x6;
	[dreg:$0x1a] =	wrdreg s16  }
0x29: {  	v0 =	vand.u32 $0x7, v2;
	v2 =	vor.u32 $0x8, v2;
	v1 =	vmul.u32 $0x8, v1;
	[dreg:$0x1b] =	wrdreg s17;
	s16 =	simm.s32 $0x2200;
	s17 =	simm.s32 $0x2A00  }
.LBB2_1:
0x2a: {  	s11 =	rddreg [dreg:$0x3];
	s9 =	simm.s32 $0x7  }
0x2b: {  	[tilespmem:s2], [sflag:$0x7] =	stream.linear.gather [hbm4b:s11+s2], $0x200, $0x38;
	[tilespmem:$0x18200] =	vst v63  }
0x2c: {  	_ =	swait.ge [sflag:s9], $0x200  }
0x2d: {  	[sflag:s9] =	ssyncset.done $0x0  }
0x2e: {  	[sflag:s9] =	ssyncadd.s32 $0xFFFFFE00  }
0x2f: {  	v3 =	vld [tilespmem:$0x0];
	_ =	sdelay $0x4  }
0x30: {  	v4 =	vshll.u32 v3, $0x3  }
0x31: {  	v3 =	vand.u32 $0x7, v3;
	v4 =	vand.u32 $0xFFFFFFC0, v4  }
0x32: {  	v3 =	vor.u32 v3, v4  }
0x33: {  	v4 =	vperm.xlane v3, v0;
	_ =	sdelay $0x1  }
0x34: {  	v4 =	vadd.s32 v1, v4;
	_ =	sdelay $0x4  }
0x35: {  	[tilespmem:s10], [sflag:$0x1] =	stream.indirect_vreg.gather [hbm4b:s4+s2], $0x80, v4, vm0, $0xb8;
	[tilespmem:$0x18200] =	vst v63  }
0x36: {  	v3 =	vperm.xlane v3, v2  }
0x37: {  	[tilespmem:s13], [sflag:$0x1] =	stream.indirect_vreg.gather [hbm4b:s5+s2], $0x80, v4, vm0, $0xb8;
	[tilespmem:$0x18200] =	vst v63  }
0x38: {  	v3 =	vadd.s32 v1, v3  }
0x39: {  	[tilespmem:s14], [sflag:$0x1] =	stream.indirect_vreg.gather [hbm4b:s6+s2], $0x80, v4, vm0, $0xb8;
	[tilespmem:$0x18200] =	vst v63  }
0x3a: {  	_ = 	snop  }
0x3b: {  	[tilespmem:s15], [sflag:$0x1] =	stream.indirect_vreg.gather [hbm4b:s7+s2], $0x80, v4, vm0, $0xb8;
	[tilespmem:$0x18200] =	vst v63  }
0x3c: {  	_ = 	snop  }
0x3d: {  	[tilespmem:s16], [sflag:$0x1] =	stream.indirect_vreg.gather [hbm4b:s4+s2], $0x80, v3, vm0, $0xb8;
	[tilespmem:$0x18200] =	vst v63  }
0x3e: {  	_ = 	snop  }
0x3f: {  	[tilespmem:s17], [sflag:$0x1] =	stream.indirect_vreg.gather [hbm4b:s5+s2], $0x80, v3, vm0, $0xb8;
	[tilespmem:$0x18200] =	vst v63  }
0x40: {  	_ = 	snop  }
0x41: {  	[tilespmem:s18], [sflag:$0x1] =	stream.indirect_vreg.gather [hbm4b:s6+s2], $0x80, v3, vm0, $0xb8;
	[tilespmem:$0x18200] =	vst v63  }
0x42: {  	_ = 	snop  }
0x43: {  	[tilespmem:s19], [sflag:$0x1] =	stream.indirect_vreg.gather [hbm4b:s7+s2], $0x80, v3, vm0, $0xb8;
	[tilespmem:$0x18200] =	vst v63  }
0x44: {  	v3 =	vld [tilespmem:$0x10];
	_ =	sdelay $0x4  }
0x45: {  	v57 =	vshll.u32 v3, $0x3  }
0x46: {  	v3 =	vand.u32 $0x7, v3;
	v4 =	vand.u32 $0xFFFFFFC0, v57  }
0x47: {  	v3 =	vor.u32 v3, v4  }
0x48: {  	v4 =	vperm.xlane v3, v0;
	_ =	sdelay $0x1  }
0x49: {  	v4 =	vadd.s32 v1, v4;
	_ =	sdelay $0x4  }
0x4a: {  	[tilespmem:s20], [sflag:$0x1] =	stream.indirect_vreg.gather [hbm4b:s4+s2], $0x80, v4, vm0, $0xb8;
	[tilespmem:$0x18200] =	vst v63  }
0x4b: {  	v3 =	vperm.xlane v3, v2  }
0x4c: {  	[tilespmem:s21], [sflag:$0x1] =	stream.indirect_vreg.gather [hbm4b:s5+s2], $0x80, v4, vm0, $0xb8;
	[tilespmem:$0x18200] =	vst v63  }
0x4d: {  	v3 =	vadd.s32 v1, v3  }
0x4e: {  	[tilespmem:s22], [sflag:$0x1] =	stream.indirect_vreg.gather [hbm4b:s6+s2], $0x80, v4, vm0, $0xb8;
	[tilespmem:$0x18200] =	vst v63  }
0x4f: {  	_ = 	snop  }
0x50: {  	[tilespmem:s23], [sflag:$0x1] =	stream.indirect_vreg.gather [hbm4b:s7+s2], $0x80, v4, vm0, $0xb8;
	[tilespmem:$0x18200] =	vst v63  }
0x51: {  	_ = 	snop  }
0x52: {  	[tilespmem:s24], [sflag:$0x1] =	stream.indirect_vreg.gather [hbm4b:s4+s2], $0x80, v3, vm0, $0xb8;
	[tilespmem:$0x18200] =	vst v63  }
0x53: {  	_ = 	snop  }
0x54: {  	[tilespmem:s25], [sflag:$0x1] =	stream.indirect_vreg.gather [hbm4b:s5+s2], $0x80, v3, vm0, $0xb8;
	[tilespmem:$0x18200] =	vst v63  }
0x55: {  	_ = 	snop  }
0x56: {  	[tilespmem:s26], [sflag:$0x1] =	stream.indirect_vreg.gather [hbm4b:s6+s2], $0x80, v3, vm0, $0xb8;
	[tilespmem:$0x18200] =	vst v63  }
0x57: {  	_ = 	snop  }
0x58: {  	[tilespmem:s28], [sflag:$0x1] =	stream.indirect_vreg.gather [hbm4b:s7+s2], $0x80, v3, vm0, $0xb8;
	[tilespmem:$0x18200] =	vst v63  }
0x59: {  	v3 =	vld [tilespmem:$0x80];
	_ =	sdelay $0x4  }
0x5a: {  	v58 =	vshll.u32 v3, $0x3  }
0x5b: {  	v3 =	vand.u32 $0x7, v3;
	v4 =	vand.u32 $0xFFFFFFC0, v58  }
0x5c: {  	v3 =	vor.u32 v3, v4  }
0x5d: {  	v4 =	vperm.xlane v3, v0;
	_ =	sdelay $0x1  }
0x5e: {  	v4 =	vadd.s32 v1, v4;
	_ =	sdelay $0x3  }
0x5f: {  	s9 =	simm.s32 $0x8200  }
0x60: {  	[tilespmem:s9], [sflag:$0x2] =	stream.indirect_vreg.gather [hbm4b:s4+s2], $0x80, v4, vm0, $0xb8;
	[tilespmem:$0x18200] =	vst v63  }
0x61: {  	s11 =	rddreg [dreg:$0x7];
	v3 =	vperm.xlane v3, v2  }
0x62: {  	[tilespmem:s11], [sflag:$0x2] =	stream.indirect_vreg.gather [hbm4b:s5+s2], $0x80, v4, vm0, $0xb8;
	[tilespmem:$0x18200] =	vst v63  }
0x63: {  	s12 =	rddreg [dreg:$0x8];
	v3 =	vadd.s32 v1, v3  }
0x64: {  	[tilespmem:s12], [sflag:$0x2] =	stream.indirect_vreg.gather [hbm4b:s6+s2], $0x80, v4, vm0, $0xb8;
	[tilespmem:$0x18200] =	vst v63  }
0x65: {  	s11 =	rddreg [dreg:$0x9]  }
0x66: {  	[tilespmem:s11], [sflag:$0x2] =	stream.indirect_vreg.gather [hbm4b:s7+s2], $0x80, v4, vm0, $0xb8;
	[tilespmem:$0x18200] =	vst v63  }
0x67: {  	s12 =	rddreg [dreg:$0xa]  }
0x68: {  	[tilespmem:s12], [sflag:$0x2] =	stream.indirect_vreg.gather [hbm4b:s4+s2], $0x80, v3, vm0, $0xb8;
	[tilespmem:$0x18200] =	vst v63  }
0x69: {  	s11 =	rddreg [dreg:$0xb]  }
0x6a: {  	[tilespmem:s11], [sflag:$0x2] =	stream.indirect_vreg.gather [hbm4b:s5+s2], $0x80, v3, vm0, $0xb8;
	[tilespmem:$0x18200] =	vst v63  }
0x6b: {  	s12 =	rddreg [dreg:$0xc]  }
0x6c: {  	[tilespmem:s12], [sflag:$0x2] =	stream.indirect_vreg.gather [hbm4b:s6+s2], $0x80, v3, vm0, $0xb8;
	[tilespmem:$0x18200] =	vst v63  }
0x6d: {  	s11 =	rddreg [dreg:$0xd]  }
0x6e: {  	[tilespmem:s11], [sflag:$0x2] =	stream.indirect_vreg.gather [hbm4b:s7+s2], $0x80, v3, vm0, $0xb8;
	[tilespmem:$0x18200] =	vst v63  }
0x6f: {  	v3 =	vld [tilespmem:$0x90];
	_ =	sdelay $0x4  }
0x70: {  	v59 =	vshll.u32 v3, $0x3  }
0x71: {  	v3 =	vand.u32 $0x7, v3;
	v4 =	vand.u32 $0xFFFFFFC0, v59  }
0x72: {  	v3 =	vor.u32 v3, v4  }
0x73: {  	v4 =	vperm.xlane v3, v0;
	_ =	sdelay $0x1  }
0x74: {  	v4 =	vadd.s32 v1, v4;
	_ =	sdelay $0x3  }
0x75: {  	s11 =	rddreg [dreg:$0xe]  }
0x76: {  	[tilespmem:s11], [sflag:$0x2] =	stream.indirect_vreg.gather [hbm4b:s4+s2], $0x80, v4, vm0, $0xb8;
	[tilespmem:$0x18200] =	vst v63  }
0x77: {  	s12 =	rddreg [dreg:$0xf];
	v3 =	vperm.xlane v3, v2  }
0x78: {  	[tilespmem:s12], [sflag:$0x2] =	stream.indirect_vreg.gather [hbm4b:s5+s2], $0x80, v4, vm0, $0xb8;
	[tilespmem:$0x18200] =	vst v63  }
0x79: {  	v3 =	vadd.s32 v1, v3;
	s11 =	rddreg [dreg:$0x10]  }
0x7a: {  	[tilespmem:s11], [sflag:$0x2] =	stream.indirect_vreg.gather [hbm4b:s6+s2], $0x80, v4, vm0, $0xb8;
	[tilespmem:$0x18200] =	vst v63  }
0x7b: {  	s12 =	rddreg [dreg:$0x11]  }
0x7c: {  	[tilespmem:s12], [sflag:$0x2] =	stream.indirect_vreg.gather [hbm4b:s7+s2], $0x80, v4, vm0, $0xb8;
	[tilespmem:$0x18200] =	vst v63  }
0x7d: {  	s11 =	rddreg [dreg:$0x12]  }
0x7e: {  	[tilespmem:s11], [sflag:$0x2] =	stream.indirect_vreg.gather [hbm4b:s4+s2], $0x80, v3, vm0, $0xb8;
	[tilespmem:$0x18200] =	vst v63  }
0x7f: {  	s12 =	rddreg [dreg:$0x13]  }
0x80: {  	[tilespmem:s12], [sflag:$0x2] =	stream.indirect_vreg.gather [hbm4b:s5+s2], $0x80, v3, vm0, $0xb8;
	[tilespmem:$0x18200] =	vst v63  }
0x81: {  	s11 =	rddreg [dreg:$0x14]  }
0x82: {  	[tilespmem:s11], [sflag:$0x2] =	stream.indirect_vreg.gather [hbm4b:s6+s2], $0x80, v3, vm0, $0xb8;
	[tilespmem:$0x18200] =	vst v63  }
0x83: {  	s12 =	rddreg [dreg:$0x15]  }
0x84: {  	[tilespmem:s12], [sflag:$0x2] =	stream.indirect_vreg.gather [hbm4b:s7+s2], $0x80, v3, vm0, $0xb8;
	[tilespmem:$0x18200] =	vst v63  }
0x85: {  	v3 =	vld [tilespmem:$0x100];
	_ =	sdelay $0x4  }
0x86: {  	v60 =	vshll.u32 v3, $0x3  }
0x87: {  	v3 =	vand.u32 $0x7, v3;
	v4 =	vand.u32 $0xFFFFFFC0, v60  }
0x88: {  	v3 =	vor.u32 v3, v4  }
0x89: {  	v4 =	vperm.xlane v3, v0;
	_ =	sdelay $0x1  }
0x8a: {  	v4 =	vadd.s32 v1, v4;
	_ =	sdelay $0x4  }
0x8b: {  	[tilespmem:s31], [sflag:$0x3] =	stream.indirect_vreg.gather [hbm4b:s4+s2], $0x80, v4, vm0, $0xb8;
	[tilespmem:$0x18200] =	vst v63  }
0x8c: {  	s11 =	rddreg [dreg:$0x16];
	v3 =	vperm.xlane v3, v2  }
0x8d: {  	[tilespmem:s11], [sflag:$0x3] =	stream.indirect_vreg.gather [hbm4b:s5+s2], $0x80, v4, vm0, $0xb8;
	[tilespmem:$0x18200] =	vst v63  }
0x8e: {  	s12 =	rddreg [dreg:$0x17];
	v3 =	vadd.s32 v1, v3  }
0x8f: {  	[tilespmem:s12], [sflag:$0x3] =	stream.indirect_vreg.gather [hbm4b:s6+s2], $0x80, v4, vm0, $0xb8;
	[tilespmem:$0x18200] =	vst v63  }
0x90: {  	s11 =	rddreg [dreg:$0x18]  }
0x91: {  	[tilespmem:s11], [sflag:$0x3] =	stream.indirect_vreg.gather [hbm4b:s7+s2], $0x80, v4, vm0, $0xb8;
	[tilespmem:$0x18200] =	vst v63  }
0x92: {  	s12 =	rddreg [dreg:$0x19]  }
0x93: {  	[tilespmem:s12], [sflag:$0x3] =	stream.indirect_vreg.gather [hbm4b:s4+s2], $0x80, v3, vm0, $0xb8;
	[tilespmem:$0x18200] =	vst v63  }
0x94: {  	s11 =	rddreg [dreg:$0x1a]  }
0x95: {  	[tilespmem:s11], [sflag:$0x3] =	stream.indirect_vreg.gather [hbm4b:s5+s2], $0x80, v3, vm0, $0xb8;
	[tilespmem:$0x18200] =	vst v63  }
0x96: {  	s12 =	rddreg [dreg:$0x1b]  }
0x97: {  	[tilespmem:s12], [sflag:$0x3] =	stream.indirect_vreg.gather [hbm4b:s6+s2], $0x80, v3, vm0, $0xb8;
	[tilespmem:$0x18200] =	vst v63  }
0x98: {  	s11 =	rddreg [dreg:$0x1c]  }
0x99: {  	[tilespmem:s11], [sflag:$0x3] =	stream.indirect_vreg.gather [hbm4b:s7+s2], $0x80, v3, vm0, $0xb8;
	[tilespmem:$0x18200] =	vst v63  }
0x9a: {  	v3 =	vld [tilespmem:$0x110];
	_ =	sdelay $0x4  }
0x9b: {  	v61 =	vshll.u32 v3, $0x3  }
0x9c: {  	v3 =	vand.u32 $0x7, v3;
	v4 =	vand.u32 $0xFFFFFFC0, v61  }
0x9d: {  	v3 =	vor.u32 v3, v4  }
0x9e: {  	v4 =	vperm.xlane v3, v0;
	_ =	sdelay $0x1  }
0x9f: {  	v4 =	vadd.s32 v1, v4;
	_ =	sdelay $0x2  }
0xa0: {  	s12 =	rddreg [dreg:$0x1e]  }
0xa1: {  	s11 =	rddreg [dreg:$0x1d]  }
0xa2: {  	[tilespmem:s11], [sflag:$0x3] =	stream.indirect_vreg.gather [hbm4b:s4+s2], $0x80, v4, vm0, $0xb8;
	[tilespmem:$0x18200] =	vst v63  }
0xa3: {  	v3 =	vperm.xlane v3, v2;
	s11 =	rddreg [dreg:$0x1f]  }
0xa4: {  	[tilespmem:s12], [sflag:$0x3] =	stream.indirect_vreg.gather [hbm4b:s5+s2], $0x80, v4, vm0, $0xb8;
	[tilespmem:$0x18200] =	vst v63  }
0xa5: {  	v3 =	vadd.s32 v1, v3;
	s12 =	sld [smem:$0x7F9]  }
0xa6: {  	[tilespmem:s11], [sflag:$0x3] =	stream.indirect_vreg.gather [hbm4b:s6+s2], $0x80, v4, vm0, $0xb8;
	[tilespmem:$0x18200] =	vst v63  }
0xa7: {  	s11 =	sld [smem:$0x7FA]  }
0xa8: {  	[tilespmem:s12], [sflag:$0x3] =	stream.indirect_vreg.gather [hbm4b:s7+s2], $0x80, v4, vm0, $0xb8;
	[tilespmem:$0x18200] =	vst v63  }
0xa9: {  	s12 =	sld [smem:$0x7FB]  }
0xaa: {  	[tilespmem:s11], [sflag:$0x3] =	stream.indirect_vreg.gather [hbm4b:s4+s2], $0x80, v3, vm0, $0xb8;
	[tilespmem:$0x18200] =	vst v63  }
0xab: {  	s11 =	sld [smem:$0x7FC]  }
0xac: {  	[tilespmem:s12], [sflag:$0x3] =	stream.indirect_vreg.gather [hbm4b:s5+s2], $0x80, v3, vm0, $0xb8;
	[tilespmem:$0x18200] =	vst v63  }
0xad: {  	s12 =	sld [smem:$0x7FD]  }
0xae: {  	[tilespmem:s11], [sflag:$0x3] =	stream.indirect_vreg.gather [hbm4b:s6+s2], $0x80, v3, vm0, $0xb8;
	[tilespmem:$0x18200] =	vst v63  }
0xaf: {  	_ = 	snop  }
0xb0: {  	[tilespmem:s12], [sflag:$0x3] =	stream.indirect_vreg.gather [hbm4b:s7+s2], $0x80, v3, vm0, $0xb8;
	[tilespmem:$0x18200] =	vst v63  }
0xb1: {  	_ =	swait.ge [sflag:s29], $0x8000  }
0xb2: {  	s12 =	sld [smem:$0x7F8]  }
0xb3: {  	[sflag:s29] =	ssyncset.done $0x0  }
0xb4: {  	[sflag:s29] =	ssyncadd.s32 $0xFFFF8000  }
0xb5: {  	[hbm4b:s12+s2] =	stream.linear.scatter [tilespmem:s10], [sflag:$0x4], $0x8000, $0x38;
	[tilespmem:$0x18200] =	vst v63  }
0xb6: {  	_ =	swait.ge [sflag:s30], $0x8000  }
0xb7: {  	[sflag:s30] =	ssyncset.done $0x0  }
0xb8: {  	[sflag:s30] =	ssyncadd.s32 $0xFFFF8000  }
0xb9: {  	v3 =	vld [tilespmem:$0x180];
	_ =	sdelay $0x4  }
0xba: {  	v62 =	vshll.u32 v3, $0x3  }
0xbb: {  	v3 =	vand.u32 $0x7, v3;
	v4 =	vand.u32 $0xFFFFFFC0, v62  }
0xbc: {  	v3 =	vor.u32 v3, v4  }
0xbd: {  	v4 =	vperm.xlane v3, v0;
	_ =	sdelay $0x1  }
0xbe: {  	v4 =	vadd.s32 v1, v4;
	_ =	sdelay $0x4  }
0xbf: {  	[tilespmem:s10], [sflag:$0x1] =	stream.indirect_vreg.gather [hbm4b:s4+s2], $0x80, v4, vm0, $0xb8;
	[tilespmem:$0x18200] =	vst v63  }
0xc0: {  	v3 =	vperm.xlane v3, v2  }
0xc1: {  	[tilespmem:s13], [sflag:$0x1] =	stream.indirect_vreg.gather [hbm4b:s5+s2], $0x80, v4, vm0, $0xb8;
	[tilespmem:$0x18200] =	vst v63  }
0xc2: {  	v3 =	vadd.s32 v1, v3  }
0xc3: {  	[tilespmem:s14], [sflag:$0x1] =	stream.indirect_vreg.gather [hbm4b:s6+s2], $0x80, v4, vm0, $0xb8;
	[tilespmem:$0x18200] =	vst v63  }
0xc4: {  	_ = 	snop  }
0xc5: {  	[tilespmem:s15], [sflag:$0x1] =	stream.indirect_vreg.gather [hbm4b:s7+s2], $0x80, v4, vm0, $0xb8;
	[tilespmem:$0x18200] =	vst v63  }
0xc6: {  	_ = 	snop  }
0xc7: {  	[tilespmem:s16], [sflag:$0x1] =	stream.indirect_vreg.gather [hbm4b:s4+s2], $0x80, v3, vm0, $0xb8;
	[tilespmem:$0x18200] =	vst v63  }
0xc8: {  	_ = 	snop  }
0xc9: {  	[tilespmem:s17], [sflag:$0x1] =	stream.indirect_vreg.gather [hbm4b:s5+s2], $0x80, v3, vm0, $0xb8;
	[tilespmem:$0x18200] =	vst v63  }
0xca: {  	_ = 	snop  }
0xcb: {  	[tilespmem:s18], [sflag:$0x1] =	stream.indirect_vreg.gather [hbm4b:s6+s2], $0x80, v3, vm0, $0xb8;
	[tilespmem:$0x18200] =	vst v63  }
0xcc: {  	_ = 	snop  }
0xcd: {  	[tilespmem:s19], [sflag:$0x1] =	stream.indirect_vreg.gather [hbm4b:s7+s2], $0x80, v3, vm0, $0xb8;
	[tilespmem:$0x18200] =	vst v63  }
0xce: {  	v3 =	vld [tilespmem:$0x190];
	_ =	sdelay $0x4  }
0xcf: {  	v63 =	vshll.u32 v3, $0x3  }
0xd0: {  	v3 =	vand.u32 $0x7, v3;
	v4 =	vand.u32 $0xFFFFFFC0, v63  }
0xd1: {  	v3 =	vor.u32 v3, v4  }
0xd2: {  	v4 =	vperm.xlane v3, v0;
	_ =	sdelay $0x1  }
0xd3: {  	v4 =	vadd.s32 v1, v4;
	_ =	sdelay $0x4  }
0xd4: {  	[tilespmem:s20], [sflag:$0x1] =	stream.indirect_vreg.gather [hbm4b:s4+s2], $0x80, v4, vm0, $0xb8;
	[tilespmem:$0x18200] =	vst v63  }
0xd5: {  	v3 =	vperm.xlane v3, v2  }
0xd6: {  	[tilespmem:s21], [sflag:$0x1] =	stream.indirect_vreg.gather [hbm4b:s5+s2], $0x80, v4, vm0, $0xb8;
	[tilespmem:$0x18200] =	vst v63  }
0xd7: {  	v3 =	vadd.s32 v1, v3  }
0xd8: {  	[tilespmem:s22], [sflag:$0x1] =	stream.indirect_vreg.gather [hbm4b:s6+s2], $0x80, v4, vm0, $0xb8;
	[tilespmem:$0x18200] =	vst v63  }
0xd9: {  	_ = 	snop  }
0xda: {  	[tilespmem:s23], [sflag:$0x1] =	stream.indirect_vreg.gather [hbm4b:s7+s2], $0x80, v4, vm0, $0xb8;
	[tilespmem:$0x18200] =	vst v63  }
0xdb: {  	_ = 	snop  }
0xdc: {  	[tilespmem:s24], [sflag:$0x1] =	stream.indirect_vreg.gather [hbm4b:s4+s2], $0x80, v3, vm0, $0xb8;
	[tilespmem:$0x18200] =	vst v63  }
0xdd: {  	_ = 	snop  }
0xde: {  	[tilespmem:s25], [sflag:$0x1] =	stream.indirect_vreg.gather [hbm4b:s5+s2], $0x80, v3, vm0, $0xb8;
	[tilespmem:$0x18200] =	vst v63  }
0xdf: {  	_ = 	snop  }
0xe0: {  	[tilespmem:s26], [sflag:$0x1] =	stream.indirect_vreg.gather [hbm4b:s6+s2], $0x80, v3, vm0, $0xb8;
	[tilespmem:$0x18200] =	vst v63  }
0xe1: {  	s12 =	simm.s32 $0x2  }
0xe2: {  	[tilespmem:s28], [sflag:$0x1] =	stream.indirect_vreg.gather [hbm4b:s7+s2], $0x80, v3, vm0, $0xb8;
	[tilespmem:$0x18200] =	vst v63  }
0xe3: {  	_ =	swait.ge [sflag:s12], $0x8000  }
0xe4: {  	[sflag:s12] =	ssyncset.done $0x0  }
0xe5: {  	s11 =	rddreg [dreg:$0x4];
	[sflag:s12] =	ssyncadd.s32 $0xFFFF8000  }
0xe6: {  	[hbm4b:s11+s2] =	stream.linear.scatter [tilespmem:s9], [sflag:$0x5], $0x8000, $0x38;
	[tilespmem:$0x18200] =	vst v63  }
0xe7: {  	_ =	swait.ge [sflag:s0], $0x8000  }
0xe8: {  	[sflag:s0] =	ssyncset.done $0x0  }
0xe9: {  	s9 =	rddreg [dreg:$0x5];
	[sflag:s0] =	ssyncadd.s32 $0xFFFF8000  }
0xea: {  	[hbm4b:s9+s2] =	stream.linear.scatter [tilespmem:s31], [sflag:$0x6], $0x8000, $0x38;
	[tilespmem:$0x18200] =	vst v63  }
0xeb: {  	_ =	swait.ge [sflag:s29], $0x8000  }
0xec: {  	[sflag:s29] =	ssyncset.done $0x0  }
0xed: {  	s12 =	rddreg [dreg:$0x6];
	[sflag:s29] =	ssyncadd.s32 $0xFFFF8000  }
0xee: {  	[hbm4b:s12+s2] =	stream.linear.scatter [tilespmem:s10], [sflag:$0x4], $0x8000, $0x38;
	[tilespmem:$0x18200] =	vst v63  }
0xef: {  	_ =	swait.ge [sflag:s1], $0x8000  }
0xf0: {  	[sflag:s1] =	ssyncset.done $0x0  }
0xf1: {  	[sflag:s1] =	ssyncadd.s32 $0xFFFF8000  }
0xf2: {  	p0 =	sne.s32 s8, $0x1;
	_ =	swait.ge [sflag:s3], $0x8000  }
.Ltmp0:
0xf3: {  	[sflag:s3] =	ssyncset.done $0x0;
	(pc) =	sbr.rel @p0 .LBB2_1-.Ltmp0, $4  }
0xf4: {  	[sflag:s3] =	ssyncadd.s32 $0xFFFF8000  }
0xf5: {  	_ =	swait.ge [sflag:s30], $0x8000  }
0xf6: {  	[sflag:s30] =	ssyncset.done $0x0  }
0xf7: {  	s8 =	sadd.s32 $0xFFFFFFFF, s8;
	[sflag:s30] =	ssyncadd.s32 $0xFFFF8000  }
0xf8: {  	_ =	sfence.sel $0x180000  }
0xf9: {  	[bflag:$0x0] =	sbarrier.arrive $0xFFFF  }
0xfa: {  	_ =	strace $0x9000004A  }
0xfb: {  	s0 =	stileid.u32;
	[bflag:$0x2] =	sbarrier.arrive $0xFFFF  }
0xfc: {  	p0 =	sne.s32 s0, $0x0;
	s0 =	rddreg [dreg:$0x2]  }
0xfd: {  	s0 =	sadd.s32 @!p0 $0x100000, s0  }
0xfe: {  	[sflag:s0] =	ssyncadd.tile.s32 @!p0 $0x1;
	_ =	shalt  }
.Lfunc_end2:
_tile_overlayer_lowered:
.L_overlay_start_2:
0xff: {  	(tag) =	ssettag $0x2  }
0x100: {  	s0 =	rddreg [dreg:$0x0];
	s2 =	stileid.u32  }
0x101: {  	s1 =	rddreg [dreg:$0x1];
	p0 =	sne.s32 s2, $0x0  }
0x102: {  	s3 =	rddreg [dreg:$0x2];
	[bflag:$0x3] =	sbarrier.arrive $0xFFFF;
	s2 =	simm.s32 @!p0 $0x1C07  }
0x103: {  	[timem:s3], [sflag:s2] =	dma.local @!p0 [hbm:s0], s1  }
0x104: {  	s0 =	simm.s32 @!p0 $0x7  }
0x105: {  	_ =	swait.ge @!p0 [sflag:s0], s1  }
0x106: {  	s1 =	ssub.s32 @!p0 $0x0, s1;
	[sflag:s0] =	ssyncset.done @!p0 $0x0  }
0x107: {  	[sflag:s0] =	ssyncadd.s32 @!p0 s1  }
0x108: {  	[bflag:$0x3] =	sbarrier.arrive $0xFFFF  }
0x109: {  	_ =	shalt  }

</sc_bundles>
